<compile_context>
chip_gen: v7x
topology: tpu7x:2x2x1
jax: 0.10.2.dev20260603
libtpu: 0.0.44.dev20260713+nightly
codegen_flags: <defaults>
</compile_context>

<pallas_src>
import functools

import jax
import jax.numpy as jnp
from jax.experimental import pallas as pl
from jax.experimental.pallas import tpu as pltpu
from jax.experimental.pallas import tpu_sc as plsc

_D_INP = 3584
_D_HIDE = 65536
_TOP_K = 7
_BATCH = 256
_BLK = 512
_NTOP = 7
_NPAD = 16

_BIG_I32 = 2**30

_SC_LANES = 16
_SC_WORKERS = 32
_SC_CHUNK = 128


def _enc_body(nblk, blk, x_ref, w_ref, be_ref, bd_ref, topv_ref, topi_ref,
              tv, ti, hb):
    j = pl.program_id(0)

    @pl.when(j == 0)
    def _init():
        tv[...] = jnp.full(tv.shape, -jnp.inf, dtype=tv.dtype)
        ti[...] = jnp.zeros(ti.shape, dtype=ti.dtype)

    xc = x_ref[...] - bd_ref[...]
    h = jax.lax.dot_general(
        xc, w_ref[...], (((1,), (0,)), ((), ())),
        preferred_element_type=jnp.float32,
        precision=jax.lax.Precision.DEFAULT,
    ) + be_ref[...]
    hb[...] = h

    b = h.shape[0]
    col = jax.lax.broadcasted_iota(jnp.int32, (b, blk), 1) + j * blk
    lane = jax.lax.broadcasted_iota(jnp.int32, (b, _NTOP), 1)

    def _maxarg():
        hv = hb[...]
        m = jnp.max(hv, axis=1, keepdims=True)
        am = jnp.min(jnp.where(hv == m, col, _BIG_I32), axis=1, keepdims=True)
        return m, am

    m0, am0 = _maxarg()
    go0 = jnp.any(m0 > tv[:, _NTOP - 1:_NTOP])

    def _round(carry):
        m, am, _ = carry
        tvv = tv[...]
        tii = ti[...]
        pos = jnp.sum((tvv >= m).astype(jnp.int32), axis=1, keepdims=True)
        sh_v = jnp.concatenate([tvv[:, :1], tvv[:, :_NTOP - 1]], axis=1)
        sh_i = jnp.concatenate([tii[:, :1], tii[:, :_NTOP - 1]], axis=1)
        nv = jnp.where(lane < pos, tvv, jnp.where(lane == pos, m, sh_v))
        ni = jnp.where(lane < pos, tii, jnp.where(lane == pos, am, sh_i))
        tv[...] = nv
        ti[...] = ni
        hb[...] = jnp.where(col == am, -jnp.inf, hb[...])
        m2, am2 = _maxarg()
        go2 = jnp.any(m2 > nv[:, _NTOP - 1:_NTOP])
        return m2, am2, go2

    jax.lax.while_loop(lambda c: c[2], _round, (m0, am0, go0))

    @pl.when(j == nblk - 1)
    def _emit():
        b_ = tv.shape[0]
        padv = jnp.full((b_, _NPAD - _NTOP), -jnp.inf, dtype=jnp.float32)
        padi = jnp.zeros((b_, _NPAD - _NTOP), dtype=jnp.int32)
        topv_ref[...] = jnp.concatenate([tv[...], padv], axis=1)
        topi_ref[...] = jnp.concatenate([ti[...], padi], axis=1)


def _feat_body(blk, top_k, topv_ref, topi_ref, feat_ref):
    j = pl.program_id(0)
    b = feat_ref.shape[0]
    col = jax.lax.broadcasted_iota(jnp.int32, (b, blk), 1) + j * blk
    f = jnp.zeros((b, blk), dtype=jnp.float32)
    for k in range(top_k):
        v = jax.nn.relu(topv_ref[:, k:k + 1])
        i = topi_ref[:, k:k + 1]
        f = jnp.where(col == i, v, f)
    feat_ref[...] = f


def _splat_lane(vec16, k):
    idx = jnp.full((_SC_LANES, 1), k, dtype=jnp.int32)
    return jax.lax.gather(
        vec16, idx,
        jax.lax.GatherDimensionNumbers(
            offset_dims=(), collapsed_slice_dims=(0,), start_index_map=(0,)),
        (1,), mode=jax.lax.GatherScatterMode.PROMISE_IN_BOUNDS)


def _sc_dec_body(nchunk, d_inp, top_k, rows_per,
                 w1_hbm, tv_hbm, ti_hbm, base_hbm, bd_hbm, o_hbm,
                 tv_v, ti_v, base_v, bd_v, acc_v, idx0, idx1, g0, g1,
                 sem0, sem1):
    wid = jax.lax.axis_index("s") * 2 + jax.lax.axis_index("c")
    rows0 = wid * rows_per
    pltpu.sync_copy(tv_hbm.at[pl.ds(rows0, rows_per)], tv_v)
    pltpu.sync_copy(ti_hbm.at[pl.ds(rows0, rows_per)], ti_v)
    pltpu.sync_copy(base_hbm, base_v)
    pltpu.sync_copy(bd_hbm, bd_v)

    idx_bufs = (idx0, idx1)
    g_bufs = (g0, g1)
    sems = (sem0, sem1)

    def build_and_fire(r, k, kbuf):
        ib = idx_bufs[kbuf]
        col16 = _splat_lane(ti_v[r], k)

        @pl.loop(0, nchunk)
        def _(c):
            for u in range(8):
                s = pl.ds(u * _SC_LANES, _SC_LANES)
                ib[c, s] = base_v[c, s] + col16

        @pl.loop(0, nchunk)
        def _(c):
            pltpu.make_async_copy(
                w1_hbm.at[ib.at[c]],
                g_bufs[kbuf].at[pl.ds(c * _SC_CHUNK, _SC_CHUNK)],
                sems[kbuf]).start()

    def drain_and_fma(r, k, kbuf):
        pltpu.make_async_copy(bd_hbm, g_bufs[kbuf], sems[kbuf]).wait()
        vk16 = jnp.maximum(_splat_lane(tv_v[r], k), 0.0)
        g = g_bufs[kbuf]

        @pl.loop(0, d_inp, step=64)
        def _(c):
            for u in range(4):
                s = pl.ds(c + u * _SC_LANES, _SC_LANES)
                acc_v[s] = acc_v[s] + vk16 * g[s]

    @pl.loop(0, rows_per)
    def _row(r):
        @pl.loop(0, d_inp, step=64)
        def _(c):
            for u in range(4):
                s = pl.ds(c + u * _SC_LANES, _SC_LANES)
                acc_v[s] = bd_v[s]

        build_and_fire(r, 0, 0)
        for k in range(top_k):
            if k + 1 < top_k:
                build_and_fire(r, k + 1, (k + 1) % 2)
            drain_and_fma(r, k, k % 2)
        pltpu.sync_copy(acc_v, o_hbm.at[rows0 + r])


def _sc_decode(topv, topi, W_enc, b_dec):
    batch = topv.shape[0]
    d_inp, d_hide = W_enc.shape
    rows_per = batch // _SC_WORKERS
    nchunk = d_inp // _SC_CHUNK
    w1 = W_enc.reshape(-1)
    base = (jnp.arange(d_inp, dtype=jnp.int32) * d_hide).reshape(
        nchunk, _SC_CHUNK)
    mesh = plsc.VectorSubcoreMesh(core_axis_name="c", subcore_axis_name="s")
    f = pl.kernel(
        functools.partial(_sc_dec_body, nchunk, d_inp, _TOP_K, rows_per),
        out_type=jax.ShapeDtypeStruct((batch, d_inp), jnp.float32),
        mesh=mesh,
        scratch_types=[
            pltpu.VMEM((rows_per, _NPAD), jnp.float32),
            pltpu.VMEM((rows_per, _NPAD), jnp.int32),
            pltpu.VMEM((nchunk, _SC_CHUNK), jnp.int32),
            pltpu.VMEM((d_inp,), jnp.float32),
            pltpu.VMEM((d_inp,), jnp.float32),
            pltpu.VMEM((nchunk, _SC_CHUNK), jnp.int32),
            pltpu.VMEM((nchunk, _SC_CHUNK), jnp.int32),
            pltpu.VMEM((d_inp,), jnp.float32),
            pltpu.VMEM((d_inp,), jnp.float32),
            pltpu.SemaphoreType.DMA,
            pltpu.SemaphoreType.DMA,
        ],
    )
    return f(w1, topv, topi, base, b_dec)


def _run(x, W_enc, b_enc, b_dec, blk, top_k, interpret=False):
    batch, d_inp = x.shape
    d_hide = W_enc.shape[1]
    nblk = d_hide // blk
    be2 = b_enc.reshape(1, d_hide)
    bd2 = b_dec.reshape(1, d_inp)

    topv, topi = pl.pallas_call(
        functools.partial(_enc_body, nblk, blk),
        grid=(nblk,),
        in_specs=[
            pl.BlockSpec((batch, d_inp), lambda j: (0, 0)),
            pl.BlockSpec((d_inp, blk), lambda j: (0, j)),
            pl.BlockSpec((1, blk), lambda j: (0, j)),
            pl.BlockSpec((1, d_inp), lambda j: (0, 0)),
        ],
        out_specs=[
            pl.BlockSpec((batch, _NPAD), lambda j: (0, 0)),
            pl.BlockSpec((batch, _NPAD), lambda j: (0, 0)),
        ],
        out_shape=[
            jax.ShapeDtypeStruct((batch, _NPAD), jnp.float32),
            jax.ShapeDtypeStruct((batch, _NPAD), jnp.int32),
        ],
        scratch_shapes=[
            pltpu.VMEM((batch, _NTOP), jnp.float32),
            pltpu.VMEM((batch, _NTOP), jnp.int32),
            pltpu.VMEM((batch, blk), jnp.float32),
        ],
        interpret=interpret,
    )(x, W_enc, be2, bd2)

    feat = pl.pallas_call(
        functools.partial(_feat_body, blk, top_k),
        grid=(nblk,),
        in_specs=[
            pl.BlockSpec((batch, _NPAD), lambda j: (0, 0)),
            pl.BlockSpec((batch, _NPAD), lambda j: (0, 0)),
        ],
        out_specs=pl.BlockSpec((batch, blk), lambda j: (0, j)),
        out_shape=jax.ShapeDtypeStruct((batch, d_hide), jnp.float32),
        interpret=interpret,
    )(topv, topi)

    recon = _sc_decode(topv, topi, W_enc, b_dec)
    return recon, feat


def kernel(x, W_enc, b_enc, b_dec):
    return _run(x, W_enc, b_enc, b_dec, _BLK, _TOP_K)

# --- scband reference (transcript-rebuilt; emitter-appended) ---
"""Pipeline reference for scband-top-ksae-85718957293620 (READ-ONLY COPY).

The authoritative reference and input builder live on the scoring server;
editing this copy changes nothing except your own understanding.
"""

import jax, jax.numpy as jnp
import numpy as np

D_INP = 3584
D_HIDE = 65536
TOP_K = 7
BATCH = 256


def setup_inputs(seed: int = 0) -> dict:
    key = jax.random.key(seed)
    k1, k2 = jax.random.split(key)
    x = jax.random.normal(k1, (BATCH, D_INP), dtype=jnp.float32)
    # kaiming_uniform_ on W_enc of shape (d_inp, d_hide): torch fan_in = d_hide
    bound = float(np.sqrt(6.0 / D_HIDE))
    W_enc = jax.random.uniform(k2, (D_INP, D_HIDE), minval=-bound, maxval=bound, dtype=jnp.float32)
    b_enc = jnp.zeros((D_HIDE,), dtype=jnp.float32)
    b_dec = jnp.zeros((D_INP,), dtype=jnp.float32)
    return {"x": x, "W_enc": W_enc, "b_enc": b_enc, "b_dec": b_dec}


def reference(x, W_enc, b_enc, b_dec):
    # encode
    h = (x - b_dec) @ W_enc + b_enc
    # top-k binary mask per row
    _, idx = jax.lax.top_k(h, TOP_K)
    rows = jnp.arange(h.shape[0])[:, None]
    mask = jnp.zeros_like(h).at[rows, idx].set(1.0)
    features = jax.nn.relu(h * mask)
    # decode (tied weights)
    reconstructed = features @ W_enc.T + b_dec
    return (reconstructed, features)

if __name__ == "__main__":
    import jax
    _d = setup_inputs()
    print(jax.jit(kernel)(*tuple(_d.values())))

</pallas_src>

<mosaic_0001>
#map = affine_map<(d0, d1) -> (0)>
#map1 = affine_map<(d0, d1) -> (0, 0)>
module attributes {stable_mosaic.version = 14 : i64} {
  func.func @_sc_dec_body(%arg0: i32, %arg1: i32, %arg2: memref<234881024xf32, #tpu.memory_space<hbm>>, %arg3: memref<256x16xf32, #tpu.memory_space<hbm>>, %arg4: memref<256x16xi32, #tpu.memory_space<hbm>>, %arg5: memref<28x128xi32, #tpu.memory_space<hbm>>, %arg6: memref<3584xf32, #tpu.memory_space<hbm>>, %arg7: memref<256x3584xf32, #tpu.memory_space<hbm>>, %arg8: memref<8x16xf32, #tpu.memory_space<vmem>>, %arg9: memref<8x16xi32, #tpu.memory_space<vmem>>, %arg10: memref<28x128xi32, #tpu.memory_space<vmem>>, %arg11: memref<3584xf32, #tpu.memory_space<vmem>>, %arg12: memref<3584xf32, #tpu.memory_space<vmem>>, %arg13: memref<28x128xi32, #tpu.memory_space<vmem>>, %arg14: memref<28x128xi32, #tpu.memory_space<vmem>>, %arg15: memref<3584xf32, #tpu.memory_space<vmem>>, %arg16: memref<3584xf32, #tpu.memory_space<vmem>>, %arg17: memref<!tpu.dma_semaphore, #tpu.memory_space<semaphore_mem>>, %arg18: memref<!tpu.dma_semaphore, #tpu.memory_space<semaphore_mem>>) attributes {dimension_semantics = [#tpu.dimension_semantics<core_parallel>, #tpu.dimension_semantics<subcore_parallel>], iteration_bounds = array<i64: 2, 16>, scalar_prefetch = 0 : i64, scratch_operands = 11 : i64, tpu.core_type = #tpu.core_type<sc_vector_subcore>, window_params = [{transform_indices = #map}, {transform_indices = #map1}, {transform_indices = #map1}, {transform_indices = #map1}, {transform_indices = #map}, {transform_indices = #map1}]} {
    %mul3A = arith.constant 2 : i32
    %mul3A_0 = arith.muli %arg1, %mul3A : i32
    %add3A = arith.addi %mul3A_0, %arg0 : i32
    %mul3A_1 = arith.constant 8 : i32
    %mul3A_2 = arith.muli %add3A, %mul3A_1 : i32
    "tpu.region"() ({
      %run_scoped3A = tpu.sem_alloc : memref<!tpu.dma_semaphore, #tpu.memory_space<semaphore_mem>>
      %dma_start3A = arith.constant 0 : i32
      %dma_start3A_7 = tpu.memref_slice %arg3[%mul3A_2, %dma_start3A] : memref<256x16xf32, #tpu.memory_space<hbm>> -> memref<8x16xf32, #tpu.memory_space<hbm>>
      %dma_start3A_8 = arith.constant 0 : i32
      %dma_start3A_9 = tpu.memref_slice %arg3[%mul3A_2, %dma_start3A_8] : memref<256x16xf32, #tpu.memory_space<hbm>> -> memref<8x16xf32, #tpu.memory_space<hbm>>
      tpu.enqueue_dma source(%dma_start3A_9 : memref<8x16xf32, #tpu.memory_space<hbm>>) target(%arg8 : memref<8x16xf32, #tpu.memory_space<vmem>>) target_semaphore(%run_scoped3A : memref<!tpu.dma_semaphore, #tpu.memory_space<semaphore_mem>>)
      %dma_wait3A = arith.constant 0 : i32
      %dma_wait3A_10 = tpu.memref_slice %arg3[%mul3A_2, %dma_wait3A] : memref<256x16xf32, #tpu.memory_space<hbm>> -> memref<8x16xf32, #tpu.memory_space<hbm>>
      %dma_wait3A_11 = arith.constant 0 : i32
      %dma_wait3A_12 = tpu.memref_slice %arg3[%mul3A_2, %dma_wait3A_11] : memref<256x16xf32, #tpu.memory_space<hbm>> -> memref<8x16xf32, #tpu.memory_space<hbm>>
      tpu.wait_dma2 semaphore(%run_scoped3A : memref<!tpu.dma_semaphore, #tpu.memory_space<semaphore_mem>>) src(%dma_wait3A_12 : memref<8x16xf32, #tpu.memory_space<hbm>>) dst(%arg8 : memref<8x16xf32, #tpu.memory_space<vmem>>)
      tpu.yield
    }) : () -> ()
    "tpu.region"() ({
      %run_scoped3A = tpu.sem_alloc : memref<!tpu.dma_semaphore, #tpu.memory_space<semaphore_mem>>
      %dma_start3A = arith.constant 0 : i32
      %dma_start3A_7 = tpu.memref_slice %arg4[%mul3A_2, %dma_start3A] : memref<256x16xi32, #tpu.memory_space<hbm>> -> memref<8x16xi32, #tpu.memory_space<hbm>>
      %dma_start3A_8 = arith.constant 0 : i32
      %dma_start3A_9 = tpu.memref_slice %arg4[%mul3A_2, %dma_start3A_8] : memref<256x16xi32, #tpu.memory_space<hbm>> -> memref<8x16xi32, #tpu.memory_space<hbm>>
      tpu.enqueue_dma source(%dma_start3A_9 : memref<8x16xi32, #tpu.memory_space<hbm>>) target(%arg9 : memref<8x16xi32, #tpu.memory_space<vmem>>) target_semaphore(%run_scoped3A : memref<!tpu.dma_semaphore, #tpu.memory_space<semaphore_mem>>)
      %dma_wait3A = arith.constant 0 : i32
      %dma_wait3A_10 = tpu.memref_slice %arg4[%mul3A_2, %dma_wait3A] : memref<256x16xi32, #tpu.memory_space<hbm>> -> memref<8x16xi32, #tpu.memory_space<hbm>>
      %dma_wait3A_11 = arith.constant 0 : i32
      %dma_wait3A_12 = tpu.memref_slice %arg4[%mul3A_2, %dma_wait3A_11] : memref<256x16xi32, #tpu.memory_space<hbm>> -> memref<8x16xi32, #tpu.memory_space<hbm>>
      tpu.wait_dma2 semaphore(%run_scoped3A : memref<!tpu.dma_semaphore, #tpu.memory_space<semaphore_mem>>) src(%dma_wait3A_12 : memref<8x16xi32, #tpu.memory_space<hbm>>) dst(%arg9 : memref<8x16xi32, #tpu.memory_space<vmem>>)
      tpu.yield
    }) : () -> ()
    "tpu.region"() ({
      %run_scoped3A = tpu.sem_alloc : memref<!tpu.dma_semaphore, #tpu.memory_space<semaphore_mem>>
      tpu.enqueue_dma source(%arg5 : memref<28x128xi32, #tpu.memory_space<hbm>>) target(%arg10 : memref<28x128xi32, #tpu.memory_space<vmem>>) target_semaphore(%run_scoped3A : memref<!tpu.dma_semaphore, #tpu.memory_space<semaphore_mem>>)
      tpu.wait_dma2 semaphore(%run_scoped3A : memref<!tpu.dma_semaphore, #tpu.memory_space<semaphore_mem>>) src(%arg5 : memref<28x128xi32, #tpu.memory_space<hbm>>) dst(%arg10 : memref<28x128xi32, #tpu.memory_space<vmem>>)
      tpu.yield
    }) : () -> ()
    "tpu.region"() ({
      %run_scoped3A = tpu.sem_alloc : memref<!tpu.dma_semaphore, #tpu.memory_space<semaphore_mem>>
      tpu.enqueue_dma source(%arg6 : memref<3584xf32, #tpu.memory_space<hbm>>) target(%arg11 : memref<3584xf32, #tpu.memory_space<vmem>>) target_semaphore(%run_scoped3A : memref<!tpu.dma_semaphore, #tpu.memory_space<semaphore_mem>>)
      tpu.wait_dma2 semaphore(%run_scoped3A : memref<!tpu.dma_semaphore, #tpu.memory_space<semaphore_mem>>) src(%arg6 : memref<3584xf32, #tpu.memory_space<hbm>>) dst(%arg11 : memref<3584xf32, #tpu.memory_space<vmem>>)
      tpu.yield
    }) : () -> ()
    %scan3A = arith.constant 0 : i32
    %scan3A_3 = arith.constant 8 : i32
    %scan3A_4 = arith.addi %scan3A, %scan3A_3 : i32
    %scan3A_5 = arith.constant 1 : i32
    scf.for %scan3A_7 = %scan3A to %scan3A_4 step %scan3A_5  : i32 {
      %mul3A_8 = arith.constant 1 : i32
      %mul3A_9 = arith.muli %scan3A_7, %mul3A_8 : i32
      %add3A_10 = arith.constant 0 : i32
      %add3A_11 = arith.addi %add3A_10, %mul3A_9 : i32
      %scan3A_12 = arith.constant 0 : i32
      %scan3A_13 = arith.constant 56 : i32
      %scan3A_14 = arith.addi %scan3A_12, %scan3A_13 : i32
      %scan3A_15 = arith.constant 1 : i32
      scf.for %scan3A_252 = %scan3A_12 to %scan3A_14 step %scan3A_15  : i32 {
        %mul3A_253 = arith.constant 64 : i32
        %mul3A_254 = arith.muli %scan3A_252, %mul3A_253 : i32
        %add3A_255 = arith.constant 0 : i32
        %add3A_256 = arith.addi %add3A_255, %mul3A_254 : i32
        %add3A_257 = arith.constant 0 : i32
        %add3A_258 = arith.addi %add3A_256, %add3A_257 : i32
        %get3A_259 = arith.index_cast %add3A_258 : i32 to index
        %get3A_260 = tpu.vector_load %arg11[%get3A_259] {strides = array<i32>} : memref<3584xf32, #tpu.memory_space<vmem>>, vector<16xf32>,
        %get3A_261 = vector.shape_cast %get3A_260 : vector<16xf32> to vector<16xf32>
        %swap3A = arith.index_cast %add3A_258 : i32 to index
        %swap3A_262 = tpu.vector_load %arg12[%swap3A] {strides = array<i32>} : memref<3584xf32, #tpu.memory_space<vmem>>, vector<16xf32>,
        %swap3A_263 = vector.shape_cast %swap3A_262 : vector<16xf32> to vector<16xf32>
        %swap3A_264 = vector.shape_cast %get3A_261 : vector<16xf32> to vector<16xf32>
        tpu.vector_store %arg12[%swap3A], %swap3A_264 {strides = array<i32>} : memref<3584xf32, #tpu.memory_space<vmem>>, vector<16xf32>,
        %add3A_265 = arith.constant 16 : i32
        %add3A_266 = arith.addi %add3A_256, %add3A_265 : i32
        %get3A_267 = arith.index_cast %add3A_266 : i32 to index
        %get3A_268 = tpu.vector_load %arg11[%get3A_267] {strides = array<i32>} : memref<3584xf32, #tpu.memory_space<vmem>>, vector<16xf32>,
        %get3A_269 = vector.shape_cast %get3A_268 : vector<16xf32> to vector<16xf32>
        %swap3A_270 = arith.index_cast %add3A_266 : i32 to index
        %swap3A_271 = tpu.vector_load %arg12[%swap3A_270] {strides = array<i32>} : memref<3584xf32, #tpu.memory_space<vmem>>, vector<16xf32>,
        %swap3A_272 = vector.shape_cast %swap3A_271 : vector<16xf32> to vector<16xf32>
        %swap3A_273 = vector.shape_cast %get3A_269 : vector<16xf32> to vector<16xf32>
        tpu.vector_store %arg12[%swap3A_270], %swap3A_273 {strides = array<i32>} : memref<3584xf32, #tpu.memory_space<vmem>>, vector<16xf32>,
        %add3A_274 = arith.constant 32 : i32
        %add3A_275 = arith.addi %add3A_256, %add3A_274 : i32
        %get3A_276 = arith.index_cast %add3A_275 : i32 to index
        %get3A_277 = tpu.vector_load %arg11[%get3A_276] {strides = array<i32>} : memref<3584xf32, #tpu.memory_space<vmem>>, vector<16xf32>,
        %get3A_278 = vector.shape_cast %get3A_277 : vector<16xf32> to vector<16xf32>
        %swap3A_279 = arith.index_cast %add3A_275 : i32 to index
        %swap3A_280 = tpu.vector_load %arg12[%swap3A_279] {strides = array<i32>} : memref<3584xf32, #tpu.memory_space<vmem>>, vector<16xf32>,
        %swap3A_281 = vector.shape_cast %swap3A_280 : vector<16xf32> to vector<16xf32>
        %swap3A_282 = vector.shape_cast %get3A_278 : vector<16xf32> to vector<16xf32>
        tpu.vector_store %arg12[%swap3A_279], %swap3A_282 {strides = array<i32>} : memref<3584xf32, #tpu.memory_space<vmem>>, vector<16xf32>,
        %add3A_283 = arith.constant 48 : i32
        %add3A_284 = arith.addi %add3A_256, %add3A_283 : i32
        %get3A_285 = arith.index_cast %add3A_284 : i32 to index
        %get3A_286 = tpu.vector_load %arg11[%get3A_285] {strides = array<i32>} : memref<3584xf32, #tpu.memory_space<vmem>>, vector<16xf32>,
        %get3A_287 = vector.shape_cast %get3A_286 : vector<16xf32> to vector<16xf32>
        %swap3A_288 = arith.index_cast %add3A_284 : i32 to index
        %swap3A_289 = tpu.vector_load %arg12[%swap3A_288] {strides = array<i32>} : memref<3584xf32, #tpu.memory_space<vmem>>, vector<16xf32>,
        %swap3A_290 = vector.shape_cast %swap3A_289 : vector<16xf32> to vector<16xf32>
        %swap3A_291 = vector.shape_cast %get3A_287 : vector<16xf32> to vector<16xf32>
        tpu.vector_store %arg12[%swap3A_288], %swap3A_291 {strides = array<i32>} : memref<3584xf32, #tpu.memory_space<vmem>>, vector<16xf32>,
      }
      %scan3A_16 = arith.constant 56 : i32
      %get3A = arith.index_cast %add3A_11 : i32 to index
      %get3A_17 = arith.constant 0 : index
      %get3A_18 = tpu.vector_load %arg9[%get3A, %get3A_17] {strides = array<i32>} : memref<8x16xi32, #tpu.memory_space<vmem>>, vector<1x16xi32>,
      %get3A_19 = vector.shape_cast %get3A_18 : vector<1x16xi32> to vector<16xi32>
      %broadcast_in_dim3A = arith.constant 0 : i32
      %broadcast_in_dim3A_20 = vector.broadcast %broadcast_in_dim3A : i32 to vector<16x1xi32>
      %gather3A = vector.shape_cast %broadcast_in_dim3A_20 : vector<16x1xi32> to vector<16xi32>
      %gather3A_21 = tpu.dynamic_gather %get3A_19[%gather3A] in [0] : vector<16xi32>, vector<16xi32> -> vector<16xi32>
      %scan3A_22 = arith.constant 0 : i32
      %scan3A_23 = arith.constant 28 : i32
      %scan3A_24 = arith.addi %scan3A_22, %scan3A_23 : i32
      %scan3A_25 = arith.constant 1 : i32
      scf.for %scan3A_252 = %scan3A_22 to %scan3A_24 step %scan3A_25  : i32 {
        %mul3A_253 = arith.constant 1 : i32
        %mul3A_254 = arith.muli %scan3A_252, %mul3A_253 : i32
        %add3A_255 = arith.constant 0 : i32
        %add3A_256 = arith.addi %add3A_255, %mul3A_254 : i32
        %get3A_257 = arith.index_cast %add3A_256 : i32 to index
        %get3A_258 = arith.constant 0 : index
        %get3A_259 = tpu.vector_load %arg10[%get3A_257, %get3A_258] {strides = array<i32>} : memref<28x128xi32, #tpu.memory_space<vmem>>, vector<1x16xi32>,
        %get3A_260 = vector.shape_cast %get3A_259 : vector<1x16xi32> to vector<16xi32>
        %add3A_261 = arith.addi %get3A_260, %gather3A_21 : vector<16xi32>
        %swap3A = arith.index_cast %add3A_256 : i32 to index
        %swap3A_262 = arith.constant 0 : index
        %swap3A_263 = tpu.vector_load %arg13[%swap3A, %swap3A_262] {strides = array<i32>} : memref<28x128xi32, #tpu.memory_space<vmem>>, vector<1x16xi32>,
        %swap3A_264 = vector.shape_cast %swap3A_263 : vector<1x16xi32> to vector<16xi32>
        %swap3A_265 = vector.shape_cast %add3A_261 : vector<16xi32> to vector<1x16xi32>
        tpu.vector_store %arg13[%swap3A, %swap3A_262], %swap3A_265 {strides = array<i32>} : memref<28x128xi32, #tpu.memory_space<vmem>>, vector<1x16xi32>,
        %get3A_266 = arith.index_cast %add3A_256 : i32 to index
        %get3A_267 = arith.constant 16 : index
        %get3A_268 = tpu.vector_load %arg10[%get3A_266, %get3A_267] {strides = array<i32>} : memref<28x128xi32, #tpu.memory_space<vmem>>, vector<1x16xi32>,
        %get3A_269 = vector.shape_cast %get3A_268 : vector<1x16xi32> to vector<16xi32>
        %add3A_270 = arith.addi %get3A_269, %gather3A_21 : vector<16xi32>
        %swap3A_271 = arith.index_cast %add3A_256 : i32 to index
        %swap3A_272 = arith.constant 16 : index
        %swap3A_273 = tpu.vector_load %arg13[%swap3A_271, %swap3A_272] {strides = array<i32>} : memref<28x128xi32, #tpu.memory_space<vmem>>, vector<1x16xi32>,
        %swap3A_274 = vector.shape_cast %swap3A_273 : vector<1x16xi32> to vector<16xi32>
        %swap3A_275 = vector.shape_cast %add3A_270 : vector<16xi32> to vector<1x16xi32>
        tpu.vector_store %arg13[%swap3A_271, %swap3A_272], %swap3A_275 {strides = array<i32>} : memref<28x128xi32, #tpu.memory_space<vmem>>, vector<1x16xi32>,
        %get3A_276 = arith.index_cast %add3A_256 : i32 to index
        %get3A_277 = arith.constant 32 : index
        %get3A_278 = tpu.vector_load %arg10[%get3A_276, %get3A_277] {strides = array<i32>} : memref<28x128xi32, #tpu.memory_space<vmem>>, vector<1x16xi32>,
        %get3A_279 = vector.shape_cast %get3A_278 : vector<1x16xi32> to vector<16xi32>
        %add3A_280 = arith.addi %get3A_279, %gather3A_21 : vector<16xi32>
        %swap3A_281 = arith.index_cast %add3A_256 : i32 to index
        %swap3A_282 = arith.constant 32 : index
        %swap3A_283 = tpu.vector_load %arg13[%swap3A_281, %swap3A_282] {strides = array<i32>} : memref<28x128xi32, #tpu.memory_space<vmem>>, vector<1x16xi32>,
        %swap3A_284 = vector.shape_cast %swap3A_283 : vector<1x16xi32> to vector<16xi32>
        %swap3A_285 = vector.shape_cast %add3A_280 : vector<16xi32> to vector<1x16xi32>
        tpu.vector_store %arg13[%swap3A_281, %swap3A_282], %swap3A_285 {strides = array<i32>} : memref<28x128xi32, #tpu.memory_space<vmem>>, vector<1x16xi32>,
        %get3A_286 = arith.index_cast %add3A_256 : i32 to index
        %get3A_287 = arith.constant 48 : index
        %get3A_288 = tpu.vector_load %arg10[%get3A_286, %get3A_287] {strides = array<i32>} : memref<28x128xi32, #tpu.memory_space<vmem>>, vector<1x16xi32>,
        %get3A_289 = vector.shape_cast %get3A_288 : vector<1x16xi32> to vector<16xi32>
        %add3A_290 = arith.addi %get3A_289, %gather3A_21 : vector<16xi32>
        %swap3A_291 = arith.index_cast %add3A_256 : i32 to index
        %swap3A_292 = arith.constant 48 : index
        %swap3A_293 = tpu.vector_load %arg13[%swap3A_291, %swap3A_292] {strides = array<i32>} : memref<28x128xi32, #tpu.memory_space<vmem>>, vector<1x16xi32>,
        %swap3A_294 = vector.shape_cast %swap3A_293 : vector<1x16xi32> to vector<16xi32>
        %swap3A_295 = vector.shape_cast %add3A_290 : vector<16xi32> to vector<1x16xi32>
        tpu.vector_store %arg13[%swap3A_291, %swap3A_292], %swap3A_295 {strides = array<i32>} : memref<28x128xi32, #tpu.memory_space<vmem>>, vector<1x16xi32>,
        %get3A_296 = arith.index_cast %add3A_256 : i32 to index
        %get3A_297 = arith.constant 64 : index
        %get3A_298 = tpu.vector_load %arg10[%get3A_296, %get3A_297] {strides = array<i32>} : memref<28x128xi32, #tpu.memory_space<vmem>>, vector<1x16xi32>,
        %get3A_299 = vector.shape_cast %get3A_298 : vector<1x16xi32> to vector<16xi32>
        %add3A_300 = arith.addi %get3A_299, %gather3A_21 : vector<16xi32>
        %swap3A_301 = arith.index_cast %add3A_256 : i32 to index
        %swap3A_302 = arith.constant 64 : index
        %swap3A_303 = tpu.vector_load %arg13[%swap3A_301, %swap3A_302] {strides = array<i32>} : memref<28x128xi32, #tpu.memory_space<vmem>>, vector<1x16xi32>,
        %swap3A_304 = vector.shape_cast %swap3A_303 : vector<1x16xi32> to vector<16xi32>
        %swap3A_305 = vector.shape_cast %add3A_300 : vector<16xi32> to vector<1x16xi32>
        tpu.vector_store %arg13[%swap3A_301, %swap3A_302], %swap3A_305 {strides = array<i32>} : memref<28x128xi32, #tpu.memory_space<vmem>>, vector<1x16xi32>,
        %get3A_306 = arith.index_cast %add3A_256 : i32 to index
        %get3A_307 = arith.constant 80 : index
        %get3A_308 = tpu.vector_load %arg10[%get3A_306, %get3A_307] {strides = array<i32>} : memref<28x128xi32, #tpu.memory_space<vmem>>, vector<1x16xi32>,
        %get3A_309 = vector.shape_cast %get3A_308 : vector<1x16xi32> to vector<16xi32>
        %add3A_310 = arith.addi %get3A_309, %gather3A_21 : vector<16xi32>
        %swap3A_311 = arith.index_cast %add3A_256 : i32 to index
        %swap3A_312 = arith.constant 80 : index
        %swap3A_313 = tpu.vector_load %arg13[%swap3A_311, %swap3A_312] {strides = array<i32>} : memref<28x128xi32, #tpu.memory_space<vmem>>, vector<1x16xi32>,
        %swap3A_314 = vector.shape_cast %swap3A_313 : vector<1x16xi32> to vector<16xi32>
        %swap3A_315 = vector.shape_cast %add3A_310 : vector<16xi32> to vector<1x16xi32>
        tpu.vector_store %arg13[%swap3A_311, %swap3A_312], %swap3A_315 {strides = array<i32>} : memref<28x128xi32, #tpu.memory_space<vmem>>, vector<1x16xi32>,
        %get3A_316 = arith.index_cast %add3A_256 : i32 to index
        %get3A_317 = arith.constant 96 : index
        %get3A_318 = tpu.vector_load %arg10[%get3A_316, %get3A_317] {strides = array<i32>} : memref<28x128xi32, #tpu.memory_space<vmem>>, vector<1x16xi32>,
        %get3A_319 = vector.shape_cast %get3A_318 : vector<1x16xi32> to vector<16xi32>
        %add3A_320 = arith.addi %get3A_319, %gather3A_21 : vector<16xi32>
        %swap3A_321 = arith.index_cast %add3A_256 : i32 to index
        %swap3A_322 = arith.constant 96 : index
        %swap3A_323 = tpu.vector_load %arg13[%swap3A_321, %swap3A_322] {strides = array<i32>} : memref<28x128xi32, #tpu.memory_space<vmem>>, vector<1x16xi32>,
        %swap3A_324 = vector.shape_cast %swap3A_323 : vector<1x16xi32> to vector<16xi32>
        %swap3A_325 = vector.shape_cast %add3A_320 : vector<16xi32> to vector<1x16xi32>
        tpu.vector_store %arg13[%swap3A_321, %swap3A_322], %swap3A_325 {strides = array<i32>} : memref<28x128xi32, #tpu.memory_space<vmem>>, vector<1x16xi32>,
        %get3A_326 = arith.index_cast %add3A_256 : i32 to index
        %get3A_327 = arith.constant 112 : index
        %get3A_328 = tpu.vector_load %arg10[%get3A_326, %get3A_327] {strides = array<i32>} : memref<28x128xi32, #tpu.memory_space<vmem>>, vector<1x16xi32>,
        %get3A_329 = vector.shape_cast %get3A_328 : vector<1x16xi32> to vector<16xi32>
        %add3A_330 = arith.addi %get3A_329, %gather3A_21 : vector<16xi32>
        %swap3A_331 = arith.index_cast %add3A_256 : i32 to index
        %swap3A_332 = arith.constant 112 : index
        %swap3A_333 = tpu.vector_load %arg13[%swap3A_331, %swap3A_332] {strides = array<i32>} : memref<28x128xi32, #tpu.memory_space<vmem>>, vector<1x16xi32>,
        %swap3A_334 = vector.shape_cast %swap3A_333 : vector<1x16xi32> to vector<16xi32>
        %swap3A_335 = vector.shape_cast %add3A_330 : vector<16xi32> to vector<1x16xi32>
        tpu.vector_store %arg13[%swap3A_331, %swap3A_332], %swap3A_335 {strides = array<i32>} : memref<28x128xi32, #tpu.memory_space<vmem>>, vector<1x16xi32>,
      }
      %scan3A_26 = arith.constant 28 : i32
      %scan3A_27 = arith.constant 0 : i32
      %scan3A_28 = arith.constant 28 : i32
      %scan3A_29 = arith.addi %scan3A_27, %scan3A_28 : i32
      %scan3A_30 = arith.constant 1 : i32
      scf.for %scan3A_252 = %scan3A_27 to %scan3A_29 step %scan3A_30  : i32 {
        %mul3A_253 = arith.constant 1 : i32
        %mul3A_254 = arith.muli %scan3A_252, %mul3A_253 : i32
        %add3A_255 = arith.constant 0 : i32
        %add3A_256 = arith.addi %add3A_255, %mul3A_254 : i32
        %mul3A_257 = arith.constant 128 : i32
        %mul3A_258 = arith.muli %add3A_256, %mul3A_257 : i32
        %dma_start3A = tpu.memref_slice %arg15[%mul3A_258] : memref<3584xf32, #tpu.memory_space<vmem>> -> memref<128xf32, #tpu.memory_space<vmem>>
        %dma_start3A_259 = arith.constant 0 : i32
        %dma_start3A_260 = tpu.memref_slice %arg13[%add3A_256, %dma_start3A_259] : memref<28x128xi32, #tpu.memory_space<vmem>> -> memref<1x128xi32, #tpu.memory_space<vmem>>
        %dma_start3A_261 = tpu.memref_squeeze %dma_start3A_260 : memref<1x128xi32, #tpu.memory_space<vmem>> -> memref<128xi32, #tpu.memory_space<vmem>>
        %dma_start3A_262 = arith.constant 0 : i32
        %dma_start3A_263 = tpu.memref_slice %arg2[%dma_start3A_262] : memref<234881024xf32, #tpu.memory_space<hbm>> -> memref<234881024xf32, #tpu.memory_space<hbm>>
        tpu.enqueue_indirect_dma source(%dma_start3A_263 : memref<234881024xf32, #tpu.memory_space<hbm>>) target(%dma_start3A : memref<128xf32, #tpu.memory_space<vmem>>) offsets(%dma_start3A_261 : memref<128xi32, #tpu.memory_space<vmem>>) semaphore(%arg17 : memref<!tpu.dma_semaphore, #tpu.memory_space<semaphore_mem>>)
      }
      %scan3A_31 = arith.constant 28 : i32
      %get3A_32 = arith.index_cast %add3A_11 : i32 to index
      %get3A_33 = arith.constant 0 : index
      %get3A_34 = tpu.vector_load %arg9[%get3A_32, %get3A_33] {strides = array<i32>} : memref<8x16xi32, #tpu.memory_space<vmem>>, vector<1x16xi32>,
      %get3A_35 = vector.shape_cast %get3A_34 : vector<1x16xi32> to vector<16xi32>
      %broadcast_in_dim3A_36 = arith.constant 1 : i32
      %broadcast_in_dim3A_37 = vector.broadcast %broadcast_in_dim3A_36 : i32 to vector<16x1xi32>
      %gather3A_38 = vector.shape_cast %broadcast_in_dim3A_37 : vector<16x1xi32> to vector<16xi32>
      %gather3A_39 = tpu.dynamic_gather %get3A_35[%gather3A_38] in [0] : vector<16xi32>, vector<16xi32> -> vector<16xi32>
      %scan3A_40 = arith.constant 0 : i32
      %scan3A_41 = arith.constant 28 : i32
      %scan3A_42 = arith.addi %scan3A_40, %scan3A_41 : i32
      %scan3A_43 = arith.constant 1 : i32
      scf.for %scan3A_252 = %scan3A_40 to %scan3A_42 step %scan3A_43  : i32 {
        %mul3A_253 = arith.constant 1 : i32
        %mul3A_254 = arith.muli %scan3A_252, %mul3A_253 : i32
        %add3A_255 = arith.constant 0 : i32
        %add3A_256 = arith.addi %add3A_255, %mul3A_254 : i32
        %get3A_257 = arith.index_cast %add3A_256 : i32 to index
        %get3A_258 = arith.constant 0 : index
        %get3A_259 = tpu.vector_load %arg10[%get3A_257, %get3A_258] {strides = array<i32>} : memref<28x128xi32, #tpu.memory_space<vmem>>, vector<1x16xi32>,
        %get3A_260 = vector.shape_cast %get3A_259 : vector<1x16xi32> to vector<16xi32>
        %add3A_261 = arith.addi %get3A_260, %gather3A_39 : vector<16xi32>
        %swap3A = arith.index_cast %add3A_256 : i32 to index
        %swap3A_262 = arith.constant 0 : index
        %swap3A_263 = tpu.vector_load %arg14[%swap3A, %swap3A_262] {strides = array<i32>} : memref<28x128xi32, #tpu.memory_space<vmem>>, vector<1x16xi32>,
        %swap3A_264 = vector.shape_cast %swap3A_263 : vector<1x16xi32> to vector<16xi32>
        %swap3A_265 = vector.shape_cast %add3A_261 : vector<16xi32> to vector<1x16xi32>
        tpu.vector_store %arg14[%swap3A, %swap3A_262], %swap3A_265 {strides = array<i32>} : memref<28x128xi32, #tpu.memory_space<vmem>>, vector<1x16xi32>,
        %get3A_266 = arith.index_cast %add3A_256 : i32 to index
        %get3A_267 = arith.constant 16 : index
        %get3A_268 = tpu.vector_load %arg10[%get3A_266, %get3A_267] {strides = array<i32>} : memref<28x128xi32, #tpu.memory_space<vmem>>, vector<1x16xi32>,
        %get3A_269 = vector.shape_cast %get3A_268 : vector<1x16xi32> to vector<16xi32>
        %add3A_270 = arith.addi %get3A_269, %gather3A_39 : vector<16xi32>
        %swap3A_271 = arith.index_cast %add3A_256 : i32 to index
        %swap3A_272 = arith.constant 16 : index
        %swap3A_273 = tpu.vector_load %arg14[%swap3A_271, %swap3A_272] {strides = array<i32>} : memref<28x128xi32, #tpu.memory_space<vmem>>, vector<1x16xi32>,
        %swap3A_274 = vector.shape_cast %swap3A_273 : vector<1x16xi32> to vector<16xi32>
        %swap3A_275 = vector.shape_cast %add3A_270 : vector<16xi32> to vector<1x16xi32>
        tpu.vector_store %arg14[%swap3A_271, %swap3A_272], %swap3A_275 {strides = array<i32>} : memref<28x128xi32, #tpu.memory_space<vmem>>, vector<1x16xi32>,
        %get3A_276 = arith.index_cast %add3A_256 : i32 to index
        %get3A_277 = arith.constant 32 : index
        %get3A_278 = tpu.vector_load %arg10[%get3A_276, %get3A_277] {strides = array<i32>} : memref<28x128xi32, #tpu.memory_space<vmem>>, vector<1x16xi32>,
        %get3A_279 = vector.shape_cast %get3A_278 : vector<1x16xi32> to vector<16xi32>
        %add3A_280 = arith.addi %get3A_279, %gather3A_39 : vector<16xi32>
        %swap3A_281 = arith.index_cast %add3A_256 : i32 to index
        %swap3A_282 = arith.constant 32 : index
        %swap3A_283 = tpu.vector_load %arg14[%swap3A_281, %swap3A_282] {strides = array<i32>} : memref<28x128xi32, #tpu.memory_space<vmem>>, vector<1x16xi32>,
        %swap3A_284 = vector.shape_cast %swap3A_283 : vector<1x16xi32> to vector<16xi32>
        %swap3A_285 = vector.shape_cast %add3A_280 : vector<16xi32> to vector<1x16xi32>
        tpu.vector_store %arg14[%swap3A_281, %swap3A_282], %swap3A_285 {strides = array<i32>} : memref<28x128xi32, #tpu.memory_space<vmem>>, vector<1x16xi32>,
        %get3A_286 = arith.index_cast %add3A_256 : i32 to index
        %get3A_287 = arith.constant 48 : index
        %get3A_288 = tpu.vector_load %arg10[%get3A_286, %get3A_287] {strides = array<i32>} : memref<28x128xi32, #tpu.memory_space<vmem>>, vector<1x16xi32>,
        %get3A_289 = vector.shape_cast %get3A_288 : vector<1x16xi32> to vector<16xi32>
        %add3A_290 = arith.addi %get3A_289, %gather3A_39 : vector<16xi32>
        %swap3A_291 = arith.index_cast %add3A_256 : i32 to index
        %swap3A_292 = arith.constant 48 : index
        %swap3A_293 = tpu.vector_load %arg14[%swap3A_291, %swap3A_292] {strides = array<i32>} : memref<28x128xi32, #tpu.memory_space<vmem>>, vector<1x16xi32>,
        %swap3A_294 = vector.shape_cast %swap3A_293 : vector<1x16xi32> to vector<16xi32>
        %swap3A_295 = vector.shape_cast %add3A_290 : vector<16xi32> to vector<1x16xi32>
        tpu.vector_store %arg14[%swap3A_291, %swap3A_292], %swap3A_295 {strides = array<i32>} : memref<28x128xi32, #tpu.memory_space<vmem>>, vector<1x16xi32>,
        %get3A_296 = arith.index_cast %add3A_256 : i32 to index
        %get3A_297 = arith.constant 64 : index
        %get3A_298 = tpu.vector_load %arg10[%get3A_296, %get3A_297] {strides = array<i32>} : memref<28x128xi32, #tpu.memory_space<vmem>>, vector<1x16xi32>,
        %get3A_299 = vector.shape_cast %get3A_298 : vector<1x16xi32> to vector<16xi32>
        %add3A_300 = arith.addi %get3A_299, %gather3A_39 : vector<16xi32>
        %swap3A_301 = arith.index_cast %add3A_256 : i32 to index
        %swap3A_302 = arith.constant 64 : index
        %swap3A_303 = tpu.vector_load %arg14[%swap3A_301, %swap3A_302] {strides = array<i32>} : memref<28x128xi32, #tpu.memory_space<vmem>>, vector<1x16xi32>,
        %swap3A_304 = vector.shape_cast %swap3A_303 : vector<1x16xi32> to vector<16xi32>
        %swap3A_305 = vector.shape_cast %add3A_300 : vector<16xi32> to vector<1x16xi32>
        tpu.vector_store %arg14[%swap3A_301, %swap3A_302], %swap3A_305 {strides = array<i32>} : memref<28x128xi32, #tpu.memory_space<vmem>>, vector<1x16xi32>,
        %get3A_306 = arith.index_cast %add3A_256 : i32 to index
        %get3A_307 = arith.constant 80 : index
        %get3A_308 = tpu.vector_load %arg10[%get3A_306, %get3A_307] {strides = array<i32>} : memref<28x128xi32, #tpu.memory_space<vmem>>, vector<1x16xi32>,
        %get3A_309 = vector.shape_cast %get3A_308 : vector<1x16xi32> to vector<16xi32>
        %add3A_310 = arith.addi %get3A_309, %gather3A_39 : vector<16xi32>
        %swap3A_311 = arith.index_cast %add3A_256 : i32 to index
        %swap3A_312 = arith.constant 80 : index
        %swap3A_313 = tpu.vector_load %arg14[%swap3A_311, %swap3A_312] {strides = array<i32>} : memref<28x128xi32, #tpu.memory_space<vmem>>, vector<1x16xi32>,
        %swap3A_314 = vector.shape_cast %swap3A_313 : vector<1x16xi32> to vector<16xi32>
        %swap3A_315 = vector.shape_cast %add3A_310 : vector<16xi32> to vector<1x16xi32>
        tpu.vector_store %arg14[%swap3A_311, %swap3A_312], %swap3A_315 {strides = array<i32>} : memref<28x128xi32, #tpu.memory_space<vmem>>, vector<1x16xi32>,
        %get3A_316 = arith.index_cast %add3A_256 : i32 to index
        %get3A_317 = arith.constant 96 : index
        %get3A_318 = tpu.vector_load %arg10[%get3A_316, %get3A_317] {strides = array<i32>} : memref<28x128xi32, #tpu.memory_space<vmem>>, vector<1x16xi32>,
        %get3A_319 = vector.shape_cast %get3A_318 : vector<1x16xi32> to vector<16xi32>
        %add3A_320 = arith.addi %get3A_319, %gather3A_39 : vector<16xi32>
        %swap3A_321 = arith.index_cast %add3A_256 : i32 to index
        %swap3A_322 = arith.constant 96 : index
        %swap3A_323 = tpu.vector_load %arg14[%swap3A_321, %swap3A_322] {strides = array<i32>} : memref<28x128xi32, #tpu.memory_space<vmem>>, vector<1x16xi32>,
        %swap3A_324 = vector.shape_cast %swap3A_323 : vector<1x16xi32> to vector<16xi32>
        %swap3A_325 = vector.shape_cast %add3A_320 : vector<16xi32> to vector<1x16xi32>
        tpu.vector_store %arg14[%swap3A_321, %swap3A_322], %swap3A_325 {strides = array<i32>} : memref<28x128xi32, #tpu.memory_space<vmem>>, vector<1x16xi32>,
        %get3A_326 = arith.index_cast %add3A_256 : i32 to index
        %get3A_327 = arith.constant 112 : index
        %get3A_328 = tpu.vector_load %arg10[%get3A_326, %get3A_327] {strides = array<i32>} : memref<28x128xi32, #tpu.memory_space<vmem>>, vector<1x16xi32>,
        %get3A_329 = vector.shape_cast %get3A_328 : vector<1x16xi32> to vector<16xi32>
        %add3A_330 = arith.addi %get3A_329, %gather3A_39 : vector<16xi32>
        %swap3A_331 = arith.index_cast %add3A_256 : i32 to index
        %swap3A_332 = arith.constant 112 : index
        %swap3A_333 = tpu.vector_load %arg14[%swap3A_331, %swap3A_332] {strides = array<i32>} : memref<28x128xi32, #tpu.memory_space<vmem>>, vector<1x16xi32>,
        %swap3A_334 = vector.shape_cast %swap3A_333 : vector<1x16xi32> to vector<16xi32>
        %swap3A_335 = vector.shape_cast %add3A_330 : vector<16xi32> to vector<1x16xi32>
        tpu.vector_store %arg14[%swap3A_331, %swap3A_332], %swap3A_335 {strides = array<i32>} : memref<28x128xi32, #tpu.memory_space<vmem>>, vector<1x16xi32>,
      }
      %scan3A_44 = arith.constant 28 : i32
      %scan3A_45 = arith.constant 0 : i32
      %scan3A_46 = arith.constant 28 : i32
      %scan3A_47 = arith.addi %scan3A_45, %scan3A_46 : i32
      %scan3A_48 = arith.constant 1 : i32
      scf.for %scan3A_252 = %scan3A_45 to %scan3A_47 step %scan3A_48  : i32 {
        %mul3A_253 = arith.constant 1 : i32
        %mul3A_254 = arith.muli %scan3A_252, %mul3A_253 : i32
        %add3A_255 = arith.constant 0 : i32
        %add3A_256 = arith.addi %add3A_255, %mul3A_254 : i32
        %mul3A_257 = arith.constant 128 : i32
        %mul3A_258 = arith.muli %add3A_256, %mul3A_257 : i32
        %dma_start3A = tpu.memref_slice %arg16[%mul3A_258] : memref<3584xf32, #tpu.memory_space<vmem>> -> memref<128xf32, #tpu.memory_space<vmem>>
        %dma_start3A_259 = arith.constant 0 : i32
        %dma_start3A_260 = tpu.memref_slice %arg14[%add3A_256, %dma_start3A_259] : memref<28x128xi32, #tpu.memory_space<vmem>> -> memref<1x128xi32, #tpu.memory_space<vmem>>
        %dma_start3A_261 = tpu.memref_squeeze %dma_start3A_260 : memref<1x128xi32, #tpu.memory_space<vmem>> -> memref<128xi32, #tpu.memory_space<vmem>>
        %dma_start3A_262 = arith.constant 0 : i32
        %dma_start3A_263 = tpu.memref_slice %arg2[%dma_start3A_262] : memref<234881024xf32, #tpu.memory_space<hbm>> -> memref<234881024xf32, #tpu.memory_space<hbm>>
        tpu.enqueue_indirect_dma source(%dma_start3A_263 : memref<234881024xf32, #tpu.memory_space<hbm>>) target(%dma_start3A : memref<128xf32, #tpu.memory_space<vmem>>) offsets(%dma_start3A_261 : memref<128xi32, #tpu.memory_space<vmem>>) semaphore(%arg18 : memref<!tpu.dma_semaphore, #tpu.memory_space<semaphore_mem>>)
      }
      %scan3A_49 = arith.constant 28 : i32
      tpu.wait_dma2 semaphore(%arg17 : memref<!tpu.dma_semaphore, #tpu.memory_space<semaphore_mem>>) src(%arg6 : memref<3584xf32, #tpu.memory_space<hbm>>) dst(%arg15 : memref<3584xf32, #tpu.memory_space<vmem>>)
      %get3A_50 = arith.index_cast %add3A_11 : i32 to index
      %get3A_51 = arith.constant 0 : index
      %get3A_52 = tpu.vector_load %arg8[%get3A_50, %get3A_51] {strides = array<i32>} : memref<8x16xf32, #tpu.memory_space<vmem>>, vector<1x16xf32>,
      %get3A_53 = vector.shape_cast %get3A_52 : vector<1x16xf32> to vector<16xf32>
      %broadcast_in_dim3A_54 = arith.constant 0 : i32
      %broadcast_in_dim3A_55 = vector.broadcast %broadcast_in_dim3A_54 : i32 to vector<16x1xi32>
      %gather3A_56 = vector.shape_cast %broadcast_in_dim3A_55 : vector<16x1xi32> to vector<16xi32>
      %gather3A_57 = tpu.dynamic_gather %get3A_53[%gather3A_56] in [0] : vector<16xf32>, vector<16xi32> -> vector<16xf32>
      %max3A = arith.constant 0.000000e+00 : f32
      %max3A_58 = vector.broadcast %max3A : f32 to vector<16xf32>
      %max3A_59 = arith.maximumf %gather3A_57, %max3A_58 : vector<16xf32>
      %scan3A_60 = arith.constant 0 : i32
      %scan3A_61 = arith.constant 56 : i32
      %scan3A_62 = arith.addi %scan3A_60, %scan3A_61 : i32
      %scan3A_63 = arith.constant 1 : i32
      scf.for %scan3A_252 = %scan3A_60 to %scan3A_62 step %scan3A_63  : i32 {
        %mul3A_253 = arith.constant 64 : i32
        %mul3A_254 = arith.muli %scan3A_252, %mul3A_253 : i32
        %add3A_255 = arith.constant 0 : i32
        %add3A_256 = arith.addi %add3A_255, %mul3A_254 : i32
        %add3A_257 = arith.constant 0 : i32
        %add3A_258 = arith.addi %add3A_256, %add3A_257 : i32
        %get3A_259 = arith.index_cast %add3A_258 : i32 to index
        %get3A_260 = tpu.vector_load %arg12[%get3A_259] {strides = array<i32>} : memref<3584xf32, #tpu.memory_space<vmem>>, vector<16xf32>,
        %get3A_261 = vector.shape_cast %get3A_260 : vector<16xf32> to vector<16xf32>
        %get3A_262 = arith.index_cast %add3A_258 : i32 to index
        %get3A_263 = tpu.vector_load %arg15[%get3A_262] {strides = array<i32>} : memref<3584xf32, #tpu.memory_space<vmem>>, vector<16xf32>,
        %get3A_264 = vector.shape_cast %get3A_263 : vector<16xf32> to vector<16xf32>
        %mul3A_265 = arith.mulf %max3A_59, %get3A_264 : vector<16xf32>
        %add3A_266 = arith.addf %get3A_261, %mul3A_265 : vector<16xf32>
        %swap3A = arith.index_cast %add3A_258 : i32 to index
        %swap3A_267 = tpu.vector_load %arg12[%swap3A] {strides = array<i32>} : memref<3584xf32, #tpu.memory_space<vmem>>, vector<16xf32>,
        %swap3A_268 = vector.shape_cast %swap3A_267 : vector<16xf32> to vector<16xf32>
        %swap3A_269 = vector.shape_cast %add3A_266 : vector<16xf32> to vector<16xf32>
        tpu.vector_store %arg12[%swap3A], %swap3A_269 {strides = array<i32>} : memref<3584xf32, #tpu.memory_space<vmem>>, vector<16xf32>,
        %add3A_270 = arith.constant 16 : i32
        %add3A_271 = arith.addi %add3A_256, %add3A_270 : i32
        %get3A_272 = arith.index_cast %add3A_271 : i32 to index
        %get3A_273 = tpu.vector_load %arg12[%get3A_272] {strides = array<i32>} : memref<3584xf32, #tpu.memory_space<vmem>>, vector<16xf32>,
        %get3A_274 = vector.shape_cast %get3A_273 : vector<16xf32> to vector<16xf32>
        %get3A_275 = arith.index_cast %add3A_271 : i32 to index
        %get3A_276 = tpu.vector_load %arg15[%get3A_275] {strides = array<i32>} : memref<3584xf32, #tpu.memory_space<vmem>>, vector<16xf32>,
        %get3A_277 = vector.shape_cast %get3A_276 : vector<16xf32> to vector<16xf32>
        %mul3A_278 = arith.mulf %max3A_59, %get3A_277 : vector<16xf32>
        %add3A_279 = arith.addf %get3A_274, %mul3A_278 : vector<16xf32>
        %swap3A_280 = arith.index_cast %add3A_271 : i32 to index
        %swap3A_281 = tpu.vector_load %arg12[%swap3A_280] {strides = array<i32>} : memref<3584xf32, #tpu.memory_space<vmem>>, vector<16xf32>,
        %swap3A_282 = vector.shape_cast %swap3A_281 : vector<16xf32> to vector<16xf32>
        %swap3A_283 = vector.shape_cast %add3A_279 : vector<16xf32> to vector<16xf32>
        tpu.vector_store %arg12[%swap3A_280], %swap3A_283 {strides = array<i32>} : memref<3584xf32, #tpu.memory_space<vmem>>, vector<16xf32>,
        %add3A_284 = arith.constant 32 : i32
        %add3A_285 = arith.addi %add3A_256, %add3A_284 : i32
        %get3A_286 = arith.index_cast %add3A_285 : i32 to index
        %get3A_287 = tpu.vector_load %arg12[%get3A_286] {strides = array<i32>} : memref<3584xf32, #tpu.memory_space<vmem>>, vector<16xf32>,
        %get3A_288 = vector.shape_cast %get3A_287 : vector<16xf32> to vector<16xf32>
        %get3A_289 = arith.index_cast %add3A_285 : i32 to index
        %get3A_290 = tpu.vector_load %arg15[%get3A_289] {strides = array<i32>} : memref<3584xf32, #tpu.memory_space<vmem>>, vector<16xf32>,
        %get3A_291 = vector.shape_cast %get3A_290 : vector<16xf32> to vector<16xf32>
        %mul3A_292 = arith.mulf %max3A_59, %get3A_291 : vector<16xf32>
        %add3A_293 = arith.addf %get3A_288, %mul3A_292 : vector<16xf32>
        %swap3A_294 = arith.index_cast %add3A_285 : i32 to index
        %swap3A_295 = tpu.vector_load %arg12[%swap3A_294] {strides = array<i32>} : memref<3584xf32, #tpu.memory_space<vmem>>, vector<16xf32>,
        %swap3A_296 = vector.shape_cast %swap3A_295 : vector<16xf32> to vector<16xf32>
        %swap3A_297 = vector.shape_cast %add3A_293 : vector<16xf32> to vector<16xf32>
        tpu.vector_store %arg12[%swap3A_294], %swap3A_297 {strides = array<i32>} : memref<3584xf32, #tpu.memory_space<vmem>>, vector<16xf32>,
        %add3A_298 = arith.constant 48 : i32
        %add3A_299 = arith.addi %add3A_256, %add3A_298 : i32
        %get3A_300 = arith.index_cast %add3A_299 : i32 to index
        %get3A_301 = tpu.vector_load %arg12[%get3A_300] {strides = array<i32>} : memref<3584xf32, #tpu.memory_space<vmem>>, vector<16xf32>,
        %get3A_302 = vector.shape_cast %get3A_301 : vector<16xf32> to vector<16xf32>
        %get3A_303 = arith.index_cast %add3A_299 : i32 to index
        %get3A_304 = tpu.vector_load %arg15[%get3A_303] {strides = array<i32>} : memref<3584xf32, #tpu.memory_space<vmem>>, vector<16xf32>,
        %get3A_305 = vector.shape_cast %get3A_304 : vector<16xf32> to vector<16xf32>
        %mul3A_306 = arith.mulf %max3A_59, %get3A_305 : vector<16xf32>
        %add3A_307 = arith.addf %get3A_302, %mul3A_306 : vector<16xf32>
        %swap3A_308 = arith.index_cast %add3A_299 : i32 to index
        %swap3A_309 = tpu.vector_load %arg12[%swap3A_308] {strides = array<i32>} : memref<3584xf32, #tpu.memory_space<vmem>>, vector<16xf32>,
        %swap3A_310 = vector.shape_cast %swap3A_309 : vector<16xf32> to vector<16xf32>
        %swap3A_311 = vector.shape_cast %add3A_307 : vector<16xf32> to vector<16xf32>
        tpu.vector_store %arg12[%swap3A_308], %swap3A_311 {strides = array<i32>} : memref<3584xf32, #tpu.memory_space<vmem>>, vector<16xf32>,
      }
      %scan3A_64 = arith.constant 56 : i32
      %get3A_65 = arith.index_cast %add3A_11 : i32 to index
      %get3A_66 = arith.constant 0 : index
      %get3A_67 = tpu.vector_load %arg9[%get3A_65, %get3A_66] {strides = array<i32>} : memref<8x16xi32, #tpu.memory_space<vmem>>, vector<1x16xi32>,
      %get3A_68 = vector.shape_cast %get3A_67 : vector<1x16xi32> to vector<16xi32>
      %broadcast_in_dim3A_69 = arith.constant 2 : i32
      %broadcast_in_dim3A_70 = vector.broadcast %broadcast_in_dim3A_69 : i32 to vector<16x1xi32>
      %gather3A_71 = vector.shape_cast %broadcast_in_dim3A_70 : vector<16x1xi32> to vector<16xi32>
      %gather3A_72 = tpu.dynamic_gather %get3A_68[%gather3A_71] in [0] : vector<16xi32>, vector<16xi32> -> vector<16xi32>
      %scan3A_73 = arith.constant 0 : i32
      %scan3A_74 = arith.constant 28 : i32
      %scan3A_75 = arith.addi %scan3A_73, %scan3A_74 : i32
      %scan3A_76 = arith.constant 1 : i32
      scf.for %scan3A_252 = %scan3A_73 to %scan3A_75 step %scan3A_76  : i32 {
        %mul3A_253 = arith.constant 1 : i32
        %mul3A_254 = arith.muli %scan3A_252, %mul3A_253 : i32
        %add3A_255 = arith.constant 0 : i32
        %add3A_256 = arith.addi %add3A_255, %mul3A_254 : i32
        %get3A_257 = arith.index_cast %add3A_256 : i32 to index
        %get3A_258 = arith.constant 0 : index
        %get3A_259 = tpu.vector_load %arg10[%get3A_257, %get3A_258] {strides = array<i32>} : memref<28x128xi32, #tpu.memory_space<vmem>>, vector<1x16xi32>,
        %get3A_260 = vector.shape_cast %get3A_259 : vector<1x16xi32> to vector<16xi32>
        %add3A_261 = arith.addi %get3A_260, %gather3A_72 : vector<16xi32>
        %swap3A = arith.index_cast %add3A_256 : i32 to index
        %swap3A_262 = arith.constant 0 : index
        %swap3A_263 = tpu.vector_load %arg13[%swap3A, %swap3A_262] {strides = array<i32>} : memref<28x128xi32, #tpu.memory_space<vmem>>, vector<1x16xi32>,
        %swap3A_264 = vector.shape_cast %swap3A_263 : vector<1x16xi32> to vector<16xi32>
        %swap3A_265 = vector.shape_cast %add3A_261 : vector<16xi32> to vector<1x16xi32>
        tpu.vector_store %arg13[%swap3A, %swap3A_262], %swap3A_265 {strides = array<i32>} : memref<28x128xi32, #tpu.memory_space<vmem>>, vector<1x16xi32>,
        %get3A_266 = arith.index_cast %add3A_256 : i32 to index
        %get3A_267 = arith.constant 16 : index
        %get3A_268 = tpu.vector_load %arg10[%get3A_266, %get3A_267] {strides = array<i32>} : memref<28x128xi32, #tpu.memory_space<vmem>>, vector<1x16xi32>,
        %get3A_269 = vector.shape_cast %get3A_268 : vector<1x16xi32> to vector<16xi32>
        %add3A_270 = arith.addi %get3A_269, %gather3A_72 : vector<16xi32>
        %swap3A_271 = arith.index_cast %add3A_256 : i32 to index
        %swap3A_272 = arith.constant 16 : index
        %swap3A_273 = tpu.vector_load %arg13[%swap3A_271, %swap3A_272] {strides = array<i32>} : memref<28x128xi32, #tpu.memory_space<vmem>>, vector<1x16xi32>,
        %swap3A_274 = vector.shape_cast %swap3A_273 : vector<1x16xi32> to vector<16xi32>
        %swap3A_275 = vector.shape_cast %add3A_270 : vector<16xi32> to vector<1x16xi32>
        tpu.vector_store %arg13[%swap3A_271, %swap3A_272], %swap3A_275 {strides = array<i32>} : memref<28x128xi32, #tpu.memory_space<vmem>>, vector<1x16xi32>,
        %get3A_276 = arith.index_cast %add3A_256 : i32 to index
        %get3A_277 = arith.constant 32 : index
        %get3A_278 = tpu.vector_load %arg10[%get3A_276, %get3A_277] {strides = array<i32>} : memref<28x128xi32, #tpu.memory_space<vmem>>, vector<1x16xi32>,
        %get3A_279 = vector.shape_cast %get3A_278 : vector<1x16xi32> to vector<16xi32>
        %add3A_280 = arith.addi %get3A_279, %gather3A_72 : vector<16xi32>
        %swap3A_281 = arith.index_cast %add3A_256 : i32 to index
        %swap3A_282 = arith.constant 32 : index
        %swap3A_283 = tpu.vector_load %arg13[%swap3A_281, %swap3A_282] {strides = array<i32>} : memref<28x128xi32, #tpu.memory_space<vmem>>, vector<1x16xi32>,
        %swap3A_284 = vector.shape_cast %swap3A_283 : vector<1x16xi32> to vector<16xi32>
        %swap3A_285 = vector.shape_cast %add3A_280 : vector<16xi32> to vector<1x16xi32>
        tpu.vector_store %arg13[%swap3A_281, %swap3A_282], %swap3A_285 {strides = array<i32>} : memref<28x128xi32, #tpu.memory_space<vmem>>, vector<1x16xi32>,
        %get3A_286 = arith.index_cast %add3A_256 : i32 to index
        %get3A_287 = arith.constant 48 : index
        %get3A_288 = tpu.vector_load %arg10[%get3A_286, %get3A_287] {strides = array<i32>} : memref<28x128xi32, #tpu.memory_space<vmem>>, vector<1x16xi32>,
        %get3A_289 = vector.shape_cast %get3A_288 : vector<1x16xi32> to vector<16xi32>
        %add3A_290 = arith.addi %get3A_289, %gather3A_72 : vector<16xi32>
        %swap3A_291 = arith.index_cast %add3A_256 : i32 to index
        %swap3A_292 = arith.constant 48 : index
        %swap3A_293 = tpu.vector_load %arg13[%swap3A_291, %swap3A_292] {strides = array<i32>} : memref<28x128xi32, #tpu.memory_space<vmem>>, vector<1x16xi32>,
        %swap3A_294 = vector.shape_cast %swap3A_293 : vector<1x16xi32> to vector<16xi32>
        %swap3A_295 = vector.shape_cast %add3A_290 : vector<16xi32> to vector<1x16xi32>
        tpu.vector_store %arg13[%swap3A_291, %swap3A_292], %swap3A_295 {strides = array<i32>} : memref<28x128xi32, #tpu.memory_space<vmem>>, vector<1x16xi32>,
        %get3A_296 = arith.index_cast %add3A_256 : i32 to index
        %get3A_297 = arith.constant 64 : index
        %get3A_298 = tpu.vector_load %arg10[%get3A_296, %get3A_297] {strides = array<i32>} : memref<28x128xi32, #tpu.memory_space<vmem>>, vector<1x16xi32>,
        %get3A_299 = vector.shape_cast %get3A_298 : vector<1x16xi32> to vector<16xi32>
        %add3A_300 = arith.addi %get3A_299, %gather3A_72 : vector<16xi32>
        %swap3A_301 = arith.index_cast %add3A_256 : i32 to index
        %swap3A_302 = arith.constant 64 : index
        %swap3A_303 = tpu.vector_load %arg13[%swap3A_301, %swap3A_302] {strides = array<i32>} : memref<28x128xi32, #tpu.memory_space<vmem>>, vector<1x16xi32>,
        %swap3A_304 = vector.shape_cast %swap3A_303 : vector<1x16xi32> to vector<16xi32>
        %swap3A_305 = vector.shape_cast %add3A_300 : vector<16xi32> to vector<1x16xi32>
        tpu.vector_store %arg13[%swap3A_301, %swap3A_302], %swap3A_305 {strides = array<i32>} : memref<28x128xi32, #tpu.memory_space<vmem>>, vector<1x16xi32>,
        %get3A_306 = arith.index_cast %add3A_256 : i32 to index
        %get3A_307 = arith.constant 80 : index
        %get3A_308 = tpu.vector_load %arg10[%get3A_306, %get3A_307] {strides = array<i32>} : memref<28x128xi32, #tpu.memory_space<vmem>>, vector<1x16xi32>,
        %get3A_309 = vector.shape_cast %get3A_308 : vector<1x16xi32> to vector<16xi32>
        %add3A_310 = arith.addi %get3A_309, %gather3A_72 : vector<16xi32>
        %swap3A_311 = arith.index_cast %add3A_256 : i32 to index
        %swap3A_312 = arith.constant 80 : index
        %swap3A_313 = tpu.vector_load %arg13[%swap3A_311, %swap3A_312] {strides = array<i32>} : memref<28x128xi32, #tpu.memory_space<vmem>>, vector<1x16xi32>,
        %swap3A_314 = vector.shape_cast %swap3A_313 : vector<1x16xi32> to vector<16xi32>
        %swap3A_315 = vector.shape_cast %add3A_310 : vector<16xi32> to vector<1x16xi32>
        tpu.vector_store %arg13[%swap3A_311, %swap3A_312], %swap3A_315 {strides = array<i32>} : memref<28x128xi32, #tpu.memory_space<vmem>>, vector<1x16xi32>,
        %get3A_316 = arith.index_cast %add3A_256 : i32 to index
        %get3A_317 = arith.constant 96 : index
        %get3A_318 = tpu.vector_load %arg10[%get3A_316, %get3A_317] {strides = array<i32>} : memref<28x128xi32, #tpu.memory_space<vmem>>, vector<1x16xi32>,
        %get3A_319 = vector.shape_cast %get3A_318 : vector<1x16xi32> to vector<16xi32>
        %add3A_320 = arith.addi %get3A_319, %gather3A_72 : vector<16xi32>
        %swap3A_321 = arith.index_cast %add3A_256 : i32 to index
        %swap3A_322 = arith.constant 96 : index
        %swap3A_323 = tpu.vector_load %arg13[%swap3A_321, %swap3A_322] {strides = array<i32>} : memref<28x128xi32, #tpu.memory_space<vmem>>, vector<1x16xi32>,
        %swap3A_324 = vector.shape_cast %swap3A_323 : vector<1x16xi32> to vector<16xi32>
        %swap3A_325 = vector.shape_cast %add3A_320 : vector<16xi32> to vector<1x16xi32>
        tpu.vector_store %arg13[%swap3A_321, %swap3A_322], %swap3A_325 {strides = array<i32>} : memref<28x128xi32, #tpu.memory_space<vmem>>, vector<1x16xi32>,
        %get3A_326 = arith.index_cast %add3A_256 : i32 to index
        %get3A_327 = arith.constant 112 : index
        %get3A_328 = tpu.vector_load %arg10[%get3A_326, %get3A_327] {strides = array<i32>} : memref<28x128xi32, #tpu.memory_space<vmem>>, vector<1x16xi32>,
        %get3A_329 = vector.shape_cast %get3A_328 : vector<1x16xi32> to vector<16xi32>
        %add3A_330 = arith.addi %get3A_329, %gather3A_72 : vector<16xi32>
        %swap3A_331 = arith.index_cast %add3A_256 : i32 to index
        %swap3A_332 = arith.constant 112 : index
        %swap3A_333 = tpu.vector_load %arg13[%swap3A_331, %swap3A_332] {strides = array<i32>} : memref<28x128xi32, #tpu.memory_space<vmem>>, vector<1x16xi32>,
        %swap3A_334 = vector.shape_cast %swap3A_333 : vector<1x16xi32> to vector<16xi32>
        %swap3A_335 = vector.shape_cast %add3A_330 : vector<16xi32> to vector<1x16xi32>
        tpu.vector_store %arg13[%swap3A_331, %swap3A_332], %swap3A_335 {strides = array<i32>} : memref<28x128xi32, #tpu.memory_space<vmem>>, vector<1x16xi32>,
      }
      %scan3A_77 = arith.constant 28 : i32
      %scan3A_78 = arith.constant 0 : i32
      %scan3A_79 = arith.constant 28 : i32
      %scan3A_80 = arith.addi %scan3A_78, %scan3A_79 : i32
      %scan3A_81 = arith.constant 1 : i32
      scf.for %scan3A_252 = %scan3A_78 to %scan3A_80 step %scan3A_81  : i32 {
        %mul3A_253 = arith.constant 1 : i32
        %mul3A_254 = arith.muli %scan3A_252, %mul3A_253 : i32
        %add3A_255 = arith.constant 0 : i32
        %add3A_256 = arith.addi %add3A_255, %mul3A_254 : i32
        %mul3A_257 = arith.constant 128 : i32
        %mul3A_258 = arith.muli %add3A_256, %mul3A_257 : i32
        %dma_start3A = tpu.memref_slice %arg15[%mul3A_258] : memref<3584xf32, #tpu.memory_space<vmem>> -> memref<128xf32, #tpu.memory_space<vmem>>
        %dma_start3A_259 = arith.constant 0 : i32
        %dma_start3A_260 = tpu.memref_slice %arg13[%add3A_256, %dma_start3A_259] : memref<28x128xi32, #tpu.memory_space<vmem>> -> memref<1x128xi32, #tpu.memory_space<vmem>>
        %dma_start3A_261 = tpu.memref_squeeze %dma_start3A_260 : memref<1x128xi32, #tpu.memory_space<vmem>> -> memref<128xi32, #tpu.memory_space<vmem>>
        %dma_start3A_262 = arith.constant 0 : i32
        %dma_start3A_263 = tpu.memref_slice %arg2[%dma_start3A_262] : memref<234881024xf32, #tpu.memory_space<hbm>> -> memref<234881024xf32, #tpu.memory_space<hbm>>
        tpu.enqueue_indirect_dma source(%dma_start3A_263 : memref<234881024xf32, #tpu.memory_space<hbm>>) target(%dma_start3A : memref<128xf32, #tpu.memory_space<vmem>>) offsets(%dma_start3A_261 : memref<128xi32, #tpu.memory_space<vmem>>) semaphore(%arg17 : memref<!tpu.dma_semaphore, #tpu.memory_space<semaphore_mem>>)
      }
      %scan3A_82 = arith.constant 28 : i32
      tpu.wait_dma2 semaphore(%arg18 : memref<!tpu.dma_semaphore, #tpu.memory_space<semaphore_mem>>) src(%arg6 : memref<3584xf32, #tpu.memory_space<hbm>>) dst(%arg16 : memref<3584xf32, #tpu.memory_space<vmem>>)
      %get3A_83 = arith.index_cast %add3A_11 : i32 to index
      %get3A_84 = arith.constant 0 : index
      %get3A_85 = tpu.vector_load %arg8[%get3A_83, %get3A_84] {strides = array<i32>} : memref<8x16xf32, #tpu.memory_space<vmem>>, vector<1x16xf32>,
      %get3A_86 = vector.shape_cast %get3A_85 : vector<1x16xf32> to vector<16xf32>
      %broadcast_in_dim3A_87 = arith.constant 1 : i32
      %broadcast_in_dim3A_88 = vector.broadcast %broadcast_in_dim3A_87 : i32 to vector<16x1xi32>
      %gather3A_89 = vector.shape_cast %broadcast_in_dim3A_88 : vector<16x1xi32> to vector<16xi32>
      %gather3A_90 = tpu.dynamic_gather %get3A_86[%gather3A_89] in [0] : vector<16xf32>, vector<16xi32> -> vector<16xf32>
      %max3A_91 = arith.constant 0.000000e+00 : f32
      %max3A_92 = vector.broadcast %max3A_91 : f32 to vector<16xf32>
      %max3A_93 = arith.maximumf %gather3A_90, %max3A_92 : vector<16xf32>
      %scan3A_94 = arith.constant 0 : i32
      %scan3A_95 = arith.constant 56 : i32
      %scan3A_96 = arith.addi %scan3A_94, %scan3A_95 : i32
      %scan3A_97 = arith.constant 1 : i32
      scf.for %scan3A_252 = %scan3A_94 to %scan3A_96 step %scan3A_97  : i32 {
        %mul3A_253 = arith.constant 64 : i32
        %mul3A_254 = arith.muli %scan3A_252, %mul3A_253 : i32
        %add3A_255 = arith.constant 0 : i32
        %add3A_256 = arith.addi %add3A_255, %mul3A_254 : i32
        %add3A_257 = arith.constant 0 : i32
        %add3A_258 = arith.addi %add3A_256, %add3A_257 : i32
        %get3A_259 = arith.index_cast %add3A_258 : i32 to index
        %get3A_260 = tpu.vector_load %arg12[%get3A_259] {strides = array<i32>} : memref<3584xf32, #tpu.memory_space<vmem>>, vector<16xf32>,
        %get3A_261 = vector.shape_cast %get3A_260 : vector<16xf32> to vector<16xf32>
        %get3A_262 = arith.index_cast %add3A_258 : i32 to index
        %get3A_263 = tpu.vector_load %arg16[%get3A_262] {strides = array<i32>} : memref<3584xf32, #tpu.memory_space<vmem>>, vector<16xf32>,
        %get3A_264 = vector.shape_cast %get3A_263 : vector<16xf32> to vector<16xf32>
        %mul3A_265 = arith.mulf %max3A_93, %get3A_264 : vector<16xf32>
        %add3A_266 = arith.addf %get3A_261, %mul3A_265 : vector<16xf32>
        %swap3A = arith.index_cast %add3A_258 : i32 to index
        %swap3A_267 = tpu.vector_load %arg12[%swap3A] {strides = array<i32>} : memref<3584xf32, #tpu.memory_space<vmem>>, vector<16xf32>,
        %swap3A_268 = vector.shape_cast %swap3A_267 : vector<16xf32> to vector<16xf32>
        %swap3A_269 = vector.shape_cast %add3A_266 : vector<16xf32> to vector<16xf32>
        tpu.vector_store %arg12[%swap3A], %swap3A_269 {strides = array<i32>} : memref<3584xf32, #tpu.memory_space<vmem>>, vector<16xf32>,
        %add3A_270 = arith.constant 16 : i32
        %add3A_271 = arith.addi %add3A_256, %add3A_270 : i32
        %get3A_272 = arith.index_cast %add3A_271 : i32 to index
        %get3A_273 = tpu.vector_load %arg12[%get3A_272] {strides = array<i32>} : memref<3584xf32, #tpu.memory_space<vmem>>, vector<16xf32>,
        %get3A_274 = vector.shape_cast %get3A_273 : vector<16xf32> to vector<16xf32>
        %get3A_275 = arith.index_cast %add3A_271 : i32 to index
        %get3A_276 = tpu.vector_load %arg16[%get3A_275] {strides = array<i32>} : memref<3584xf32, #tpu.memory_space<vmem>>, vector<16xf32>,
        %get3A_277 = vector.shape_cast %get3A_276 : vector<16xf32> to vector<16xf32>
        %mul3A_278 = arith.mulf %max3A_93, %get3A_277 : vector<16xf32>
        %add3A_279 = arith.addf %get3A_274, %mul3A_278 : vector<16xf32>
        %swap3A_280 = arith.index_cast %add3A_271 : i32 to index
        %swap3A_281 = tpu.vector_load %arg12[%swap3A_280] {strides = array<i32>} : memref<3584xf32, #tpu.memory_space<vmem>>, vector<16xf32>,
        %swap3A_282 = vector.shape_cast %swap3A_281 : vector<16xf32> to vector<16xf32>
        %swap3A_283 = vector.shape_cast %add3A_279 : vector<16xf32> to vector<16xf32>
        tpu.vector_store %arg12[%swap3A_280], %swap3A_283 {strides = array<i32>} : memref<3584xf32, #tpu.memory_space<vmem>>, vector<16xf32>,
        %add3A_284 = arith.constant 32 : i32
        %add3A_285 = arith.addi %add3A_256, %add3A_284 : i32
        %get3A_286 = arith.index_cast %add3A_285 : i32 to index
        %get3A_287 = tpu.vector_load %arg12[%get3A_286] {strides = array<i32>} : memref<3584xf32, #tpu.memory_space<vmem>>, vector<16xf32>,
        %get3A_288 = vector.shape_cast %get3A_287 : vector<16xf32> to vector<16xf32>
        %get3A_289 = arith.index_cast %add3A_285 : i32 to index
        %get3A_290 = tpu.vector_load %arg16[%get3A_289] {strides = array<i32>} : memref<3584xf32, #tpu.memory_space<vmem>>, vector<16xf32>,
        %get3A_291 = vector.shape_cast %get3A_290 : vector<16xf32> to vector<16xf32>
        %mul3A_292 = arith.mulf %max3A_93, %get3A_291 : vector<16xf32>
        %add3A_293 = arith.addf %get3A_288, %mul3A_292 : vector<16xf32>
        %swap3A_294 = arith.index_cast %add3A_285 : i32 to index
        %swap3A_295 = tpu.vector_load %arg12[%swap3A_294] {strides = array<i32>} : memref<3584xf32, #tpu.memory_space<vmem>>, vector<16xf32>,
        %swap3A_296 = vector.shape_cast %swap3A_295 : vector<16xf32> to vector<16xf32>
        %swap3A_297 = vector.shape_cast %add3A_293 : vector<16xf32> to vector<16xf32>
        tpu.vector_store %arg12[%swap3A_294], %swap3A_297 {strides = array<i32>} : memref<3584xf32, #tpu.memory_space<vmem>>, vector<16xf32>,
        %add3A_298 = arith.constant 48 : i32
        %add3A_299 = arith.addi %add3A_256, %add3A_298 : i32
        %get3A_300 = arith.index_cast %add3A_299 : i32 to index
        %get3A_301 = tpu.vector_load %arg12[%get3A_300] {strides = array<i32>} : memref<3584xf32, #tpu.memory_space<vmem>>, vector<16xf32>,
        %get3A_302 = vector.shape_cast %get3A_301 : vector<16xf32> to vector<16xf32>
        %get3A_303 = arith.index_cast %add3A_299 : i32 to index
        %get3A_304 = tpu.vector_load %arg16[%get3A_303] {strides = array<i32>} : memref<3584xf32, #tpu.memory_space<vmem>>, vector<16xf32>,
        %get3A_305 = vector.shape_cast %get3A_304 : vector<16xf32> to vector<16xf32>
        %mul3A_306 = arith.mulf %max3A_93, %get3A_305 : vector<16xf32>
        %add3A_307 = arith.addf %get3A_302, %mul3A_306 : vector<16xf32>
        %swap3A_308 = arith.index_cast %add3A_299 : i32 to index
        %swap3A_309 = tpu.vector_load %arg12[%swap3A_308] {strides = array<i32>} : memref<3584xf32, #tpu.memory_space<vmem>>, vector<16xf32>,
        %swap3A_310 = vector.shape_cast %swap3A_309 : vector<16xf32> to vector<16xf32>
        %swap3A_311 = vector.shape_cast %add3A_307 : vector<16xf32> to vector<16xf32>
        tpu.vector_store %arg12[%swap3A_308], %swap3A_311 {strides = array<i32>} : memref<3584xf32, #tpu.memory_space<vmem>>, vector<16xf32>,
      }
      %scan3A_98 = arith.constant 56 : i32
      %get3A_99 = arith.index_cast %add3A_11 : i32 to index
      %get3A_100 = arith.constant 0 : index
      %get3A_101 = tpu.vector_load %arg9[%get3A_99, %get3A_100] {strides = array<i32>} : memref<8x16xi32, #tpu.memory_space<vmem>>, vector<1x16xi32>,
      %get3A_102 = vector.shape_cast %get3A_101 : vector<1x16xi32> to vector<16xi32>
      %broadcast_in_dim3A_103 = arith.constant 3 : i32
      %broadcast_in_dim3A_104 = vector.broadcast %broadcast_in_dim3A_103 : i32 to vector<16x1xi32>
      %gather3A_105 = vector.shape_cast %broadcast_in_dim3A_104 : vector<16x1xi32> to vector<16xi32>
      %gather3A_106 = tpu.dynamic_gather %get3A_102[%gather3A_105] in [0] : vector<16xi32>, vector<16xi32> -> vector<16xi32>
      %scan3A_107 = arith.constant 0 : i32
      %scan3A_108 = arith.constant 28 : i32
      %scan3A_109 = arith.addi %scan3A_107, %scan3A_108 : i32
      %scan3A_110 = arith.constant 1 : i32
      scf.for %scan3A_252 = %scan3A_107 to %scan3A_109 step %scan3A_110  : i32 {
        %mul3A_253 = arith.constant 1 : i32
        %mul3A_254 = arith.muli %scan3A_252, %mul3A_253 : i32
        %add3A_255 = arith.constant 0 : i32
        %add3A_256 = arith.addi %add3A_255, %mul3A_254 : i32
        %get3A_257 = arith.index_cast %add3A_256 : i32 to index
        %get3A_258 = arith.constant 0 : index
        %get3A_259 = tpu.vector_load %arg10[%get3A_257, %get3A_258] {strides = array<i32>} : memref<28x128xi32, #tpu.memory_space<vmem>>, vector<1x16xi32>,
        %get3A_260 = vector.shape_cast %get3A_259 : vector<1x16xi32> to vector<16xi32>
        %add3A_261 = arith.addi %get3A_260, %gather3A_106 : vector<16xi32>
        %swap3A = arith.index_cast %add3A_256 : i32 to index
        %swap3A_262 = arith.constant 0 : index
        %swap3A_263 = tpu.vector_load %arg14[%swap3A, %swap3A_262] {strides = array<i32>} : memref<28x128xi32, #tpu.memory_space<vmem>>, vector<1x16xi32>,
        %swap3A_264 = vector.shape_cast %swap3A_263 : vector<1x16xi32> to vector<16xi32>
        %swap3A_265 = vector.shape_cast %add3A_261 : vector<16xi32> to vector<1x16xi32>
        tpu.vector_store %arg14[%swap3A, %swap3A_262], %swap3A_265 {strides = array<i32>} : memref<28x128xi32, #tpu.memory_space<vmem>>, vector<1x16xi32>,
        %get3A_266 = arith.index_cast %add3A_256 : i32 to index
        %get3A_267 = arith.constant 16 : index
        %get3A_268 = tpu.vector_load %arg10[%get3A_266, %get3A_267] {strides = array<i32>} : memref<28x128xi32, #tpu.memory_space<vmem>>, vector<1x16xi32>,
        %get3A_269 = vector.shape_cast %get3A_268 : vector<1x16xi32> to vector<16xi32>
        %add3A_270 = arith.addi %get3A_269, %gather3A_106 : vector<16xi32>
        %swap3A_271 = arith.index_cast %add3A_256 : i32 to index
        %swap3A_272 = arith.constant 16 : index
        %swap3A_273 = tpu.vector_load %arg14[%swap3A_271, %swap3A_272] {strides = array<i32>} : memref<28x128xi32, #tpu.memory_space<vmem>>, vector<1x16xi32>,
        %swap3A_274 = vector.shape_cast %swap3A_273 : vector<1x16xi32> to vector<16xi32>
        %swap3A_275 = vector.shape_cast %add3A_270 : vector<16xi32> to vector<1x16xi32>
        tpu.vector_store %arg14[%swap3A_271, %swap3A_272], %swap3A_275 {strides = array<i32>} : memref<28x128xi32, #tpu.memory_space<vmem>>, vector<1x16xi32>,
        %get3A_276 = arith.index_cast %add3A_256 : i32 to index
        %get3A_277 = arith.constant 32 : index
        %get3A_278 = tpu.vector_load %arg10[%get3A_276, %get3A_277] {strides = array<i32>} : memref<28x128xi32, #tpu.memory_space<vmem>>, vector<1x16xi32>,
        %get3A_279 = vector.shape_cast %get3A_278 : vector<1x16xi32> to vector<16xi32>
        %add3A_280 = arith.addi %get3A_279, %gather3A_106 : vector<16xi32>
        %swap3A_281 = arith.index_cast %add3A_256 : i32 to index
        %swap3A_282 = arith.constant 32 : index
        %swap3A_283 = tpu.vector_load %arg14[%swap3A_281, %swap3A_282] {strides = array<i32>} : memref<28x128xi32, #tpu.memory_space<vmem>>, vector<1x16xi32>,
        %swap3A_284 = vector.shape_cast %swap3A_283 : vector<1x16xi32> to vector<16xi32>
        %swap3A_285 = vector.shape_cast %add3A_280 : vector<16xi32> to vector<1x16xi32>
        tpu.vector_store %arg14[%swap3A_281, %swap3A_282], %swap3A_285 {strides = array<i32>} : memref<28x128xi32, #tpu.memory_space<vmem>>, vector<1x16xi32>,
        %get3A_286 = arith.index_cast %add3A_256 : i32 to index
        %get3A_287 = arith.constant 48 : index
        %get3A_288 = tpu.vector_load %arg10[%get3A_286, %get3A_287] {strides = array<i32>} : memref<28x128xi32, #tpu.memory_space<vmem>>, vector<1x16xi32>,
        %get3A_289 = vector.shape_cast %get3A_288 : vector<1x16xi32> to vector<16xi32>
        %add3A_290 = arith.addi %get3A_289, %gather3A_106 : vector<16xi32>
        %swap3A_291 = arith.index_cast %add3A_256 : i32 to index
        %swap3A_292 = arith.constant 48 : index
        %swap3A_293 = tpu.vector_load %arg14[%swap3A_291, %swap3A_292] {strides = array<i32>} : memref<28x128xi32, #tpu.memory_space<vmem>>, vector<1x16xi32>,
        %swap3A_294 = vector.shape_cast %swap3A_293 : vector<1x16xi32> to vector<16xi32>
        %swap3A_295 = vector.shape_cast %add3A_290 : vector<16xi32> to vector<1x16xi32>
        tpu.vector_store %arg14[%swap3A_291, %swap3A_292], %swap3A_295 {strides = array<i32>} : memref<28x128xi32, #tpu.memory_space<vmem>>, vector<1x16xi32>,
        %get3A_296 = arith.index_cast %add3A_256 : i32 to index
        %get3A_297 = arith.constant 64 : index
        %get3A_298 = tpu.vector_load %arg10[%get3A_296, %get3A_297] {strides = array<i32>} : memref<28x128xi32, #tpu.memory_space<vmem>>, vector<1x16xi32>,
        %get3A_299 = vector.shape_cast %get3A_298 : vector<1x16xi32> to vector<16xi32>
        %add3A_300 = arith.addi %get3A_299, %gather3A_106 : vector<16xi32>
        %swap3A_301 = arith.index_cast %add3A_256 : i32 to index
        %swap3A_302 = arith.constant 64 : index
        %swap3A_303 = tpu.vector_load %arg14[%swap3A_301, %swap3A_302] {strides = array<i32>} : memref<28x128xi32, #tpu.memory_space<vmem>>, vector<1x16xi32>,
        %swap3A_304 = vector.shape_cast %swap3A_303 : vector<1x16xi32> to vector<16xi32>
        %swap3A_305 = vector.shape_cast %add3A_300 : vector<16xi32> to vector<1x16xi32>
        tpu.vector_store %arg14[%swap3A_301, %swap3A_302], %swap3A_305 {strides = array<i32>} : memref<28x128xi32, #tpu.memory_space<vmem>>, vector<1x16xi32>,
        %get3A_306 = arith.index_cast %add3A_256 : i32 to index
        %get3A_307 = arith.constant 80 : index
        %get3A_308 = tpu.vector_load %arg10[%get3A_306, %get3A_307] {strides = array<i32>} : memref<28x128xi32, #tpu.memory_space<vmem>>, vector<1x16xi32>,
        %get3A_309 = vector.shape_cast %get3A_308 : vector<1x16xi32> to vector<16xi32>
        %add3A_310 = arith.addi %get3A_309, %gather3A_106 : vector<16xi32>
        %swap3A_311 = arith.index_cast %add3A_256 : i32 to index
        %swap3A_312 = arith.constant 80 : index
        %swap3A_313 = tpu.vector_load %arg14[%swap3A_311, %swap3A_312] {strides = array<i32>} : memref<28x128xi32, #tpu.memory_space<vmem>>, vector<1x16xi32>,
        %swap3A_314 = vector.shape_cast %swap3A_313 : vector<1x16xi32> to vector<16xi32>
        %swap3A_315 = vector.shape_cast %add3A_310 : vector<16xi32> to vector<1x16xi32>
        tpu.vector_store %arg14[%swap3A_311, %swap3A_312], %swap3A_315 {strides = array<i32>} : memref<28x128xi32, #tpu.memory_space<vmem>>, vector<1x16xi32>,
        %get3A_316 = arith.index_cast %add3A_256 : i32 to index
        %get3A_317 = arith.constant 96 : index
        %get3A_318 = tpu.vector_load %arg10[%get3A_316, %get3A_317] {strides = array<i32>} : memref<28x128xi32, #tpu.memory_space<vmem>>, vector<1x16xi32>,
        %get3A_319 = vector.shape_cast %get3A_318 : vector<1x16xi32> to vector<16xi32>
        %add3A_320 = arith.addi %get3A_319, %gather3A_106 : vector<16xi32>
        %swap3A_321 = arith.index_cast %add3A_256 : i32 to index
        %swap3A_322 = arith.constant 96 : index
        %swap3A_323 = tpu.vector_load %arg14[%swap3A_321, %swap3A_322] {strides = array<i32>} : memref<28x128xi32, #tpu.memory_space<vmem>>, vector<1x16xi32>,
        %swap3A_324 = vector.shape_cast %swap3A_323 : vector<1x16xi32> to vector<16xi32>
        %swap3A_325 = vector.shape_cast %add3A_320 : vector<16xi32> to vector<1x16xi32>
        tpu.vector_store %arg14[%swap3A_321, %swap3A_322], %swap3A_325 {strides = array<i32>} : memref<28x128xi32, #tpu.memory_space<vmem>>, vector<1x16xi32>,
        %get3A_326 = arith.index_cast %add3A_256 : i32 to index
        %get3A_327 = arith.constant 112 : index
        %get3A_328 = tpu.vector_load %arg10[%get3A_326, %get3A_327] {strides = array<i32>} : memref<28x128xi32, #tpu.memory_space<vmem>>, vector<1x16xi32>,
        %get3A_329 = vector.shape_cast %get3A_328 : vector<1x16xi32> to vector<16xi32>
        %add3A_330 = arith.addi %get3A_329, %gather3A_106 : vector<16xi32>
        %swap3A_331 = arith.index_cast %add3A_256 : i32 to index
        %swap3A_332 = arith.constant 112 : index
        %swap3A_333 = tpu.vector_load %arg14[%swap3A_331, %swap3A_332] {strides = array<i32>} : memref<28x128xi32, #tpu.memory_space<vmem>>, vector<1x16xi32>,
        %swap3A_334 = vector.shape_cast %swap3A_333 : vector<1x16xi32> to vector<16xi32>
        %swap3A_335 = vector.shape_cast %add3A_330 : vector<16xi32> to vector<1x16xi32>
        tpu.vector_store %arg14[%swap3A_331, %swap3A_332], %swap3A_335 {strides = array<i32>} : memref<28x128xi32, #tpu.memory_space<vmem>>, vector<1x16xi32>,
      }
      %scan3A_111 = arith.constant 28 : i32
      %scan3A_112 = arith.constant 0 : i32
      %scan3A_113 = arith.constant 28 : i32
      %scan3A_114 = arith.addi %scan3A_112, %scan3A_113 : i32
      %scan3A_115 = arith.constant 1 : i32
      scf.for %scan3A_252 = %scan3A_112 to %scan3A_114 step %scan3A_115  : i32 {
        %mul3A_253 = arith.constant 1 : i32
        %mul3A_254 = arith.muli %scan3A_252, %mul3A_253 : i32
        %add3A_255 = arith.constant 0 : i32
        %add3A_256 = arith.addi %add3A_255, %mul3A_254 : i32
        %mul3A_257 = arith.constant 128 : i32
        %mul3A_258 = arith.muli %add3A_256, %mul3A_257 : i32
        %dma_start3A = tpu.memref_slice %arg16[%mul3A_258] : memref<3584xf32, #tpu.memory_space<vmem>> -> memref<128xf32, #tpu.memory_space<vmem>>
        %dma_start3A_259 = arith.constant 0 : i32
        %dma_start3A_260 = tpu.memref_slice %arg14[%add3A_256, %dma_start3A_259] : memref<28x128xi32, #tpu.memory_space<vmem>> -> memref<1x128xi32, #tpu.memory_space<vmem>>
        %dma_start3A_261 = tpu.memref_squeeze %dma_start3A_260 : memref<1x128xi32, #tpu.memory_space<vmem>> -> memref<128xi32, #tpu.memory_space<vmem>>
        %dma_start3A_262 = arith.constant 0 : i32
        %dma_start3A_263 = tpu.memref_slice %arg2[%dma_start3A_262] : memref<234881024xf32, #tpu.memory_space<hbm>> -> memref<234881024xf32, #tpu.memory_space<hbm>>
        tpu.enqueue_indirect_dma source(%dma_start3A_263 : memref<234881024xf32, #tpu.memory_space<hbm>>) target(%dma_start3A : memref<128xf32, #tpu.memory_space<vmem>>) offsets(%dma_start3A_261 : memref<128xi32, #tpu.memory_space<vmem>>) semaphore(%arg18 : memref<!tpu.dma_semaphore, #tpu.memory_space<semaphore_mem>>)
      }
      %scan3A_116 = arith.constant 28 : i32
      tpu.wait_dma2 semaphore(%arg17 : memref<!tpu.dma_semaphore, #tpu.memory_space<semaphore_mem>>) src(%arg6 : memref<3584xf32, #tpu.memory_space<hbm>>) dst(%arg15 : memref<3584xf32, #tpu.memory_space<vmem>>)
      %get3A_117 = arith.index_cast %add3A_11 : i32 to index
      %get3A_118 = arith.constant 0 : index
      %get3A_119 = tpu.vector_load %arg8[%get3A_117, %get3A_118] {strides = array<i32>} : memref<8x16xf32, #tpu.memory_space<vmem>>, vector<1x16xf32>,
      %get3A_120 = vector.shape_cast %get3A_119 : vector<1x16xf32> to vector<16xf32>
      %broadcast_in_dim3A_121 = arith.constant 2 : i32
      %broadcast_in_dim3A_122 = vector.broadcast %broadcast_in_dim3A_121 : i32 to vector<16x1xi32>
      %gather3A_123 = vector.shape_cast %broadcast_in_dim3A_122 : vector<16x1xi32> to vector<16xi32>
      %gather3A_124 = tpu.dynamic_gather %get3A_120[%gather3A_123] in [0] : vector<16xf32>, vector<16xi32> -> vector<16xf32>
      %max3A_125 = arith.constant 0.000000e+00 : f32
      %max3A_126 = vector.broadcast %max3A_125 : f32 to vector<16xf32>
      %max3A_127 = arith.maximumf %gather3A_124, %max3A_126 : vector<16xf32>
      %scan3A_128 = arith.constant 0 : i32
      %scan3A_129 = arith.constant 56 : i32
      %scan3A_130 = arith.addi %scan3A_128, %scan3A_129 : i32
      %scan3A_131 = arith.constant 1 : i32
      scf.for %scan3A_252 = %scan3A_128 to %scan3A_130 step %scan3A_131  : i32 {
        %mul3A_253 = arith.constant 64 : i32
        %mul3A_254 = arith.muli %scan3A_252, %mul3A_253 : i32
        %add3A_255 = arith.constant 0 : i32
        %add3A_256 = arith.addi %add3A_255, %mul3A_254 : i32
        %add3A_257 = arith.constant 0 : i32
        %add3A_258 = arith.addi %add3A_256, %add3A_257 : i32
        %get3A_259 = arith.index_cast %add3A_258 : i32 to index
        %get3A_260 = tpu.vector_load %arg12[%get3A_259] {strides = array<i32>} : memref<3584xf32, #tpu.memory_space<vmem>>, vector<16xf32>,
        %get3A_261 = vector.shape_cast %get3A_260 : vector<16xf32> to vector<16xf32>
        %get3A_262 = arith.index_cast %add3A_258 : i32 to index
        %get3A_263 = tpu.vector_load %arg15[%get3A_262] {strides = array<i32>} : memref<3584xf32, #tpu.memory_space<vmem>>, vector<16xf32>,
        %get3A_264 = vector.shape_cast %get3A_263 : vector<16xf32> to vector<16xf32>
        %mul3A_265 = arith.mulf %max3A_127, %get3A_264 : vector<16xf32>
        %add3A_266 = arith.addf %get3A_261, %mul3A_265 : vector<16xf32>
        %swap3A = arith.index_cast %add3A_258 : i32 to index
        %swap3A_267 = tpu.vector_load %arg12[%swap3A] {strides = array<i32>} : memref<3584xf32, #tpu.memory_space<vmem>>, vector<16xf32>,
        %swap3A_268 = vector.shape_cast %swap3A_267 : vector<16xf32> to vector<16xf32>
        %swap3A_269 = vector.shape_cast %add3A_266 : vector<16xf32> to vector<16xf32>
        tpu.vector_store %arg12[%swap3A], %swap3A_269 {strides = array<i32>} : memref<3584xf32, #tpu.memory_space<vmem>>, vector<16xf32>,
        %add3A_270 = arith.constant 16 : i32
        %add3A_271 = arith.addi %add3A_256, %add3A_270 : i32
        %get3A_272 = arith.index_cast %add3A_271 : i32 to index
        %get3A_273 = tpu.vector_load %arg12[%get3A_272] {strides = array<i32>} : memref<3584xf32, #tpu.memory_space<vmem>>, vector<16xf32>,
        %get3A_274 = vector.shape_cast %get3A_273 : vector<16xf32> to vector<16xf32>
        %get3A_275 = arith.index_cast %add3A_271 : i32 to index
        %get3A_276 = tpu.vector_load %arg15[%get3A_275] {strides = array<i32>} : memref<3584xf32, #tpu.memory_space<vmem>>, vector<16xf32>,
        %get3A_277 = vector.shape_cast %get3A_276 : vector<16xf32> to vector<16xf32>
        %mul3A_278 = arith.mulf %max3A_127, %get3A_277 : vector<16xf32>
        %add3A_279 = arith.addf %get3A_274, %mul3A_278 : vector<16xf32>
        %swap3A_280 = arith.index_cast %add3A_271 : i32 to index
        %swap3A_281 = tpu.vector_load %arg12[%swap3A_280] {strides = array<i32>} : memref<3584xf32, #tpu.memory_space<vmem>>, vector<16xf32>,
        %swap3A_282 = vector.shape_cast %swap3A_281 : vector<16xf32> to vector<16xf32>
        %swap3A_283 = vector.shape_cast %add3A_279 : vector<16xf32> to vector<16xf32>
        tpu.vector_store %arg12[%swap3A_280], %swap3A_283 {strides = array<i32>} : memref<3584xf32, #tpu.memory_space<vmem>>, vector<16xf32>,
        %add3A_284 = arith.constant 32 : i32
        %add3A_285 = arith.addi %add3A_256, %add3A_284 : i32
        %get3A_286 = arith.index_cast %add3A_285 : i32 to index
        %get3A_287 = tpu.vector_load %arg12[%get3A_286] {strides = array<i32>} : memref<3584xf32, #tpu.memory_space<vmem>>, vector<16xf32>,
        %get3A_288 = vector.shape_cast %get3A_287 : vector<16xf32> to vector<16xf32>
        %get3A_289 = arith.index_cast %add3A_285 : i32 to index
        %get3A_290 = tpu.vector_load %arg15[%get3A_289] {strides = array<i32>} : memref<3584xf32, #tpu.memory_space<vmem>>, vector<16xf32>,
        %get3A_291 = vector.shape_cast %get3A_290 : vector<16xf32> to vector<16xf32>
        %mul3A_292 = arith.mulf %max3A_127, %get3A_291 : vector<16xf32>
        %add3A_293 = arith.addf %get3A_288, %mul3A_292 : vector<16xf32>
        %swap3A_294 = arith.index_cast %add3A_285 : i32 to index
        %swap3A_295 = tpu.vector_load %arg12[%swap3A_294] {strides = array<i32>} : memref<3584xf32, #tpu.memory_space<vmem>>, vector<16xf32>,
        %swap3A_296 = vector.shape_cast %swap3A_295 : vector<16xf32> to vector<16xf32>
        %swap3A_297 = vector.shape_cast %add3A_293 : vector<16xf32> to vector<16xf32>
        tpu.vector_store %arg12[%swap3A_294], %swap3A_297 {strides = array<i32>} : memref<3584xf32, #tpu.memory_space<vmem>>, vector<16xf32>,
        %add3A_298 = arith.constant 48 : i32
        %add3A_299 = arith.addi %add3A_256, %add3A_298 : i32
        %get3A_300 = arith.index_cast %add3A_299 : i32 to index
        %get3A_301 = tpu.vector_load %arg12[%get3A_300] {strides = array<i32>} : memref<3584xf32, #tpu.memory_space<vmem>>, vector<16xf32>,
        %get3A_302 = vector.shape_cast %get3A_301 : vector<16xf32> to vector<16xf32>
        %get3A_303 = arith.index_cast %add3A_299 : i32 to index
        %get3A_304 = tpu.vector_load %arg15[%get3A_303] {strides = array<i32>} : memref<3584xf32, #tpu.memory_space<vmem>>, vector<16xf32>,
        %get3A_305 = vector.shape_cast %get3A_304 : vector<16xf32> to vector<16xf32>
        %mul3A_306 = arith.mulf %max3A_127, %get3A_305 : vector<16xf32>
        %add3A_307 = arith.addf %get3A_302, %mul3A_306 : vector<16xf32>
        %swap3A_308 = arith.index_cast %add3A_299 : i32 to index
        %swap3A_309 = tpu.vector_load %arg12[%swap3A_308] {strides = array<i32>} : memref<3584xf32, #tpu.memory_space<vmem>>, vector<16xf32>,
        %swap3A_310 = vector.shape_cast %swap3A_309 : vector<16xf32> to vector<16xf32>
        %swap3A_311 = vector.shape_cast %add3A_307 : vector<16xf32> to vector<16xf32>
        tpu.vector_store %arg12[%swap3A_308], %swap3A_311 {strides = array<i32>} : memref<3584xf32, #tpu.memory_space<vmem>>, vector<16xf32>,
      }
      %scan3A_132 = arith.constant 56 : i32
      %get3A_133 = arith.index_cast %add3A_11 : i32 to index
      %get3A_134 = arith.constant 0 : index
      %get3A_135 = tpu.vector_load %arg9[%get3A_133, %get3A_134] {strides = array<i32>} : memref<8x16xi32, #tpu.memory_space<vmem>>, vector<1x16xi32>,
      %get3A_136 = vector.shape_cast %get3A_135 : vector<1x16xi32> to vector<16xi32>
      %broadcast_in_dim3A_137 = arith.constant 4 : i32
      %broadcast_in_dim3A_138 = vector.broadcast %broadcast_in_dim3A_137 : i32 to vector<16x1xi32>
      %gather3A_139 = vector.shape_cast %broadcast_in_dim3A_138 : vector<16x1xi32> to vector<16xi32>
      %gather3A_140 = tpu.dynamic_gather %get3A_136[%gather3A_139] in [0] : vector<16xi32>, vector<16xi32> -> vector<16xi32>
      %scan3A_141 = arith.constant 0 : i32
      %scan3A_142 = arith.constant 28 : i32
      %scan3A_143 = arith.addi %scan3A_141, %scan3A_142 : i32
      %scan3A_144 = arith.constant 1 : i32
      scf.for %scan3A_252 = %scan3A_141 to %scan3A_143 step %scan3A_144  : i32 {
        %mul3A_253 = arith.constant 1 : i32
        %mul3A_254 = arith.muli %scan3A_252, %mul3A_253 : i32
        %add3A_255 = arith.constant 0 : i32
        %add3A_256 = arith.addi %add3A_255, %mul3A_254 : i32
        %get3A_257 = arith.index_cast %add3A_256 : i32 to index
        %get3A_258 = arith.constant 0 : index
        %get3A_259 = tpu.vector_load %arg10[%get3A_257, %get3A_258] {strides = array<i32>} : memref<28x128xi32, #tpu.memory_space<vmem>>, vector<1x16xi32>,
        %get3A_260 = vector.shape_cast %get3A_259 : vector<1x16xi32> to vector<16xi32>
        %add3A_261 = arith.addi %get3A_260, %gather3A_140 : vector<16xi32>
        %swap3A = arith.index_cast %add3A_256 : i32 to index
        %swap3A_262 = arith.constant 0 : index
        %swap3A_263 = tpu.vector_load %arg13[%swap3A, %swap3A_262] {strides = array<i32>} : memref<28x128xi32, #tpu.memory_space<vmem>>, vector<1x16xi32>,
        %swap3A_264 = vector.shape_cast %swap3A_263 : vector<1x16xi32> to vector<16xi32>
        %swap3A_265 = vector.shape_cast %add3A_261 : vector<16xi32> to vector<1x16xi32>
        tpu.vector_store %arg13[%swap3A, %swap3A_262], %swap3A_265 {strides = array<i32>} : memref<28x128xi32, #tpu.memory_space<vmem>>, vector<1x16xi32>,
        %get3A_266 = arith.index_cast %add3A_256 : i32 to index
        %get3A_267 = arith.constant 16 : index
        %get3A_268 = tpu.vector_load %arg10[%get3A_266, %get3A_267] {strides = array<i32>} : memref<28x128xi32, #tpu.memory_space<vmem>>, vector<1x16xi32>,
        %get3A_269 = vector.shape_cast %get3A_268 : vector<1x16xi32> to vector<16xi32>
        %add3A_270 = arith.addi %get3A_269, %gather3A_140 : vector<16xi32>
        %swap3A_271 = arith.index_cast %add3A_256 : i32 to index
        %swap3A_272 = arith.constant 16 : index
        %swap3A_273 = tpu.vector_load %arg13[%swap3A_271, %swap3A_272] {strides = array<i32>} : memref<28x128xi32, #tpu.memory_space<vmem>>, vector<1x16xi32>,
        %swap3A_274 = vector.shape_cast %swap3A_273 : vector<1x16xi32> to vector<16xi32>
        %swap3A_275 = vector.shape_cast %add3A_270 : vector<16xi32> to vector<1x16xi32>
        tpu.vector_store %arg13[%swap3A_271, %swap3A_272], %swap3A_275 {strides = array<i32>} : memref<28x128xi32, #tpu.memory_space<vmem>>, vector<1x16xi32>,
        %get3A_276 = arith.index_cast %add3A_256 : i32 to index
        %get3A_277 = arith.constant 32 : index
        %get3A_278 = tpu.vector_load %arg10[%get3A_276, %get3A_277] {strides = array<i32>} : memref<28x128xi32, #tpu.memory_space<vmem>>, vector<1x16xi32>,
        %get3A_279 = vector.shape_cast %get3A_278 : vector<1x16xi32> to vector<16xi32>
        %add3A_280 = arith.addi %get3A_279, %gather3A_140 : vector<16xi32>
        %swap3A_281 = arith.index_cast %add3A_256 : i32 to index
        %swap3A_282 = arith.constant 32 : index
        %swap3A_283 = tpu.vector_load %arg13[%swap3A_281, %swap3A_282] {strides = array<i32>} : memref<28x128xi32, #tpu.memory_space<vmem>>, vector<1x16xi32>,
        %swap3A_284 = vector.shape_cast %swap3A_283 : vector<1x16xi32> to vector<16xi32>
        %swap3A_285 = vector.shape_cast %add3A_280 : vector<16xi32> to vector<1x16xi32>
        tpu.vector_store %arg13[%swap3A_281, %swap3A_282], %swap3A_285 {strides = array<i32>} : memref<28x128xi32, #tpu.memory_space<vmem>>, vector<1x16xi32>,
        %get3A_286 = arith.index_cast %add3A_256 : i32 to index
        %get3A_287 = arith.constant 48 : index
        %get3A_288 = tpu.vector_load %arg10[%get3A_286, %get3A_287] {strides = array<i32>} : memref<28x128xi32, #tpu.memory_space<vmem>>, vector<1x16xi32>,
        %get3A_289 = vector.shape_cast %get3A_288 : vector<1x16xi32> to vector<16xi32>
        %add3A_290 = arith.addi %get3A_289, %gather3A_140 : vector<16xi32>
        %swap3A_291 = arith.index_cast %add3A_256 : i32 to index
        %swap3A_292 = arith.constant 48 : index
        %swap3A_293 = tpu.vector_load %arg13[%swap3A_291, %swap3A_292] {strides = array<i32>} : memref<28x128xi32, #tpu.memory_space<vmem>>, vector<1x16xi32>,
        %swap3A_294 = vector.shape_cast %swap3A_293 : vector<1x16xi32> to vector<16xi32>
        %swap3A_295 = vector.shape_cast %add3A_290 : vector<16xi32> to vector<1x16xi32>
        tpu.vector_store %arg13[%swap3A_291, %swap3A_292], %swap3A_295 {strides = array<i32>} : memref<28x128xi32, #tpu.memory_space<vmem>>, vector<1x16xi32>,
        %get3A_296 = arith.index_cast %add3A_256 : i32 to index
        %get3A_297 = arith.constant 64 : index
        %get3A_298 = tpu.vector_load %arg10[%get3A_296, %get3A_297] {strides = array<i32>} : memref<28x128xi32, #tpu.memory_space<vmem>>, vector<1x16xi32>,
        %get3A_299 = vector.shape_cast %get3A_298 : vector<1x16xi32> to vector<16xi32>
        %add3A_300 = arith.addi %get3A_299, %gather3A_140 : vector<16xi32>
        %swap3A_301 = arith.index_cast %add3A_256 : i32 to index
        %swap3A_302 = arith.constant 64 : index
        %swap3A_303 = tpu.vector_load %arg13[%swap3A_301, %swap3A_302] {strides = array<i32>} : memref<28x128xi32, #tpu.memory_space<vmem>>, vector<1x16xi32>,
        %swap3A_304 = vector.shape_cast %swap3A_303 : vector<1x16xi32> to vector<16xi32>
        %swap3A_305 = vector.shape_cast %add3A_300 : vector<16xi32> to vector<1x16xi32>
        tpu.vector_store %arg13[%swap3A_301, %swap3A_302], %swap3A_305 {strides = array<i32>} : memref<28x128xi32, #tpu.memory_space<vmem>>, vector<1x16xi32>,
        %get3A_306 = arith.index_cast %add3A_256 : i32 to index
        %get3A_307 = arith.constant 80 : index
        %get3A_308 = tpu.vector_load %arg10[%get3A_306, %get3A_307] {strides = array<i32>} : memref<28x128xi32, #tpu.memory_space<vmem>>, vector<1x16xi32>,
        %get3A_309 = vector.shape_cast %get3A_308 : vector<1x16xi32> to vector<16xi32>
        %add3A_310 = arith.addi %get3A_309, %gather3A_140 : vector<16xi32>
        %swap3A_311 = arith.index_cast %add3A_256 : i32 to index
        %swap3A_312 = arith.constant 80 : index
        %swap3A_313 = tpu.vector_load %arg13[%swap3A_311, %swap3A_312] {strides = array<i32>} : memref<28x128xi32, #tpu.memory_space<vmem>>, vector<1x16xi32>,
        %swap3A_314 = vector.shape_cast %swap3A_313 : vector<1x16xi32> to vector<16xi32>
        %swap3A_315 = vector.shape_cast %add3A_310 : vector<16xi32> to vector<1x16xi32>
        tpu.vector_store %arg13[%swap3A_311, %swap3A_312], %swap3A_315 {strides = array<i32>} : memref<28x128xi32, #tpu.memory_space<vmem>>, vector<1x16xi32>,
        %get3A_316 = arith.index_cast %add3A_256 : i32 to index
        %get3A_317 = arith.constant 96 : index
        %get3A_318 = tpu.vector_load %arg10[%get3A_316, %get3A_317] {strides = array<i32>} : memref<28x128xi32, #tpu.memory_space<vmem>>, vector<1x16xi32>,
        %get3A_319 = vector.shape_cast %get3A_318 : vector<1x16xi32> to vector<16xi32>
        %add3A_320 = arith.addi %get3A_319, %gather3A_140 : vector<16xi32>
        %swap3A_321 = arith.index_cast %add3A_256 : i32 to index
        %swap3A_322 = arith.constant 96 : index
        %swap3A_323 = tpu.vector_load %arg13[%swap3A_321, %swap3A_322] {strides = array<i32>} : memref<28x128xi32, #tpu.memory_space<vmem>>, vector<1x16xi32>,
        %swap3A_324 = vector.shape_cast %swap3A_323 : vector<1x16xi32> to vector<16xi32>
        %swap3A_325 = vector.shape_cast %add3A_320 : vector<16xi32> to vector<1x16xi32>
        tpu.vector_store %arg13[%swap3A_321, %swap3A_322], %swap3A_325 {strides = array<i32>} : memref<28x128xi32, #tpu.memory_space<vmem>>, vector<1x16xi32>,
        %get3A_326 = arith.index_cast %add3A_256 : i32 to index
        %get3A_327 = arith.constant 112 : index
        %get3A_328 = tpu.vector_load %arg10[%get3A_326, %get3A_327] {strides = array<i32>} : memref<28x128xi32, #tpu.memory_space<vmem>>, vector<1x16xi32>,
        %get3A_329 = vector.shape_cast %get3A_328 : vector<1x16xi32> to vector<16xi32>
        %add3A_330 = arith.addi %get3A_329, %gather3A_140 : vector<16xi32>
        %swap3A_331 = arith.index_cast %add3A_256 : i32 to index
        %swap3A_332 = arith.constant 112 : index
        %swap3A_333 = tpu.vector_load %arg13[%swap3A_331, %swap3A_332] {strides = array<i32>} : memref<28x128xi32, #tpu.memory_space<vmem>>, vector<1x16xi32>,
        %swap3A_334 = vector.shape_cast %swap3A_333 : vector<1x16xi32> to vector<16xi32>
        %swap3A_335 = vector.shape_cast %add3A_330 : vector<16xi32> to vector<1x16xi32>
        tpu.vector_store %arg13[%swap3A_331, %swap3A_332], %swap3A_335 {strides = array<i32>} : memref<28x128xi32, #tpu.memory_space<vmem>>, vector<1x16xi32>,
      }
      %scan3A_145 = arith.constant 28 : i32
      %scan3A_146 = arith.constant 0 : i32
      %scan3A_147 = arith.constant 28 : i32
      %scan3A_148 = arith.addi %scan3A_146, %scan3A_147 : i32
      %scan3A_149 = arith.constant 1 : i32
      scf.for %scan3A_252 = %scan3A_146 to %scan3A_148 step %scan3A_149  : i32 {
        %mul3A_253 = arith.constant 1 : i32
        %mul3A_254 = arith.muli %scan3A_252, %mul3A_253 : i32
        %add3A_255 = arith.constant 0 : i32
        %add3A_256 = arith.addi %add3A_255, %mul3A_254 : i32
        %mul3A_257 = arith.constant 128 : i32
        %mul3A_258 = arith.muli %add3A_256, %mul3A_257 : i32
        %dma_start3A = tpu.memref_slice %arg15[%mul3A_258] : memref<3584xf32, #tpu.memory_space<vmem>> -> memref<128xf32, #tpu.memory_space<vmem>>
        %dma_start3A_259 = arith.constant 0 : i32
        %dma_start3A_260 = tpu.memref_slice %arg13[%add3A_256, %dma_start3A_259] : memref<28x128xi32, #tpu.memory_space<vmem>> -> memref<1x128xi32, #tpu.memory_space<vmem>>
        %dma_start3A_261 = tpu.memref_squeeze %dma_start3A_260 : memref<1x128xi32, #tpu.memory_space<vmem>> -> memref<128xi32, #tpu.memory_space<vmem>>
        %dma_start3A_262 = arith.constant 0 : i32
        %dma_start3A_263 = tpu.memref_slice %arg2[%dma_start3A_262] : memref<234881024xf32, #tpu.memory_space<hbm>> -> memref<234881024xf32, #tpu.memory_space<hbm>>
        tpu.enqueue_indirect_dma source(%dma_start3A_263 : memref<234881024xf32, #tpu.memory_space<hbm>>) target(%dma_start3A : memref<128xf32, #tpu.memory_space<vmem>>) offsets(%dma_start3A_261 : memref<128xi32, #tpu.memory_space<vmem>>) semaphore(%arg17 : memref<!tpu.dma_semaphore, #tpu.memory_space<semaphore_mem>>)
      }
      %scan3A_150 = arith.constant 28 : i32
      tpu.wait_dma2 semaphore(%arg18 : memref<!tpu.dma_semaphore, #tpu.memory_space<semaphore_mem>>) src(%arg6 : memref<3584xf32, #tpu.memory_space<hbm>>) dst(%arg16 : memref<3584xf32, #tpu.memory_space<vmem>>)
      %get3A_151 = arith.index_cast %add3A_11 : i32 to index
      %get3A_152 = arith.constant 0 : index
      %get3A_153 = tpu.vector_load %arg8[%get3A_151, %get3A_152] {strides = array<i32>} : memref<8x16xf32, #tpu.memory_space<vmem>>, vector<1x16xf32>,
      %get3A_154 = vector.shape_cast %get3A_153 : vector<1x16xf32> to vector<16xf32>
      %broadcast_in_dim3A_155 = arith.constant 3 : i32
      %broadcast_in_dim3A_156 = vector.broadcast %broadcast_in_dim3A_155 : i32 to vector<16x1xi32>
      %gather3A_157 = vector.shape_cast %broadcast_in_dim3A_156 : vector<16x1xi32> to vector<16xi32>
      %gather3A_158 = tpu.dynamic_gather %get3A_154[%gather3A_157] in [0] : vector<16xf32>, vector<16xi32> -> vector<16xf32>
      %max3A_159 = arith.constant 0.000000e+00 : f32
      %max3A_160 = vector.broadcast %max3A_159 : f32 to vector<16xf32>
      %max3A_161 = arith.maximumf %gather3A_158, %max3A_160 : vector<16xf32>
      %scan3A_162 = arith.constant 0 : i32
      %scan3A_163 = arith.constant 56 : i32
      %scan3A_164 = arith.addi %scan3A_162, %scan3A_163 : i32
      %scan3A_165 = arith.constant 1 : i32
      scf.for %scan3A_252 = %scan3A_162 to %scan3A_164 step %scan3A_165  : i32 {
        %mul3A_253 = arith.constant 64 : i32
        %mul3A_254 = arith.muli %scan3A_252, %mul3A_253 : i32
        %add3A_255 = arith.constant 0 : i32
        %add3A_256 = arith.addi %add3A_255, %mul3A_254 : i32
        %add3A_257 = arith.constant 0 : i32
        %add3A_258 = arith.addi %add3A_256, %add3A_257 : i32
        %get3A_259 = arith.index_cast %add3A_258 : i32 to index
        %get3A_260 = tpu.vector_load %arg12[%get3A_259] {strides = array<i32>} : memref<3584xf32, #tpu.memory_space<vmem>>, vector<16xf32>,
        %get3A_261 = vector.shape_cast %get3A_260 : vector<16xf32> to vector<16xf32>
        %get3A_262 = arith.index_cast %add3A_258 : i32 to index
        %get3A_263 = tpu.vector_load %arg16[%get3A_262] {strides = array<i32>} : memref<3584xf32, #tpu.memory_space<vmem>>, vector<16xf32>,
        %get3A_264 = vector.shape_cast %get3A_263 : vector<16xf32> to vector<16xf32>
        %mul3A_265 = arith.mulf %max3A_161, %get3A_264 : vector<16xf32>
        %add3A_266 = arith.addf %get3A_261, %mul3A_265 : vector<16xf32>
        %swap3A = arith.index_cast %add3A_258 : i32 to index
        %swap3A_267 = tpu.vector_load %arg12[%swap3A] {strides = array<i32>} : memref<3584xf32, #tpu.memory_space<vmem>>, vector<16xf32>,
        %swap3A_268 = vector.shape_cast %swap3A_267 : vector<16xf32> to vector<16xf32>
        %swap3A_269 = vector.shape_cast %add3A_266 : vector<16xf32> to vector<16xf32>
        tpu.vector_store %arg12[%swap3A], %swap3A_269 {strides = array<i32>} : memref<3584xf32, #tpu.memory_space<vmem>>, vector<16xf32>,
        %add3A_270 = arith.constant 16 : i32
        %add3A_271 = arith.addi %add3A_256, %add3A_270 : i32
        %get3A_272 = arith.index_cast %add3A_271 : i32 to index
        %get3A_273 = tpu.vector_load %arg12[%get3A_272] {strides = array<i32>} : memref<3584xf32, #tpu.memory_space<vmem>>, vector<16xf32>,
        %get3A_274 = vector.shape_cast %get3A_273 : vector<16xf32> to vector<16xf32>
        %get3A_275 = arith.index_cast %add3A_271 : i32 to index
        %get3A_276 = tpu.vector_load %arg16[%get3A_275] {strides = array<i32>} : memref<3584xf32, #tpu.memory_space<vmem>>, vector<16xf32>,
        %get3A_277 = vector.shape_cast %get3A_276 : vector<16xf32> to vector<16xf32>
        %mul3A_278 = arith.mulf %max3A_161, %get3A_277 : vector<16xf32>
        %add3A_279 = arith.addf %get3A_274, %mul3A_278 : vector<16xf32>
        %swap3A_280 = arith.index_cast %add3A_271 : i32 to index
        %swap3A_281 = tpu.vector_load %arg12[%swap3A_280] {strides = array<i32>} : memref<3584xf32, #tpu.memory_space<vmem>>, vector<16xf32>,
        %swap3A_282 = vector.shape_cast %swap3A_281 : vector<16xf32> to vector<16xf32>
        %swap3A_283 = vector.shape_cast %add3A_279 : vector<16xf32> to vector<16xf32>
        tpu.vector_store %arg12[%swap3A_280], %swap3A_283 {strides = array<i32>} : memref<3584xf32, #tpu.memory_space<vmem>>, vector<16xf32>,
        %add3A_284 = arith.constant 32 : i32
        %add3A_285 = arith.addi %add3A_256, %add3A_284 : i32
        %get3A_286 = arith.index_cast %add3A_285 : i32 to index
        %get3A_287 = tpu.vector_load %arg12[%get3A_286] {strides = array<i32>} : memref<3584xf32, #tpu.memory_space<vmem>>, vector<16xf32>,
        %get3A_288 = vector.shape_cast %get3A_287 : vector<16xf32> to vector<16xf32>
        %get3A_289 = arith.index_cast %add3A_285 : i32 to index
        %get3A_290 = tpu.vector_load %arg16[%get3A_289] {strides = array<i32>} : memref<3584xf32, #tpu.memory_space<vmem>>, vector<16xf32>,
        %get3A_291 = vector.shape_cast %get3A_290 : vector<16xf32> to vector<16xf32>
        %mul3A_292 = arith.mulf %max3A_161, %get3A_291 : vector<16xf32>
        %add3A_293 = arith.addf %get3A_288, %mul3A_292 : vector<16xf32>
        %swap3A_294 = arith.index_cast %add3A_285 : i32 to index
        %swap3A_295 = tpu.vector_load %arg12[%swap3A_294] {strides = array<i32>} : memref<3584xf32, #tpu.memory_space<vmem>>, vector<16xf32>,
        %swap3A_296 = vector.shape_cast %swap3A_295 : vector<16xf32> to vector<16xf32>
        %swap3A_297 = vector.shape_cast %add3A_293 : vector<16xf32> to vector<16xf32>
        tpu.vector_store %arg12[%swap3A_294], %swap3A_297 {strides = array<i32>} : memref<3584xf32, #tpu.memory_space<vmem>>, vector<16xf32>,
        %add3A_298 = arith.constant 48 : i32
        %add3A_299 = arith.addi %add3A_256, %add3A_298 : i32
        %get3A_300 = arith.index_cast %add3A_299 : i32 to index
        %get3A_301 = tpu.vector_load %arg12[%get3A_300] {strides = array<i32>} : memref<3584xf32, #tpu.memory_space<vmem>>, vector<16xf32>,
        %get3A_302 = vector.shape_cast %get3A_301 : vector<16xf32> to vector<16xf32>
        %get3A_303 = arith.index_cast %add3A_299 : i32 to index
        %get3A_304 = tpu.vector_load %arg16[%get3A_303] {strides = array<i32>} : memref<3584xf32, #tpu.memory_space<vmem>>, vector<16xf32>,
        %get3A_305 = vector.shape_cast %get3A_304 : vector<16xf32> to vector<16xf32>
        %mul3A_306 = arith.mulf %max3A_161, %get3A_305 : vector<16xf32>
        %add3A_307 = arith.addf %get3A_302, %mul3A_306 : vector<16xf32>
        %swap3A_308 = arith.index_cast %add3A_299 : i32 to index
        %swap3A_309 = tpu.vector_load %arg12[%swap3A_308] {strides = array<i32>} : memref<3584xf32, #tpu.memory_space<vmem>>, vector<16xf32>,
        %swap3A_310 = vector.shape_cast %swap3A_309 : vector<16xf32> to vector<16xf32>
        %swap3A_311 = vector.shape_cast %add3A_307 : vector<16xf32> to vector<16xf32>
        tpu.vector_store %arg12[%swap3A_308], %swap3A_311 {strides = array<i32>} : memref<3584xf32, #tpu.memory_space<vmem>>, vector<16xf32>,
      }
      %scan3A_166 = arith.constant 56 : i32
      %get3A_167 = arith.index_cast %add3A_11 : i32 to index
      %get3A_168 = arith.constant 0 : index
      %get3A_169 = tpu.vector_load %arg9[%get3A_167, %get3A_168] {strides = array<i32>} : memref<8x16xi32, #tpu.memory_space<vmem>>, vector<1x16xi32>,
      %get3A_170 = vector.shape_cast %get3A_169 : vector<1x16xi32> to vector<16xi32>
      %broadcast_in_dim3A_171 = arith.constant 5 : i32
      %broadcast_in_dim3A_172 = vector.broadcast %broadcast_in_dim3A_171 : i32 to vector<16x1xi32>
      %gather3A_173 = vector.shape_cast %broadcast_in_dim3A_172 : vector<16x1xi32> to vector<16xi32>
      %gather3A_174 = tpu.dynamic_gather %get3A_170[%gather3A_173] in [0] : vector<16xi32>, vector<16xi32> -> vector<16xi32>
      %scan3A_175 = arith.constant 0 : i32
      %scan3A_176 = arith.constant 28 : i32
      %scan3A_177 = arith.addi %scan3A_175, %scan3A_176 : i32
      %scan3A_178 = arith.constant 1 : i32
      scf.for %scan3A_252 = %scan3A_175 to %scan3A_177 step %scan3A_178  : i32 {
        %mul3A_253 = arith.constant 1 : i32
        %mul3A_254 = arith.muli %scan3A_252, %mul3A_253 : i32
        %add3A_255 = arith.constant 0 : i32
        %add3A_256 = arith.addi %add3A_255, %mul3A_254 : i32
        %get3A_257 = arith.index_cast %add3A_256 : i32 to index
        %get3A_258 = arith.constant 0 : index
        %get3A_259 = tpu.vector_load %arg10[%get3A_257, %get3A_258] {strides = array<i32>} : memref<28x128xi32, #tpu.memory_space<vmem>>, vector<1x16xi32>,
        %get3A_260 = vector.shape_cast %get3A_259 : vector<1x16xi32> to vector<16xi32>
        %add3A_261 = arith.addi %get3A_260, %gather3A_174 : vector<16xi32>
        %swap3A = arith.index_cast %add3A_256 : i32 to index
        %swap3A_262 = arith.constant 0 : index
        %swap3A_263 = tpu.vector_load %arg14[%swap3A, %swap3A_262] {strides = array<i32>} : memref<28x128xi32, #tpu.memory_space<vmem>>, vector<1x16xi32>,
        %swap3A_264 = vector.shape_cast %swap3A_263 : vector<1x16xi32> to vector<16xi32>
        %swap3A_265 = vector.shape_cast %add3A_261 : vector<16xi32> to vector<1x16xi32>
        tpu.vector_store %arg14[%swap3A, %swap3A_262], %swap3A_265 {strides = array<i32>} : memref<28x128xi32, #tpu.memory_space<vmem>>, vector<1x16xi32>,
        %get3A_266 = arith.index_cast %add3A_256 : i32 to index
        %get3A_267 = arith.constant 16 : index
        %get3A_268 = tpu.vector_load %arg10[%get3A_266, %get3A_267] {strides = array<i32>} : memref<28x128xi32, #tpu.memory_space<vmem>>, vector<1x16xi32>,
        %get3A_269 = vector.shape_cast %get3A_268 : vector<1x16xi32> to vector<16xi32>
        %add3A_270 = arith.addi %get3A_269, %gather3A_174 : vector<16xi32>
        %swap3A_271 = arith.index_cast %add3A_256 : i32 to index
        %swap3A_272 = arith.constant 16 : index
        %swap3A_273 = tpu.vector_load %arg14[%swap3A_271, %swap3A_272] {strides = array<i32>} : memref<28x128xi32, #tpu.memory_space<vmem>>, vector<1x16xi32>,
        %swap3A_274 = vector.shape_cast %swap3A_273 : vector<1x16xi32> to vector<16xi32>
        %swap3A_275 = vector.shape_cast %add3A_270 : vector<16xi32> to vector<1x16xi32>
        tpu.vector_store %arg14[%swap3A_271, %swap3A_272], %swap3A_275 {strides = array<i32>} : memref<28x128xi32, #tpu.memory_space<vmem>>, vector<1x16xi32>,
        %get3A_276 = arith.index_cast %add3A_256 : i32 to index
        %get3A_277 = arith.constant 32 : index
        %get3A_278 = tpu.vector_load %arg10[%get3A_276, %get3A_277] {strides = array<i32>} : memref<28x128xi32, #tpu.memory_space<vmem>>, vector<1x16xi32>,
        %get3A_279 = vector.shape_cast %get3A_278 : vector<1x16xi32> to vector<16xi32>
        %add3A_280 = arith.addi %get3A_279, %gather3A_174 : vector<16xi32>
        %swap3A_281 = arith.index_cast %add3A_256 : i32 to index
        %swap3A_282 = arith.constant 32 : index
        %swap3A_283 = tpu.vector_load %arg14[%swap3A_281, %swap3A_282] {strides = array<i32>} : memref<28x128xi32, #tpu.memory_space<vmem>>, vector<1x16xi32>,
        %swap3A_284 = vector.shape_cast %swap3A_283 : vector<1x16xi32> to vector<16xi32>
        %swap3A_285 = vector.shape_cast %add3A_280 : vector<16xi32> to vector<1x16xi32>
        tpu.vector_store %arg14[%swap3A_281, %swap3A_282], %swap3A_285 {strides = array<i32>} : memref<28x128xi32, #tpu.memory_space<vmem>>, vector<1x16xi32>,
        %get3A_286 = arith.index_cast %add3A_256 : i32 to index
        %get3A_287 = arith.constant 48 : index
        %get3A_288 = tpu.vector_load %arg10[%get3A_286, %get3A_287] {strides = array<i32>} : memref<28x128xi32, #tpu.memory_space<vmem>>, vector<1x16xi32>,
        %get3A_289 = vector.shape_cast %get3A_288 : vector<1x16xi32> to vector<16xi32>
        %add3A_290 = arith.addi %get3A_289, %gather3A_174 : vector<16xi32>
        %swap3A_291 = arith.index_cast %add3A_256 : i32 to index
        %swap3A_292 = arith.constant 48 : index
        %swap3A_293 = tpu.vector_load %arg14[%swap3A_291, %swap3A_292] {strides = array<i32>} : memref<28x128xi32, #tpu.memory_space<vmem>>, vector<1x16xi32>,
        %swap3A_294 = vector.shape_cast %swap3A_293 : vector<1x16xi32> to vector<16xi32>
        %swap3A_295 = vector.shape_cast %add3A_290 : vector<16xi32> to vector<1x16xi32>
        tpu.vector_store %arg14[%swap3A_291, %swap3A_292], %swap3A_295 {strides = array<i32>} : memref<28x128xi32, #tpu.memory_space<vmem>>, vector<1x16xi32>,
        %get3A_296 = arith.index_cast %add3A_256 : i32 to index
        %get3A_297 = arith.constant 64 : index
        %get3A_298 = tpu.vector_load %arg10[%get3A_296, %get3A_297] {strides = array<i32>} : memref<28x128xi32, #tpu.memory_space<vmem>>, vector<1x16xi32>,
        %get3A_299 = vector.shape_cast %get3A_298 : vector<1x16xi32> to vector<16xi32>
        %add3A_300 = arith.addi %get3A_299, %gather3A_174 : vector<16xi32>
        %swap3A_301 = arith.index_cast %add3A_256 : i32 to index
        %swap3A_302 = arith.constant 64 : index
        %swap3A_303 = tpu.vector_load %arg14[%swap3A_301, %swap3A_302] {strides = array<i32>} : memref<28x128xi32, #tpu.memory_space<vmem>>, vector<1x16xi32>,
        %swap3A_304 = vector.shape_cast %swap3A_303 : vector<1x16xi32> to vector<16xi32>
        %swap3A_305 = vector.shape_cast %add3A_300 : vector<16xi32> to vector<1x16xi32>
        tpu.vector_store %arg14[%swap3A_301, %swap3A_302], %swap3A_305 {strides = array<i32>} : memref<28x128xi32, #tpu.memory_space<vmem>>, vector<1x16xi32>,
        %get3A_306 = arith.index_cast %add3A_256 : i32 to index
        %get3A_307 = arith.constant 80 : index
        %get3A_308 = tpu.vector_load %arg10[%get3A_306, %get3A_307] {strides = array<i32>} : memref<28x128xi32, #tpu.memory_space<vmem>>, vector<1x16xi32>,
        %get3A_309 = vector.shape_cast %get3A_308 : vector<1x16xi32> to vector<16xi32>
        %add3A_310 = arith.addi %get3A_309, %gather3A_174 : vector<16xi32>
        %swap3A_311 = arith.index_cast %add3A_256 : i32 to index
        %swap3A_312 = arith.constant 80 : index
        %swap3A_313 = tpu.vector_load %arg14[%swap3A_311, %swap3A_312] {strides = array<i32>} : memref<28x128xi32, #tpu.memory_space<vmem>>, vector<1x16xi32>,
        %swap3A_314 = vector.shape_cast %swap3A_313 : vector<1x16xi32> to vector<16xi32>
        %swap3A_315 = vector.shape_cast %add3A_310 : vector<16xi32> to vector<1x16xi32>
        tpu.vector_store %arg14[%swap3A_311, %swap3A_312], %swap3A_315 {strides = array<i32>} : memref<28x128xi32, #tpu.memory_space<vmem>>, vector<1x16xi32>,
        %get3A_316 = arith.index_cast %add3A_256 : i32 to index
        %get3A_317 = arith.constant 96 : index
        %get3A_318 = tpu.vector_load %arg10[%get3A_316, %get3A_317] {strides = array<i32>} : memref<28x128xi32, #tpu.memory_space<vmem>>, vector<1x16xi32>,
        %get3A_319 = vector.shape_cast %get3A_318 : vector<1x16xi32> to vector<16xi32>
        %add3A_320 = arith.addi %get3A_319, %gather3A_174 : vector<16xi32>
        %swap3A_321 = arith.index_cast %add3A_256 : i32 to index
        %swap3A_322 = arith.constant 96 : index
        %swap3A_323 = tpu.vector_load %arg14[%swap3A_321, %swap3A_322] {strides = array<i32>} : memref<28x128xi32, #tpu.memory_space<vmem>>, vector<1x16xi32>,
        %swap3A_324 = vector.shape_cast %swap3A_323 : vector<1x16xi32> to vector<16xi32>
        %swap3A_325 = vector.shape_cast %add3A_320 : vector<16xi32> to vector<1x16xi32>
        tpu.vector_store %arg14[%swap3A_321, %swap3A_322], %swap3A_325 {strides = array<i32>} : memref<28x128xi32, #tpu.memory_space<vmem>>, vector<1x16xi32>,
        %get3A_326 = arith.index_cast %add3A_256 : i32 to index
        %get3A_327 = arith.constant 112 : index
        %get3A_328 = tpu.vector_load %arg10[%get3A_326, %get3A_327] {strides = array<i32>} : memref<28x128xi32, #tpu.memory_space<vmem>>, vector<1x16xi32>,
        %get3A_329 = vector.shape_cast %get3A_328 : vector<1x16xi32> to vector<16xi32>
        %add3A_330 = arith.addi %get3A_329, %gather3A_174 : vector<16xi32>
        %swap3A_331 = arith.index_cast %add3A_256 : i32 to index
        %swap3A_332 = arith.constant 112 : index
        %swap3A_333 = tpu.vector_load %arg14[%swap3A_331, %swap3A_332] {strides = array<i32>} : memref<28x128xi32, #tpu.memory_space<vmem>>, vector<1x16xi32>,
        %swap3A_334 = vector.shape_cast %swap3A_333 : vector<1x16xi32> to vector<16xi32>
        %swap3A_335 = vector.shape_cast %add3A_330 : vector<16xi32> to vector<1x16xi32>
        tpu.vector_store %arg14[%swap3A_331, %swap3A_332], %swap3A_335 {strides = array<i32>} : memref<28x128xi32, #tpu.memory_space<vmem>>, vector<1x16xi32>,
      }
      %scan3A_179 = arith.constant 28 : i32
      %scan3A_180 = arith.constant 0 : i32
      %scan3A_181 = arith.constant 28 : i32
      %scan3A_182 = arith.addi %scan3A_180, %scan3A_181 : i32
      %scan3A_183 = arith.constant 1 : i32
      scf.for %scan3A_252 = %scan3A_180 to %scan3A_182 step %scan3A_183  : i32 {
        %mul3A_253 = arith.constant 1 : i32
        %mul3A_254 = arith.muli %scan3A_252, %mul3A_253 : i32
        %add3A_255 = arith.constant 0 : i32
        %add3A_256 = arith.addi %add3A_255, %mul3A_254 : i32
        %mul3A_257 = arith.constant 128 : i32
        %mul3A_258 = arith.muli %add3A_256, %mul3A_257 : i32
        %dma_start3A = tpu.memref_slice %arg16[%mul3A_258] : memref<3584xf32, #tpu.memory_space<vmem>> -> memref<128xf32, #tpu.memory_space<vmem>>
        %dma_start3A_259 = arith.constant 0 : i32
        %dma_start3A_260 = tpu.memref_slice %arg14[%add3A_256, %dma_start3A_259] : memref<28x128xi32, #tpu.memory_space<vmem>> -> memref<1x128xi32, #tpu.memory_space<vmem>>
        %dma_start3A_261 = tpu.memref_squeeze %dma_start3A_260 : memref<1x128xi32, #tpu.memory_space<vmem>> -> memref<128xi32, #tpu.memory_space<vmem>>
        %dma_start3A_262 = arith.constant 0 : i32
        %dma_start3A_263 = tpu.memref_slice %arg2[%dma_start3A_262] : memref<234881024xf32, #tpu.memory_space<hbm>> -> memref<234881024xf32, #tpu.memory_space<hbm>>
        tpu.enqueue_indirect_dma source(%dma_start3A_263 : memref<234881024xf32, #tpu.memory_space<hbm>>) target(%dma_start3A : memref<128xf32, #tpu.memory_space<vmem>>) offsets(%dma_start3A_261 : memref<128xi32, #tpu.memory_space<vmem>>) semaphore(%arg18 : memref<!tpu.dma_semaphore, #tpu.memory_space<semaphore_mem>>)
      }
      %scan3A_184 = arith.constant 28 : i32
      tpu.wait_dma2 semaphore(%arg17 : memref<!tpu.dma_semaphore, #tpu.memory_space<semaphore_mem>>) src(%arg6 : memref<3584xf32, #tpu.memory_space<hbm>>) dst(%arg15 : memref<3584xf32, #tpu.memory_space<vmem>>)
      %get3A_185 = arith.index_cast %add3A_11 : i32 to index
      %get3A_186 = arith.constant 0 : index
      %get3A_187 = tpu.vector_load %arg8[%get3A_185, %get3A_186] {strides = array<i32>} : memref<8x16xf32, #tpu.memory_space<vmem>>, vector<1x16xf32>,
      %get3A_188 = vector.shape_cast %get3A_187 : vector<1x16xf32> to vector<16xf32>
      %broadcast_in_dim3A_189 = arith.constant 4 : i32
      %broadcast_in_dim3A_190 = vector.broadcast %broadcast_in_dim3A_189 : i32 to vector<16x1xi32>
      %gather3A_191 = vector.shape_cast %broadcast_in_dim3A_190 : vector<16x1xi32> to vector<16xi32>
      %gather3A_192 = tpu.dynamic_gather %get3A_188[%gather3A_191] in [0] : vector<16xf32>, vector<16xi32> -> vector<16xf32>
      %max3A_193 = arith.constant 0.000000e+00 : f32
      %max3A_194 = vector.broadcast %max3A_193 : f32 to vector<16xf32>
      %max3A_195 = arith.maximumf %gather3A_192, %max3A_194 : vector<16xf32>
      %scan3A_196 = arith.constant 0 : i32
      %scan3A_197 = arith.constant 56 : i32
      %scan3A_198 = arith.addi %scan3A_196, %scan3A_197 : i32
      %scan3A_199 = arith.constant 1 : i32
      scf.for %scan3A_252 = %scan3A_196 to %scan3A_198 step %scan3A_199  : i32 {
        %mul3A_253 = arith.constant 64 : i32
        %mul3A_254 = arith.muli %scan3A_252, %mul3A_253 : i32
        %add3A_255 = arith.constant 0 : i32
        %add3A_256 = arith.addi %add3A_255, %mul3A_254 : i32
        %add3A_257 = arith.constant 0 : i32
        %add3A_258 = arith.addi %add3A_256, %add3A_257 : i32
        %get3A_259 = arith.index_cast %add3A_258 : i32 to index
        %get3A_260 = tpu.vector_load %arg12[%get3A_259] {strides = array<i32>} : memref<3584xf32, #tpu.memory_space<vmem>>, vector<16xf32>,
        %get3A_261 = vector.shape_cast %get3A_260 : vector<16xf32> to vector<16xf32>
        %get3A_262 = arith.index_cast %add3A_258 : i32 to index
        %get3A_263 = tpu.vector_load %arg15[%get3A_262] {strides = array<i32>} : memref<3584xf32, #tpu.memory_space<vmem>>, vector<16xf32>,
        %get3A_264 = vector.shape_cast %get3A_263 : vector<16xf32> to vector<16xf32>
        %mul3A_265 = arith.mulf %max3A_195, %get3A_264 : vector<16xf32>
        %add3A_266 = arith.addf %get3A_261, %mul3A_265 : vector<16xf32>
        %swap3A = arith.index_cast %add3A_258 : i32 to index
        %swap3A_267 = tpu.vector_load %arg12[%swap3A] {strides = array<i32>} : memref<3584xf32, #tpu.memory_space<vmem>>, vector<16xf32>,
        %swap3A_268 = vector.shape_cast %swap3A_267 : vector<16xf32> to vector<16xf32>
        %swap3A_269 = vector.shape_cast %add3A_266 : vector<16xf32> to vector<16xf32>
        tpu.vector_store %arg12[%swap3A], %swap3A_269 {strides = array<i32>} : memref<3584xf32, #tpu.memory_space<vmem>>, vector<16xf32>,
        %add3A_270 = arith.constant 16 : i32
        %add3A_271 = arith.addi %add3A_256, %add3A_270 : i32
        %get3A_272 = arith.index_cast %add3A_271 : i32 to index
        %get3A_273 = tpu.vector_load %arg12[%get3A_272] {strides = array<i32>} : memref<3584xf32, #tpu.memory_space<vmem>>, vector<16xf32>,
        %get3A_274 = vector.shape_cast %get3A_273 : vector<16xf32> to vector<16xf32>
        %get3A_275 = arith.index_cast %add3A_271 : i32 to index
        %get3A_276 = tpu.vector_load %arg15[%get3A_275] {strides = array<i32>} : memref<3584xf32, #tpu.memory_space<vmem>>, vector<16xf32>,
        %get3A_277 = vector.shape_cast %get3A_276 : vector<16xf32> to vector<16xf32>
        %mul3A_278 = arith.mulf %max3A_195, %get3A_277 : vector<16xf32>
        %add3A_279 = arith.addf %get3A_274, %mul3A_278 : vector<16xf32>
        %swap3A_280 = arith.index_cast %add3A_271 : i32 to index
        %swap3A_281 = tpu.vector_load %arg12[%swap3A_280] {strides = array<i32>} : memref<3584xf32, #tpu.memory_space<vmem>>, vector<16xf32>,
        %swap3A_282 = vector.shape_cast %swap3A_281 : vector<16xf32> to vector<16xf32>
        %swap3A_283 = vector.shape_cast %add3A_279 : vector<16xf32> to vector<16xf32>
        tpu.vector_store %arg12[%swap3A_280], %swap3A_283 {strides = array<i32>} : memref<3584xf32, #tpu.memory_space<vmem>>, vector<16xf32>,
        %add3A_284 = arith.constant 32 : i32
        %add3A_285 = arith.addi %add3A_256, %add3A_284 : i32
        %get3A_286 = arith.index_cast %add3A_285 : i32 to index
        %get3A_287 = tpu.vector_load %arg12[%get3A_286] {strides = array<i32>} : memref<3584xf32, #tpu.memory_space<vmem>>, vector<16xf32>,
        %get3A_288 = vector.shape_cast %get3A_287 : vector<16xf32> to vector<16xf32>
        %get3A_289 = arith.index_cast %add3A_285 : i32 to index
        %get3A_290 = tpu.vector_load %arg15[%get3A_289] {strides = array<i32>} : memref<3584xf32, #tpu.memory_space<vmem>>, vector<16xf32>,
        %get3A_291 = vector.shape_cast %get3A_290 : vector<16xf32> to vector<16xf32>
        %mul3A_292 = arith.mulf %max3A_195, %get3A_291 : vector<16xf32>
        %add3A_293 = arith.addf %get3A_288, %mul3A_292 : vector<16xf32>
        %swap3A_294 = arith.index_cast %add3A_285 : i32 to index
        %swap3A_295 = tpu.vector_load %arg12[%swap3A_294] {strides = array<i32>} : memref<3584xf32, #tpu.memory_space<vmem>>, vector<16xf32>,
        %swap3A_296 = vector.shape_cast %swap3A_295 : vector<16xf32> to vector<16xf32>
        %swap3A_297 = vector.shape_cast %add3A_293 : vector<16xf32> to vector<16xf32>
        tpu.vector_store %arg12[%swap3A_294], %swap3A_297 {strides = array<i32>} : memref<3584xf32, #tpu.memory_space<vmem>>, vector<16xf32>,
        %add3A_298 = arith.constant 48 : i32
        %add3A_299 = arith.addi %add3A_256, %add3A_298 : i32
        %get3A_300 = arith.index_cast %add3A_299 : i32 to index
        %get3A_301 = tpu.vector_load %arg12[%get3A_300] {strides = array<i32>} : memref<3584xf32, #tpu.memory_space<vmem>>, vector<16xf32>,
        %get3A_302 = vector.shape_cast %get3A_301 : vector<16xf32> to vector<16xf32>
        %get3A_303 = arith.index_cast %add3A_299 : i32 to index
        %get3A_304 = tpu.vector_load %arg15[%get3A_303] {strides = array<i32>} : memref<3584xf32, #tpu.memory_space<vmem>>, vector<16xf32>,
        %get3A_305 = vector.shape_cast %get3A_304 : vector<16xf32> to vector<16xf32>
        %mul3A_306 = arith.mulf %max3A_195, %get3A_305 : vector<16xf32>
        %add3A_307 = arith.addf %get3A_302, %mul3A_306 : vector<16xf32>
        %swap3A_308 = arith.index_cast %add3A_299 : i32 to index
        %swap3A_309 = tpu.vector_load %arg12[%swap3A_308] {strides = array<i32>} : memref<3584xf32, #tpu.memory_space<vmem>>, vector<16xf32>,
        %swap3A_310 = vector.shape_cast %swap3A_309 : vector<16xf32> to vector<16xf32>
        %swap3A_311 = vector.shape_cast %add3A_307 : vector<16xf32> to vector<16xf32>
        tpu.vector_store %arg12[%swap3A_308], %swap3A_311 {strides = array<i32>} : memref<3584xf32, #tpu.memory_space<vmem>>, vector<16xf32>,
      }
      %scan3A_200 = arith.constant 56 : i32
      %get3A_201 = arith.index_cast %add3A_11 : i32 to index
      %get3A_202 = arith.constant 0 : index
      %get3A_203 = tpu.vector_load %arg9[%get3A_201, %get3A_202] {strides = array<i32>} : memref<8x16xi32, #tpu.memory_space<vmem>>, vector<1x16xi32>,
      %get3A_204 = vector.shape_cast %get3A_203 : vector<1x16xi32> to vector<16xi32>
      %broadcast_in_dim3A_205 = arith.constant 6 : i32
      %broadcast_in_dim3A_206 = vector.broadcast %broadcast_in_dim3A_205 : i32 to vector<16x1xi32>
      %gather3A_207 = vector.shape_cast %broadcast_in_dim3A_206 : vector<16x1xi32> to vector<16xi32>
      %gather3A_208 = tpu.dynamic_gather %get3A_204[%gather3A_207] in [0] : vector<16xi32>, vector<16xi32> -> vector<16xi32>
      %scan3A_209 = arith.constant 0 : i32
      %scan3A_210 = arith.constant 28 : i32
      %scan3A_211 = arith.addi %scan3A_209, %scan3A_210 : i32
      %scan3A_212 = arith.constant 1 : i32
      scf.for %scan3A_252 = %scan3A_209 to %scan3A_211 step %scan3A_212  : i32 {
        %mul3A_253 = arith.constant 1 : i32
        %mul3A_254 = arith.muli %scan3A_252, %mul3A_253 : i32
        %add3A_255 = arith.constant 0 : i32
        %add3A_256 = arith.addi %add3A_255, %mul3A_254 : i32
        %get3A_257 = arith.index_cast %add3A_256 : i32 to index
        %get3A_258 = arith.constant 0 : index
        %get3A_259 = tpu.vector_load %arg10[%get3A_257, %get3A_258] {strides = array<i32>} : memref<28x128xi32, #tpu.memory_space<vmem>>, vector<1x16xi32>,
        %get3A_260 = vector.shape_cast %get3A_259 : vector<1x16xi32> to vector<16xi32>
        %add3A_261 = arith.addi %get3A_260, %gather3A_208 : vector<16xi32>
        %swap3A = arith.index_cast %add3A_256 : i32 to index
        %swap3A_262 = arith.constant 0 : index
        %swap3A_263 = tpu.vector_load %arg13[%swap3A, %swap3A_262] {strides = array<i32>} : memref<28x128xi32, #tpu.memory_space<vmem>>, vector<1x16xi32>,
        %swap3A_264 = vector.shape_cast %swap3A_263 : vector<1x16xi32> to vector<16xi32>
        %swap3A_265 = vector.shape_cast %add3A_261 : vector<16xi32> to vector<1x16xi32>
        tpu.vector_store %arg13[%swap3A, %swap3A_262], %swap3A_265 {strides = array<i32>} : memref<28x128xi32, #tpu.memory_space<vmem>>, vector<1x16xi32>,
        %get3A_266 = arith.index_cast %add3A_256 : i32 to index
        %get3A_267 = arith.constant 16 : index
        %get3A_268 = tpu.vector_load %arg10[%get3A_266, %get3A_267] {strides = array<i32>} : memref<28x128xi32, #tpu.memory_space<vmem>>, vector<1x16xi32>,
        %get3A_269 = vector.shape_cast %get3A_268 : vector<1x16xi32> to vector<16xi32>
        %add3A_270 = arith.addi %get3A_269, %gather3A_208 : vector<16xi32>
        %swap3A_271 = arith.index_cast %add3A_256 : i32 to index
        %swap3A_272 = arith.constant 16 : index
        %swap3A_273 = tpu.vector_load %arg13[%swap3A_271, %swap3A_272] {strides = array<i32>} : memref<28x128xi32, #tpu.memory_space<vmem>>, vector<1x16xi32>,
        %swap3A_274 = vector.shape_cast %swap3A_273 : vector<1x16xi32> to vector<16xi32>
        %swap3A_275 = vector.shape_cast %add3A_270 : vector<16xi32> to vector<1x16xi32>
        tpu.vector_store %arg13[%swap3A_271, %swap3A_272], %swap3A_275 {strides = array<i32>} : memref<28x128xi32, #tpu.memory_space<vmem>>, vector<1x16xi32>,
        %get3A_276 = arith.index_cast %add3A_256 : i32 to index
        %get3A_277 = arith.constant 32 : index
        %get3A_278 = tpu.vector_load %arg10[%get3A_276, %get3A_277] {strides = array<i32>} : memref<28x128xi32, #tpu.memory_space<vmem>>, vector<1x16xi32>,
        %get3A_279 = vector.shape_cast %get3A_278 : vector<1x16xi32> to vector<16xi32>
        %add3A_280 = arith.addi %get3A_279, %gather3A_208 : vector<16xi32>
        %swap3A_281 = arith.index_cast %add3A_256 : i32 to index
        %swap3A_282 = arith.constant 32 : index
        %swap3A_283 = tpu.vector_load %arg13[%swap3A_281, %swap3A_282] {strides = array<i32>} : memref<28x128xi32, #tpu.memory_space<vmem>>, vector<1x16xi32>,
        %swap3A_284 = vector.shape_cast %swap3A_283 : vector<1x16xi32> to vector<16xi32>
        %swap3A_285 = vector.shape_cast %add3A_280 : vector<16xi32> to vector<1x16xi32>
        tpu.vector_store %arg13[%swap3A_281, %swap3A_282], %swap3A_285 {strides = array<i32>} : memref<28x128xi32, #tpu.memory_space<vmem>>, vector<1x16xi32>,
        %get3A_286 = arith.index_cast %add3A_256 : i32 to index
        %get3A_287 = arith.constant 48 : index
        %get3A_288 = tpu.vector_load %arg10[%get3A_286, %get3A_287] {strides = array<i32>} : memref<28x128xi32, #tpu.memory_space<vmem>>, vector<1x16xi32>,
        %get3A_289 = vector.shape_cast %get3A_288 : vector<1x16xi32> to vector<16xi32>
        %add3A_290 = arith.addi %get3A_289, %gather3A_208 : vector<16xi32>
        %swap3A_291 = arith.index_cast %add3A_256 : i32 to index
        %swap3A_292 = arith.constant 48 : index
        %swap3A_293 = tpu.vector_load %arg13[%swap3A_291, %swap3A_292] {strides = array<i32>} : memref<28x128xi32, #tpu.memory_space<vmem>>, vector<1x16xi32>,
        %swap3A_294 = vector.shape_cast %swap3A_293 : vector<1x16xi32> to vector<16xi32>
        %swap3A_295 = vector.shape_cast %add3A_290 : vector<16xi32> to vector<1x16xi32>
        tpu.vector_store %arg13[%swap3A_291, %swap3A_292], %swap3A_295 {strides = array<i32>} : memref<28x128xi32, #tpu.memory_space<vmem>>, vector<1x16xi32>,
        %get3A_296 = arith.index_cast %add3A_256 : i32 to index
        %get3A_297 = arith.constant 64 : index
        %get3A_298 = tpu.vector_load %arg10[%get3A_296, %get3A_297] {strides = array<i32>} : memref<28x128xi32, #tpu.memory_space<vmem>>, vector<1x16xi32>,
        %get3A_299 = vector.shape_cast %get3A_298 : vector<1x16xi32> to vector<16xi32>
        %add3A_300 = arith.addi %get3A_299, %gather3A_208 : vector<16xi32>
        %swap3A_301 = arith.index_cast %add3A_256 : i32 to index
        %swap3A_302 = arith.constant 64 : index
        %swap3A_303 = tpu.vector_load %arg13[%swap3A_301, %swap3A_302] {strides = array<i32>} : memref<28x128xi32, #tpu.memory_space<vmem>>, vector<1x16xi32>,
        %swap3A_304 = vector.shape_cast %swap3A_303 : vector<1x16xi32> to vector<16xi32>
        %swap3A_305 = vector.shape_cast %add3A_300 : vector<16xi32> to vector<1x16xi32>
        tpu.vector_store %arg13[%swap3A_301, %swap3A_302], %swap3A_305 {strides = array<i32>} : memref<28x128xi32, #tpu.memory_space<vmem>>, vector<1x16xi32>,
        %get3A_306 = arith.index_cast %add3A_256 : i32 to index
        %get3A_307 = arith.constant 80 : index
        %get3A_308 = tpu.vector_load %arg10[%get3A_306, %get3A_307] {strides = array<i32>} : memref<28x128xi32, #tpu.memory_space<vmem>>, vector<1x16xi32>,
        %get3A_309 = vector.shape_cast %get3A_308 : vector<1x16xi32> to vector<16xi32>
        %add3A_310 = arith.addi %get3A_309, %gather3A_208 : vector<16xi32>
        %swap3A_311 = arith.index_cast %add3A_256 : i32 to index
        %swap3A_312 = arith.constant 80 : index
        %swap3A_313 = tpu.vector_load %arg13[%swap3A_311, %swap3A_312] {strides = array<i32>} : memref<28x128xi32, #tpu.memory_space<vmem>>, vector<1x16xi32>,
        %swap3A_314 = vector.shape_cast %swap3A_313 : vector<1x16xi32> to vector<16xi32>
        %swap3A_315 = vector.shape_cast %add3A_310 : vector<16xi32> to vector<1x16xi32>
        tpu.vector_store %arg13[%swap3A_311, %swap3A_312], %swap3A_315 {strides = array<i32>} : memref<28x128xi32, #tpu.memory_space<vmem>>, vector<1x16xi32>,
        %get3A_316 = arith.index_cast %add3A_256 : i32 to index
        %get3A_317 = arith.constant 96 : index
        %get3A_318 = tpu.vector_load %arg10[%get3A_316, %get3A_317] {strides = array<i32>} : memref<28x128xi32, #tpu.memory_space<vmem>>, vector<1x16xi32>,
        %get3A_319 = vector.shape_cast %get3A_318 : vector<1x16xi32> to vector<16xi32>
        %add3A_320 = arith.addi %get3A_319, %gather3A_208 : vector<16xi32>
        %swap3A_321 = arith.index_cast %add3A_256 : i32 to index
        %swap3A_322 = arith.constant 96 : index
        %swap3A_323 = tpu.vector_load %arg13[%swap3A_321, %swap3A_322] {strides = array<i32>} : memref<28x128xi32, #tpu.memory_space<vmem>>, vector<1x16xi32>,
        %swap3A_324 = vector.shape_cast %swap3A_323 : vector<1x16xi32> to vector<16xi32>
        %swap3A_325 = vector.shape_cast %add3A_320 : vector<16xi32> to vector<1x16xi32>
        tpu.vector_store %arg13[%swap3A_321, %swap3A_322], %swap3A_325 {strides = array<i32>} : memref<28x128xi32, #tpu.memory_space<vmem>>, vector<1x16xi32>,
        %get3A_326 = arith.index_cast %add3A_256 : i32 to index
        %get3A_327 = arith.constant 112 : index
        %get3A_328 = tpu.vector_load %arg10[%get3A_326, %get3A_327] {strides = array<i32>} : memref<28x128xi32, #tpu.memory_space<vmem>>, vector<1x16xi32>,
        %get3A_329 = vector.shape_cast %get3A_328 : vector<1x16xi32> to vector<16xi32>
        %add3A_330 = arith.addi %get3A_329, %gather3A_208 : vector<16xi32>
        %swap3A_331 = arith.index_cast %add3A_256 : i32 to index
        %swap3A_332 = arith.constant 112 : index
        %swap3A_333 = tpu.vector_load %arg13[%swap3A_331, %swap3A_332] {strides = array<i32>} : memref<28x128xi32, #tpu.memory_space<vmem>>, vector<1x16xi32>,
        %swap3A_334 = vector.shape_cast %swap3A_333 : vector<1x16xi32> to vector<16xi32>
        %swap3A_335 = vector.shape_cast %add3A_330 : vector<16xi32> to vector<1x16xi32>
        tpu.vector_store %arg13[%swap3A_331, %swap3A_332], %swap3A_335 {strides = array<i32>} : memref<28x128xi32, #tpu.memory_space<vmem>>, vector<1x16xi32>,
      }
      %scan3A_213 = arith.constant 28 : i32
      %scan3A_214 = arith.constant 0 : i32
      %scan3A_215 = arith.constant 28 : i32
      %scan3A_216 = arith.addi %scan3A_214, %scan3A_215 : i32
      %scan3A_217 = arith.constant 1 : i32
      scf.for %scan3A_252 = %scan3A_214 to %scan3A_216 step %scan3A_217  : i32 {
        %mul3A_253 = arith.constant 1 : i32
        %mul3A_254 = arith.muli %scan3A_252, %mul3A_253 : i32
        %add3A_255 = arith.constant 0 : i32
        %add3A_256 = arith.addi %add3A_255, %mul3A_254 : i32
        %mul3A_257 = arith.constant 128 : i32
        %mul3A_258 = arith.muli %add3A_256, %mul3A_257 : i32
        %dma_start3A = tpu.memref_slice %arg15[%mul3A_258] : memref<3584xf32, #tpu.memory_space<vmem>> -> memref<128xf32, #tpu.memory_space<vmem>>
        %dma_start3A_259 = arith.constant 0 : i32
        %dma_start3A_260 = tpu.memref_slice %arg13[%add3A_256, %dma_start3A_259] : memref<28x128xi32, #tpu.memory_space<vmem>> -> memref<1x128xi32, #tpu.memory_space<vmem>>
        %dma_start3A_261 = tpu.memref_squeeze %dma_start3A_260 : memref<1x128xi32, #tpu.memory_space<vmem>> -> memref<128xi32, #tpu.memory_space<vmem>>
        %dma_start3A_262 = arith.constant 0 : i32
        %dma_start3A_263 = tpu.memref_slice %arg2[%dma_start3A_262] : memref<234881024xf32, #tpu.memory_space<hbm>> -> memref<234881024xf32, #tpu.memory_space<hbm>>
        tpu.enqueue_indirect_dma source(%dma_start3A_263 : memref<234881024xf32, #tpu.memory_space<hbm>>) target(%dma_start3A : memref<128xf32, #tpu.memory_space<vmem>>) offsets(%dma_start3A_261 : memref<128xi32, #tpu.memory_space<vmem>>) semaphore(%arg17 : memref<!tpu.dma_semaphore, #tpu.memory_space<semaphore_mem>>)
      }
      %scan3A_218 = arith.constant 28 : i32
      tpu.wait_dma2 semaphore(%arg18 : memref<!tpu.dma_semaphore, #tpu.memory_space<semaphore_mem>>) src(%arg6 : memref<3584xf32, #tpu.memory_space<hbm>>) dst(%arg16 : memref<3584xf32, #tpu.memory_space<vmem>>)
      %get3A_219 = arith.index_cast %add3A_11 : i32 to index
      %get3A_220 = arith.constant 0 : index
      %get3A_221 = tpu.vector_load %arg8[%get3A_219, %get3A_220] {strides = array<i32>} : memref<8x16xf32, #tpu.memory_space<vmem>>, vector<1x16xf32>,
      %get3A_222 = vector.shape_cast %get3A_221 : vector<1x16xf32> to vector<16xf32>
      %broadcast_in_dim3A_223 = arith.constant 5 : i32
      %broadcast_in_dim3A_224 = vector.broadcast %broadcast_in_dim3A_223 : i32 to vector<16x1xi32>
      %gather3A_225 = vector.shape_cast %broadcast_in_dim3A_224 : vector<16x1xi32> to vector<16xi32>
      %gather3A_226 = tpu.dynamic_gather %get3A_222[%gather3A_225] in [0] : vector<16xf32>, vector<16xi32> -> vector<16xf32>
      %max3A_227 = arith.constant 0.000000e+00 : f32
      %max3A_228 = vector.broadcast %max3A_227 : f32 to vector<16xf32>
      %max3A_229 = arith.maximumf %gather3A_226, %max3A_228 : vector<16xf32>
      %scan3A_230 = arith.constant 0 : i32
      %scan3A_231 = arith.constant 56 : i32
      %scan3A_232 = arith.addi %scan3A_230, %scan3A_231 : i32
      %scan3A_233 = arith.constant 1 : i32
      scf.for %scan3A_252 = %scan3A_230 to %scan3A_232 step %scan3A_233  : i32 {
        %mul3A_253 = arith.constant 64 : i32
        %mul3A_254 = arith.muli %scan3A_252, %mul3A_253 : i32
        %add3A_255 = arith.constant 0 : i32
        %add3A_256 = arith.addi %add3A_255, %mul3A_254 : i32
        %add3A_257 = arith.constant 0 : i32
        %add3A_258 = arith.addi %add3A_256, %add3A_257 : i32
        %get3A_259 = arith.index_cast %add3A_258 : i32 to index
        %get3A_260 = tpu.vector_load %arg12[%get3A_259] {strides = array<i32>} : memref<3584xf32, #tpu.memory_space<vmem>>, vector<16xf32>,
        %get3A_261 = vector.shape_cast %get3A_260 : vector<16xf32> to vector<16xf32>
        %get3A_262 = arith.index_cast %add3A_258 : i32 to index
        %get3A_263 = tpu.vector_load %arg16[%get3A_262] {strides = array<i32>} : memref<3584xf32, #tpu.memory_space<vmem>>, vector<16xf32>,
        %get3A_264 = vector.shape_cast %get3A_263 : vector<16xf32> to vector<16xf32>
        %mul3A_265 = arith.mulf %max3A_229, %get3A_264 : vector<16xf32>
        %add3A_266 = arith.addf %get3A_261, %mul3A_265 : vector<16xf32>
        %swap3A = arith.index_cast %add3A_258 : i32 to index
        %swap3A_267 = tpu.vector_load %arg12[%swap3A] {strides = array<i32>} : memref<3584xf32, #tpu.memory_space<vmem>>, vector<16xf32>,
        %swap3A_268 = vector.shape_cast %swap3A_267 : vector<16xf32> to vector<16xf32>
        %swap3A_269 = vector.shape_cast %add3A_266 : vector<16xf32> to vector<16xf32>
        tpu.vector_store %arg12[%swap3A], %swap3A_269 {strides = array<i32>} : memref<3584xf32, #tpu.memory_space<vmem>>, vector<16xf32>,
        %add3A_270 = arith.constant 16 : i32
        %add3A_271 = arith.addi %add3A_256, %add3A_270 : i32
        %get3A_272 = arith.index_cast %add3A_271 : i32 to index
        %get3A_273 = tpu.vector_load %arg12[%get3A_272] {strides = array<i32>} : memref<3584xf32, #tpu.memory_space<vmem>>, vector<16xf32>,
        %get3A_274 = vector.shape_cast %get3A_273 : vector<16xf32> to vector<16xf32>
        %get3A_275 = arith.index_cast %add3A_271 : i32 to index
        %get3A_276 = tpu.vector_load %arg16[%get3A_275] {strides = array<i32>} : memref<3584xf32, #tpu.memory_space<vmem>>, vector<16xf32>,
        %get3A_277 = vector.shape_cast %get3A_276 : vector<16xf32> to vector<16xf32>
        %mul3A_278 = arith.mulf %max3A_229, %get3A_277 : vector<16xf32>
        %add3A_279 = arith.addf %get3A_274, %mul3A_278 : vector<16xf32>
        %swap3A_280 = arith.index_cast %add3A_271 : i32 to index
        %swap3A_281 = tpu.vector_load %arg12[%swap3A_280] {strides = array<i32>} : memref<3584xf32, #tpu.memory_space<vmem>>, vector<16xf32>,
        %swap3A_282 = vector.shape_cast %swap3A_281 : vector<16xf32> to vector<16xf32>
        %swap3A_283 = vector.shape_cast %add3A_279 : vector<16xf32> to vector<16xf32>
        tpu.vector_store %arg12[%swap3A_280], %swap3A_283 {strides = array<i32>} : memref<3584xf32, #tpu.memory_space<vmem>>, vector<16xf32>,
        %add3A_284 = arith.constant 32 : i32
        %add3A_285 = arith.addi %add3A_256, %add3A_284 : i32
        %get3A_286 = arith.index_cast %add3A_285 : i32 to index
        %get3A_287 = tpu.vector_load %arg12[%get3A_286] {strides = array<i32>} : memref<3584xf32, #tpu.memory_space<vmem>>, vector<16xf32>,
        %get3A_288 = vector.shape_cast %get3A_287 : vector<16xf32> to vector<16xf32>
        %get3A_289 = arith.index_cast %add3A_285 : i32 to index
        %get3A_290 = tpu.vector_load %arg16[%get3A_289] {strides = array<i32>} : memref<3584xf32, #tpu.memory_space<vmem>>, vector<16xf32>,
        %get3A_291 = vector.shape_cast %get3A_290 : vector<16xf32> to vector<16xf32>
        %mul3A_292 = arith.mulf %max3A_229, %get3A_291 : vector<16xf32>
        %add3A_293 = arith.addf %get3A_288, %mul3A_292 : vector<16xf32>
        %swap3A_294 = arith.index_cast %add3A_285 : i32 to index
        %swap3A_295 = tpu.vector_load %arg12[%swap3A_294] {strides = array<i32>} : memref<3584xf32, #tpu.memory_space<vmem>>, vector<16xf32>,
        %swap3A_296 = vector.shape_cast %swap3A_295 : vector<16xf32> to vector<16xf32>
        %swap3A_297 = vector.shape_cast %add3A_293 : vector<16xf32> to vector<16xf32>
        tpu.vector_store %arg12[%swap3A_294], %swap3A_297 {strides = array<i32>} : memref<3584xf32, #tpu.memory_space<vmem>>, vector<16xf32>,
        %add3A_298 = arith.constant 48 : i32
        %add3A_299 = arith.addi %add3A_256, %add3A_298 : i32
        %get3A_300 = arith.index_cast %add3A_299 : i32 to index
        %get3A_301 = tpu.vector_load %arg12[%get3A_300] {strides = array<i32>} : memref<3584xf32, #tpu.memory_space<vmem>>, vector<16xf32>,
        %get3A_302 = vector.shape_cast %get3A_301 : vector<16xf32> to vector<16xf32>
        %get3A_303 = arith.index_cast %add3A_299 : i32 to index
        %get3A_304 = tpu.vector_load %arg16[%get3A_303] {strides = array<i32>} : memref<3584xf32, #tpu.memory_space<vmem>>, vector<16xf32>,
        %get3A_305 = vector.shape_cast %get3A_304 : vector<16xf32> to vector<16xf32>
        %mul3A_306 = arith.mulf %max3A_229, %get3A_305 : vector<16xf32>
        %add3A_307 = arith.addf %get3A_302, %mul3A_306 : vector<16xf32>
        %swap3A_308 = arith.index_cast %add3A_299 : i32 to index
        %swap3A_309 = tpu.vector_load %arg12[%swap3A_308] {strides = array<i32>} : memref<3584xf32, #tpu.memory_space<vmem>>, vector<16xf32>,
        %swap3A_310 = vector.shape_cast %swap3A_309 : vector<16xf32> to vector<16xf32>
        %swap3A_311 = vector.shape_cast %add3A_307 : vector<16xf32> to vector<16xf32>
        tpu.vector_store %arg12[%swap3A_308], %swap3A_311 {strides = array<i32>} : memref<3584xf32, #tpu.memory_space<vmem>>, vector<16xf32>,
      }
      %scan3A_234 = arith.constant 56 : i32
      tpu.wait_dma2 semaphore(%arg17 : memref<!tpu.dma_semaphore, #tpu.memory_space<semaphore_mem>>) src(%arg6 : memref<3584xf32, #tpu.memory_space<hbm>>) dst(%arg15 : memref<3584xf32, #tpu.memory_space<vmem>>)
      %get3A_235 = arith.index_cast %add3A_11 : i32 to index
      %get3A_236 = arith.constant 0 : index
      %get3A_237 = tpu.vector_load %arg8[%get3A_235, %get3A_236] {strides = array<i32>} : memref<8x16xf32, #tpu.memory_space<vmem>>, vector<1x16xf32>,
      %get3A_238 = vector.shape_cast %get3A_237 : vector<1x16xf32> to vector<16xf32>
      %broadcast_in_dim3A_239 = arith.constant 6 : i32
      %broadcast_in_dim3A_240 = vector.broadcast %broadcast_in_dim3A_239 : i32 to vector<16x1xi32>
      %gather3A_241 = vector.shape_cast %broadcast_in_dim3A_240 : vector<16x1xi32> to vector<16xi32>
      %gather3A_242 = tpu.dynamic_gather %get3A_238[%gather3A_241] in [0] : vector<16xf32>, vector<16xi32> -> vector<16xf32>
      %max3A_243 = arith.constant 0.000000e+00 : f32
      %max3A_244 = vector.broadcast %max3A_243 : f32 to vector<16xf32>
      %max3A_245 = arith.maximumf %gather3A_242, %max3A_244 : vector<16xf32>
      %scan3A_246 = arith.constant 0 : i32
      %scan3A_247 = arith.constant 56 : i32
      %scan3A_248 = arith.addi %scan3A_246, %scan3A_247 : i32
      %scan3A_249 = arith.constant 1 : i32
      scf.for %scan3A_252 = %scan3A_246 to %scan3A_248 step %scan3A_249  : i32 {
        %mul3A_253 = arith.constant 64 : i32
        %mul3A_254 = arith.muli %scan3A_252, %mul3A_253 : i32
        %add3A_255 = arith.constant 0 : i32
        %add3A_256 = arith.addi %add3A_255, %mul3A_254 : i32
        %add3A_257 = arith.constant 0 : i32
        %add3A_258 = arith.addi %add3A_256, %add3A_257 : i32
        %get3A_259 = arith.index_cast %add3A_258 : i32 to index
        %get3A_260 = tpu.vector_load %arg12[%get3A_259] {strides = array<i32>} : memref<3584xf32, #tpu.memory_space<vmem>>, vector<16xf32>,
        %get3A_261 = vector.shape_cast %get3A_260 : vector<16xf32> to vector<16xf32>
        %get3A_262 = arith.index_cast %add3A_258 : i32 to index
        %get3A_263 = tpu.vector_load %arg15[%get3A_262] {strides = array<i32>} : memref<3584xf32, #tpu.memory_space<vmem>>, vector<16xf32>,
        %get3A_264 = vector.shape_cast %get3A_263 : vector<16xf32> to vector<16xf32>
        %mul3A_265 = arith.mulf %max3A_245, %get3A_264 : vector<16xf32>
        %add3A_266 = arith.addf %get3A_261, %mul3A_265 : vector<16xf32>
        %swap3A = arith.index_cast %add3A_258 : i32 to index
        %swap3A_267 = tpu.vector_load %arg12[%swap3A] {strides = array<i32>} : memref<3584xf32, #tpu.memory_space<vmem>>, vector<16xf32>,
        %swap3A_268 = vector.shape_cast %swap3A_267 : vector<16xf32> to vector<16xf32>
        %swap3A_269 = vector.shape_cast %add3A_266 : vector<16xf32> to vector<16xf32>
        tpu.vector_store %arg12[%swap3A], %swap3A_269 {strides = array<i32>} : memref<3584xf32, #tpu.memory_space<vmem>>, vector<16xf32>,
        %add3A_270 = arith.constant 16 : i32
        %add3A_271 = arith.addi %add3A_256, %add3A_270 : i32
        %get3A_272 = arith.index_cast %add3A_271 : i32 to index
        %get3A_273 = tpu.vector_load %arg12[%get3A_272] {strides = array<i32>} : memref<3584xf32, #tpu.memory_space<vmem>>, vector<16xf32>,
        %get3A_274 = vector.shape_cast %get3A_273 : vector<16xf32> to vector<16xf32>
        %get3A_275 = arith.index_cast %add3A_271 : i32 to index
        %get3A_276 = tpu.vector_load %arg15[%get3A_275] {strides = array<i32>} : memref<3584xf32, #tpu.memory_space<vmem>>, vector<16xf32>,
        %get3A_277 = vector.shape_cast %get3A_276 : vector<16xf32> to vector<16xf32>
        %mul3A_278 = arith.mulf %max3A_245, %get3A_277 : vector<16xf32>
        %add3A_279 = arith.addf %get3A_274, %mul3A_278 : vector<16xf32>
        %swap3A_280 = arith.index_cast %add3A_271 : i32 to index
        %swap3A_281 = tpu.vector_load %arg12[%swap3A_280] {strides = array<i32>} : memref<3584xf32, #tpu.memory_space<vmem>>, vector<16xf32>,
        %swap3A_282 = vector.shape_cast %swap3A_281 : vector<16xf32> to vector<16xf32>
        %swap3A_283 = vector.shape_cast %add3A_279 : vector<16xf32> to vector<16xf32>
        tpu.vector_store %arg12[%swap3A_280], %swap3A_283 {strides = array<i32>} : memref<3584xf32, #tpu.memory_space<vmem>>, vector<16xf32>,
        %add3A_284 = arith.constant 32 : i32
        %add3A_285 = arith.addi %add3A_256, %add3A_284 : i32
        %get3A_286 = arith.index_cast %add3A_285 : i32 to index
        %get3A_287 = tpu.vector_load %arg12[%get3A_286] {strides = array<i32>} : memref<3584xf32, #tpu.memory_space<vmem>>, vector<16xf32>,
        %get3A_288 = vector.shape_cast %get3A_287 : vector<16xf32> to vector<16xf32>
        %get3A_289 = arith.index_cast %add3A_285 : i32 to index
        %get3A_290 = tpu.vector_load %arg15[%get3A_289] {strides = array<i32>} : memref<3584xf32, #tpu.memory_space<vmem>>, vector<16xf32>,
        %get3A_291 = vector.shape_cast %get3A_290 : vector<16xf32> to vector<16xf32>
        %mul3A_292 = arith.mulf %max3A_245, %get3A_291 : vector<16xf32>
        %add3A_293 = arith.addf %get3A_288, %mul3A_292 : vector<16xf32>
        %swap3A_294 = arith.index_cast %add3A_285 : i32 to index
        %swap3A_295 = tpu.vector_load %arg12[%swap3A_294] {strides = array<i32>} : memref<3584xf32, #tpu.memory_space<vmem>>, vector<16xf32>,
        %swap3A_296 = vector.shape_cast %swap3A_295 : vector<16xf32> to vector<16xf32>
        %swap3A_297 = vector.shape_cast %add3A_293 : vector<16xf32> to vector<16xf32>
        tpu.vector_store %arg12[%swap3A_294], %swap3A_297 {strides = array<i32>} : memref<3584xf32, #tpu.memory_space<vmem>>, vector<16xf32>,
        %add3A_298 = arith.constant 48 : i32
        %add3A_299 = arith.addi %add3A_256, %add3A_298 : i32
        %get3A_300 = arith.index_cast %add3A_299 : i32 to index
        %get3A_301 = tpu.vector_load %arg12[%get3A_300] {strides = array<i32>} : memref<3584xf32, #tpu.memory_space<vmem>>, vector<16xf32>,
        %get3A_302 = vector.shape_cast %get3A_301 : vector<16xf32> to vector<16xf32>
        %get3A_303 = arith.index_cast %add3A_299 : i32 to index
        %get3A_304 = tpu.vector_load %arg15[%get3A_303] {strides = array<i32>} : memref<3584xf32, #tpu.memory_space<vmem>>, vector<16xf32>,
        %get3A_305 = vector.shape_cast %get3A_304 : vector<16xf32> to vector<16xf32>
        %mul3A_306 = arith.mulf %max3A_245, %get3A_305 : vector<16xf32>
        %add3A_307 = arith.addf %get3A_302, %mul3A_306 : vector<16xf32>
        %swap3A_308 = arith.index_cast %add3A_299 : i32 to index
        %swap3A_309 = tpu.vector_load %arg12[%swap3A_308] {strides = array<i32>} : memref<3584xf32, #tpu.memory_space<vmem>>, vector<16xf32>,
        %swap3A_310 = vector.shape_cast %swap3A_309 : vector<16xf32> to vector<16xf32>
        %swap3A_311 = vector.shape_cast %add3A_307 : vector<16xf32> to vector<16xf32>
        tpu.vector_store %arg12[%swap3A_308], %swap3A_311 {strides = array<i32>} : memref<3584xf32, #tpu.memory_space<vmem>>, vector<16xf32>,
      }
      %scan3A_250 = arith.constant 56 : i32
      %add3A_251 = arith.addi %mul3A_2, %add3A_11 : i32
      "tpu.region"() ({
        %run_scoped3A = tpu.sem_alloc : memref<!tpu.dma_semaphore, #tpu.memory_space<semaphore_mem>>
        %dma_start3A = arith.constant 0 : i32
        %dma_start3A_252 = tpu.memref_slice %arg7[%add3A_251, %dma_start3A] : memref<256x3584xf32, #tpu.memory_space<hbm>> -> memref<1x3584xf32, #tpu.memory_space<hbm>>
        %dma_start3A_253 = tpu.memref_squeeze %dma_start3A_252 : memref<1x3584xf32, #tpu.memory_space<hbm>> -> memref<3584xf32, #tpu.memory_space<hbm>>
        %dma_start3A_254 = arith.constant 0 : i32
        %dma_start3A_255 = tpu.memref_slice %arg7[%add3A_251, %dma_start3A_254] : memref<256x3584xf32, #tpu.memory_space<hbm>> -> memref<1x3584xf32, #tpu.memory_space<hbm>>
        %dma_start3A_256 = tpu.memref_squeeze %dma_start3A_255 : memref<1x3584xf32, #tpu.memory_space<hbm>> -> memref<3584xf32, #tpu.memory_space<hbm>>
        tpu.enqueue_dma source(%arg12 : memref<3584xf32, #tpu.memory_space<vmem>>) target(%dma_start3A_256 : memref<3584xf32, #tpu.memory_space<hbm>>) target_semaphore(%run_scoped3A : memref<!tpu.dma_semaphore, #tpu.memory_space<semaphore_mem>>)
        %dma_wait3A = arith.constant 0 : i32
        %dma_wait3A_257 = tpu.memref_slice %arg7[%add3A_251, %dma_wait3A] : memref<256x3584xf32, #tpu.memory_space<hbm>> -> memref<1x3584xf32, #tpu.memory_space<hbm>>
        %dma_wait3A_258 = tpu.memref_squeeze %dma_wait3A_257 : memref<1x3584xf32, #tpu.memory_space<hbm>> -> memref<3584xf32, #tpu.memory_space<hbm>>
        %dma_wait3A_259 = arith.constant 0 : i32
        %dma_wait3A_260 = tpu.memref_slice %arg7[%add3A_251, %dma_wait3A_259] : memref<256x3584xf32, #tpu.memory_space<hbm>> -> memref<1x3584xf32, #tpu.memory_space<hbm>>
        %dma_wait3A_261 = tpu.memref_squeeze %dma_wait3A_260 : memref<1x3584xf32, #tpu.memory_space<hbm>> -> memref<3584xf32, #tpu.memory_space<hbm>>
        tpu.wait_dma2 semaphore(%run_scoped3A : memref<!tpu.dma_semaphore, #tpu.memory_space<semaphore_mem>>) src(%arg12 : memref<3584xf32, #tpu.memory_space<vmem>>) dst(%dma_wait3A_261 : memref<3584xf32, #tpu.memory_space<hbm>>)
        tpu.yield
      }) : () -> ()
    }
    %scan3A_6 = arith.constant 8 : i32
    return
  }
}

module attributes {stable_mosaic.version = 14 : i64} {
  func.func @_feat_body(%arg0: i32, %arg1: memref<256x16xf32, #tpu.memory_space<vmem>>, %arg2: memref<256x16xi32, #tpu.memory_space<vmem>>, %arg3: memref<256x512xf32, #tpu.memory_space<vmem>>) attributes {dimension_semantics = [#tpu.dimension_semantics<arbitrary>], iteration_bounds = array<i64: 128>, scalar_prefetch = 0 : i64, scratch_operands = 0 : i64, tpu.core_type = #tpu.core_type<tc>, window_params = [{pipeline_mode = #tpu.pipeline_mode<synchronous>, transform_indices = @transform_0, window_bounds = array<i64: 256, 16>}, {pipeline_mode = #tpu.pipeline_mode<synchronous>, transform_indices = @transform_1, window_bounds = array<i64: 256, 16>}, {transform_indices = @transform_2, window_bounds = array<i64: 256, 512>}]} {
    %iota3A = tpu.iota {dimensions = array<i32: 1>} : vector<256x512xi32>
    %mul3A = arith.constant 512 : i32
    %mul3A_0 = arith.muli %arg0, %mul3A : i32
    %add3A = vector.broadcast %mul3A_0 : i32 to vector<256x512xi32>
    %add3A_1 = arith.addi %iota3A, %add3A : vector<256x512xi32>
    %broadcast_in_dim3A = arith.constant 0.000000e+00 : f32
    %broadcast_in_dim3A_2 = vector.broadcast %broadcast_in_dim3A : f32 to vector<256x512xf32>
    %get3A = arith.constant 0 : index
    %get3A_3 = arith.constant 0 : index
    %get3A_4 = vector.load %arg1[%get3A, %get3A_3] : memref<256x16xf32, #tpu.memory_space<vmem>>, vector<256x1xf32>
    %max3A = arith.constant 0.000000e+00 : f32
    %max3A_5 = vector.broadcast %max3A : f32 to vector<256x1xf32>
    %max3A_6 = arith.maximumf %get3A_4, %max3A_5 : vector<256x1xf32>
    %get3A_7 = arith.constant 0 : index
    %get3A_8 = arith.constant 0 : index
    %get3A_9 = vector.load %arg2[%get3A_7, %get3A_8] : memref<256x16xi32, #tpu.memory_space<vmem>>, vector<256x1xi32>
    %eq3A = vector.broadcast %get3A_9 : vector<256x1xi32> to vector<256x512xi32>
    %eq3A_10 = arith.cmpi eq, %add3A_1, %eq3A : vector<256x512xi32>
    %broadcast_in_dim3A_11 = vector.shape_cast %max3A_6 : vector<256x1xf32> to vector<256x1xf32>
    %broadcast_in_dim3A_12 = vector.broadcast %broadcast_in_dim3A_11 : vector<256x1xf32> to vector<256x512xf32>
    %select_n3A = arith.select %eq3A_10, %broadcast_in_dim3A_12, %broadcast_in_dim3A_2 : vector<256x512xi1>, vector<256x512xf32>
    %get3A_13 = arith.constant 0 : index
    %get3A_14 = arith.constant 1 : index
    %get3A_15 = vector.load %arg1[%get3A_13, %get3A_14] : memref<256x16xf32, #tpu.memory_space<vmem>>, vector<256x1xf32>
    %max3A_16 = arith.constant 0.000000e+00 : f32
    %max3A_17 = vector.broadcast %max3A_16 : f32 to vector<256x1xf32>
    %max3A_18 = arith.maximumf %get3A_15, %max3A_17 : vector<256x1xf32>
    %get3A_19 = arith.constant 0 : index
    %get3A_20 = arith.constant 1 : index
    %get3A_21 = vector.load %arg2[%get3A_19, %get3A_20] : memref<256x16xi32, #tpu.memory_space<vmem>>, vector<256x1xi32>
    %eq3A_22 = vector.broadcast %get3A_21 : vector<256x1xi32> to vector<256x512xi32>
    %eq3A_23 = arith.cmpi eq, %add3A_1, %eq3A_22 : vector<256x512xi32>
    %broadcast_in_dim3A_24 = vector.shape_cast %max3A_18 : vector<256x1xf32> to vector<256x1xf32>
    %broadcast_in_dim3A_25 = vector.broadcast %broadcast_in_dim3A_24 : vector<256x1xf32> to vector<256x512xf32>
    %select_n3A_26 = arith.select %eq3A_23, %broadcast_in_dim3A_25, %select_n3A : vector<256x512xi1>, vector<256x512xf32>
    %get3A_27 = arith.constant 0 : index
    %get3A_28 = arith.constant 2 : index
    %get3A_29 = vector.load %arg1[%get3A_27, %get3A_28] : memref<256x16xf32, #tpu.memory_space<vmem>>, vector<256x1xf32>
    %max3A_30 = arith.constant 0.000000e+00 : f32
    %max3A_31 = vector.broadcast %max3A_30 : f32 to vector<256x1xf32>
    %max3A_32 = arith.maximumf %get3A_29, %max3A_31 : vector<256x1xf32>
    %get3A_33 = arith.constant 0 : index
    %get3A_34 = arith.constant 2 : index
    %get3A_35 = vector.load %arg2[%get3A_33, %get3A_34] : memref<256x16xi32, #tpu.memory_space<vmem>>, vector<256x1xi32>
    %eq3A_36 = vector.broadcast %get3A_35 : vector<256x1xi32> to vector<256x512xi32>
    %eq3A_37 = arith.cmpi eq, %add3A_1, %eq3A_36 : vector<256x512xi32>
    %broadcast_in_dim3A_38 = vector.shape_cast %max3A_32 : vector<256x1xf32> to vector<256x1xf32>
    %broadcast_in_dim3A_39 = vector.broadcast %broadcast_in_dim3A_38 : vector<256x1xf32> to vector<256x512xf32>
    %select_n3A_40 = arith.select %eq3A_37, %broadcast_in_dim3A_39, %select_n3A_26 : vector<256x512xi1>, vector<256x512xf32>
    %get3A_41 = arith.constant 0 : index
    %get3A_42 = arith.constant 3 : index
    %get3A_43 = vector.load %arg1[%get3A_41, %get3A_42] : memref<256x16xf32, #tpu.memory_space<vmem>>, vector<256x1xf32>
    %max3A_44 = arith.constant 0.000000e+00 : f32
    %max3A_45 = vector.broadcast %max3A_44 : f32 to vector<256x1xf32>
    %max3A_46 = arith.maximumf %get3A_43, %max3A_45 : vector<256x1xf32>
    %get3A_47 = arith.constant 0 : index
    %get3A_48 = arith.constant 3 : index
    %get3A_49 = vector.load %arg2[%get3A_47, %get3A_48] : memref<256x16xi32, #tpu.memory_space<vmem>>, vector<256x1xi32>
    %eq3A_50 = vector.broadcast %get3A_49 : vector<256x1xi32> to vector<256x512xi32>
    %eq3A_51 = arith.cmpi eq, %add3A_1, %eq3A_50 : vector<256x512xi32>
    %broadcast_in_dim3A_52 = vector.shape_cast %max3A_46 : vector<256x1xf32> to vector<256x1xf32>
    %broadcast_in_dim3A_53 = vector.broadcast %broadcast_in_dim3A_52 : vector<256x1xf32> to vector<256x512xf32>
    %select_n3A_54 = arith.select %eq3A_51, %broadcast_in_dim3A_53, %select_n3A_40 : vector<256x512xi1>, vector<256x512xf32>
    %get3A_55 = arith.constant 0 : index
    %get3A_56 = arith.constant 4 : index
    %get3A_57 = vector.load %arg1[%get3A_55, %get3A_56] : memref<256x16xf32, #tpu.memory_space<vmem>>, vector<256x1xf32>
    %max3A_58 = arith.constant 0.000000e+00 : f32
    %max3A_59 = vector.broadcast %max3A_58 : f32 to vector<256x1xf32>
    %max3A_60 = arith.maximumf %get3A_57, %max3A_59 : vector<256x1xf32>
    %get3A_61 = arith.constant 0 : index
    %get3A_62 = arith.constant 4 : index
    %get3A_63 = vector.load %arg2[%get3A_61, %get3A_62] : memref<256x16xi32, #tpu.memory_space<vmem>>, vector<256x1xi32>
    %eq3A_64 = vector.broadcast %get3A_63 : vector<256x1xi32> to vector<256x512xi32>
    %eq3A_65 = arith.cmpi eq, %add3A_1, %eq3A_64 : vector<256x512xi32>
    %broadcast_in_dim3A_66 = vector.shape_cast %max3A_60 : vector<256x1xf32> to vector<256x1xf32>
    %broadcast_in_dim3A_67 = vector.broadcast %broadcast_in_dim3A_66 : vector<256x1xf32> to vector<256x512xf32>
    %select_n3A_68 = arith.select %eq3A_65, %broadcast_in_dim3A_67, %select_n3A_54 : vector<256x512xi1>, vector<256x512xf32>
    %get3A_69 = arith.constant 0 : index
    %get3A_70 = arith.constant 5 : index
    %get3A_71 = vector.load %arg1[%get3A_69, %get3A_70] : memref<256x16xf32, #tpu.memory_space<vmem>>, vector<256x1xf32>
    %max3A_72 = arith.constant 0.000000e+00 : f32
    %max3A_73 = vector.broadcast %max3A_72 : f32 to vector<256x1xf32>
    %max3A_74 = arith.maximumf %get3A_71, %max3A_73 : vector<256x1xf32>
    %get3A_75 = arith.constant 0 : index
    %get3A_76 = arith.constant 5 : index
    %get3A_77 = vector.load %arg2[%get3A_75, %get3A_76] : memref<256x16xi32, #tpu.memory_space<vmem>>, vector<256x1xi32>
    %eq3A_78 = vector.broadcast %get3A_77 : vector<256x1xi32> to vector<256x512xi32>
    %eq3A_79 = arith.cmpi eq, %add3A_1, %eq3A_78 : vector<256x512xi32>
    %broadcast_in_dim3A_80 = vector.shape_cast %max3A_74 : vector<256x1xf32> to vector<256x1xf32>
    %broadcast_in_dim3A_81 = vector.broadcast %broadcast_in_dim3A_80 : vector<256x1xf32> to vector<256x512xf32>
    %select_n3A_82 = arith.select %eq3A_79, %broadcast_in_dim3A_81, %select_n3A_68 : vector<256x512xi1>, vector<256x512xf32>
    %get3A_83 = arith.constant 0 : index
    %get3A_84 = arith.constant 6 : index
    %get3A_85 = vector.load %arg1[%get3A_83, %get3A_84] : memref<256x16xf32, #tpu.memory_space<vmem>>, vector<256x1xf32>
    %max3A_86 = arith.constant 0.000000e+00 : f32
    %max3A_87 = vector.broadcast %max3A_86 : f32 to vector<256x1xf32>
    %max3A_88 = arith.maximumf %get3A_85, %max3A_87 : vector<256x1xf32>
    %get3A_89 = arith.constant 0 : index
    %get3A_90 = arith.constant 6 : index
    %get3A_91 = vector.load %arg2[%get3A_89, %get3A_90] : memref<256x16xi32, #tpu.memory_space<vmem>>, vector<256x1xi32>
    %eq3A_92 = vector.broadcast %get3A_91 : vector<256x1xi32> to vector<256x512xi32>
    %eq3A_93 = arith.cmpi eq, %add3A_1, %eq3A_92 : vector<256x512xi32>
    %broadcast_in_dim3A_94 = vector.shape_cast %max3A_88 : vector<256x1xf32> to vector<256x1xf32>
    %broadcast_in_dim3A_95 = vector.broadcast %broadcast_in_dim3A_94 : vector<256x1xf32> to vector<256x512xf32>
    %select_n3A_96 = arith.select %eq3A_93, %broadcast_in_dim3A_95, %select_n3A_82 : vector<256x512xi1>, vector<256x512xf32>
    %swap3A = arith.constant 0 : index
    %swap3A_97 = arith.constant 0 : index
    %swap3A_98 = vector.load %arg3[%swap3A, %swap3A_97] : memref<256x512xf32, #tpu.memory_space<vmem>>, vector<256x512xf32>
    tpu.vector_store %arg3[%swap3A, %swap3A_97], %select_n3A_96 {strides = array<i32>} : memref<256x512xf32, #tpu.memory_space<vmem>>, vector<256x512xf32>,
    return
  }
  func.func @transform_0(%arg0: i32) -> (i32, i32) {
    %c0_i32 = arith.constant 0 : i32
    %c0_i32_0 = arith.constant 0 : i32
    %c0_i32_1 = arith.constant 0 : i32
    return %c0_i32, %c0_i32_0 : i32, i32
  }
  func.func @transform_1(%arg0: i32) -> (i32, i32) {
    %c0_i32 = arith.constant 0 : i32
    %c0_i32_0 = arith.constant 0 : i32
    %c0_i32_1 = arith.constant 0 : i32
    return %c0_i32, %c0_i32_0 : i32, i32
  }
  func.func @transform_2(%arg0: i32) -> (i32, i32) {
    %c0_i32 = arith.constant 0 : i32
    %c0_i32_0 = arith.constant 0 : i32
    return %c0_i32, %arg0 : i32, i32
  }
}

module attributes {stable_mosaic.version = 14 : i64} {
  func.func @_enc_body(%arg0: i32, %arg1: memref<256x3584xf32, #tpu.memory_space<vmem>>, %arg2: memref<3584x512xf32, #tpu.memory_space<vmem>>, %arg3: memref<1x512xf32, #tpu.memory_space<vmem>>, %arg4: memref<1x3584xf32, #tpu.memory_space<vmem>>, %arg5: memref<256x16xf32, #tpu.memory_space<vmem>>, %arg6: memref<256x16xi32, #tpu.memory_space<vmem>>, %arg7: memref<256x7xf32, #tpu.memory_space<vmem>>, %arg8: memref<256x7xi32, #tpu.memory_space<vmem>>, %arg9: memref<256x512xf32, #tpu.memory_space<vmem>>) attributes {dimension_semantics = [#tpu.dimension_semantics<arbitrary>], iteration_bounds = array<i64: 128>, scalar_prefetch = 0 : i64, scratch_operands = 3 : i64, tpu.core_type = #tpu.core_type<tc>, window_params = [{pipeline_mode = #tpu.pipeline_mode<synchronous>, transform_indices = @transform_0, window_bounds = array<i64: 256, 3584>}, {transform_indices = @transform_1, window_bounds = array<i64: 3584, 512>}, {transform_indices = @transform_2, window_bounds = array<i64: 1, 512>}, {pipeline_mode = #tpu.pipeline_mode<synchronous>, transform_indices = @transform_3, window_bounds = array<i64: 1, 3584>}, {pipeline_mode = #tpu.pipeline_mode<synchronous>, transform_indices = @transform_4, window_bounds = array<i64: 256, 16>}, {pipeline_mode = #tpu.pipeline_mode<synchronous>, transform_indices = @transform_5, window_bounds = array<i64: 256, 16>}]} {
    %eq3A = arith.constant 0 : i32
    %eq3A_0 = arith.cmpi eq, %arg0, %eq3A : i32
    %convert_element_type3A = arith.extui %eq3A_0 : i1 to i32
    %cond3A = arith.constant 0 : i32
    %cond3A_1 = arith.cmpi ne, %convert_element_type3A, %cond3A : i32
    scf.if %cond3A_1 {
      %broadcast_in_dim3A_50 = arith.constant 0xFF800000 : f32
      %broadcast_in_dim3A_51 = vector.broadcast %broadcast_in_dim3A_50 : f32 to vector<256x7xf32>
      %swap3A_52 = arith.constant 0 : index
      %swap3A_53 = arith.constant 0 : index
      %swap3A_54 = vector.load %arg7[%swap3A_52, %swap3A_53] : memref<256x7xf32, #tpu.memory_space<vmem>>, vector<256x7xf32>
      tpu.vector_store %arg7[%swap3A_52, %swap3A_53], %broadcast_in_dim3A_51 {strides = array<i32>} : memref<256x7xf32, #tpu.memory_space<vmem>>, vector<256x7xf32>,
      %broadcast_in_dim3A_55 = arith.constant 0 : i32
      %broadcast_in_dim3A_56 = vector.broadcast %broadcast_in_dim3A_55 : i32 to vector<256x7xi32>
      %swap3A_57 = arith.constant 0 : index
      %swap3A_58 = arith.constant 0 : index
      %swap3A_59 = vector.load %arg8[%swap3A_57, %swap3A_58] : memref<256x7xi32, #tpu.memory_space<vmem>>, vector<256x7xi32>
      tpu.vector_store %arg8[%swap3A_57, %swap3A_58], %broadcast_in_dim3A_56 {strides = array<i32>} : memref<256x7xi32, #tpu.memory_space<vmem>>, vector<256x7xi32>,
    } else {
    }
    %get3A = arith.constant 0 : index
    %get3A_2 = arith.constant 0 : index
    %get3A_3 = vector.load %arg1[%get3A, %get3A_2] : memref<256x3584xf32, #tpu.memory_space<vmem>>, vector<256x3584xf32>
    %get3A_4 = arith.constant 0 : index
    %get3A_5 = arith.constant 0 : index
    %get3A_6 = vector.load %arg4[%get3A_4, %get3A_5] : memref<1x3584xf32, #tpu.memory_space<vmem>>, vector<1x3584xf32>
    %sub3A = vector.broadcast %get3A_6 : vector<1x3584xf32> to vector<256x3584xf32>
    %sub3A_7 = arith.subf %get3A_3, %sub3A : vector<256x3584xf32>
    %get3A_8 = arith.constant 0 : index
    %get3A_9 = arith.constant 0 : index
    %get3A_10 = vector.load %arg2[%get3A_8, %get3A_9] : memref<3584x512xf32, #tpu.memory_space<vmem>>, vector<3584x512xf32>
    %dot_general3A = arith.constant dense<0.000000e+00> : vector<256x512xf32>
    %dot_general3A_11 = tpu.matmul %sub3A_7, %get3A_10, %dot_general3A {dimension_numbers = #tpu.dot_dimension_numbers<[1], [0], [0], [1], [0, 0, 1, 1], [], []>, transpose_lhs_hint = false} : vector<256x3584xf32>, vector<3584x512xf32>, vector<256x512xf32> -> vector<256x512xf32>
    %get3A_12 = arith.constant 0 : index
    %get3A_13 = arith.constant 0 : index
    %get3A_14 = vector.load %arg3[%get3A_12, %get3A_13] : memref<1x512xf32, #tpu.memory_space<vmem>>, vector<1x512xf32>
    %add3A = vector.broadcast %get3A_14 : vector<1x512xf32> to vector<256x512xf32>
    %add3A_15 = arith.addf %dot_general3A_11, %add3A : vector<256x512xf32>
    %swap3A = arith.constant 0 : index
    %swap3A_16 = arith.constant 0 : index
    %swap3A_17 = vector.load %arg9[%swap3A, %swap3A_16] : memref<256x512xf32, #tpu.memory_space<vmem>>, vector<256x512xf32>
    tpu.vector_store %arg9[%swap3A, %swap3A_16], %add3A_15 {strides = array<i32>} : memref<256x512xf32, #tpu.memory_space<vmem>>, vector<256x512xf32>,
    %iota3A = tpu.iota {dimensions = array<i32: 1>} : vector<256x512xi32>
    %mul3A = arith.constant 512 : i32
    %mul3A_18 = arith.muli %arg0, %mul3A : i32
    %add3A_19 = vector.broadcast %mul3A_18 : i32 to vector<256x512xi32>
    %add3A_20 = arith.addi %iota3A, %add3A_19 : vector<256x512xi32>
    %iota3A_21 = tpu.iota {dimensions = array<i32: 1>} : vector<256x7xi32>
    %get3A_22 = arith.constant 0 : index
    %get3A_23 = arith.constant 0 : index
    %get3A_24 = vector.load %arg9[%get3A_22, %get3A_23] : memref<256x512xf32, #tpu.memory_space<vmem>>, vector<256x512xf32>
    %reduce_max3A = arith.constant dense<0xFF800000> : vector<256xf32>
    %reduce_max3A_25 = vector.multi_reduction <maximumf>, %get3A_24, %reduce_max3A [1] : vector<256x512xf32> to vector<256xf32>
    %broadcast_in_dim3A = vector.shape_cast %reduce_max3A_25 : vector<256xf32> to vector<256x1xf32>
    %eq3A_26 = vector.broadcast %broadcast_in_dim3A : vector<256x1xf32> to vector<256x512xf32>
    %eq3A_27 = arith.cmpf oeq, %get3A_24, %eq3A_26 : vector<256x512xf32>
    %jit3A = arith.constant 1073741824 : i32
    %broadcast_in_dim3A_28 = vector.broadcast %jit3A : i32 to vector<256x512xi32>
    %select_n3A = arith.select %eq3A_27, %add3A_20, %broadcast_in_dim3A_28 : vector<256x512xi1>, vector<256x512xi32>
    %reduce_min3A = arith.constant dense<2147483647> : vector<256xi32>
    %reduce_min3A_29 = vector.multi_reduction <minsi>, %select_n3A, %reduce_min3A [1] : vector<256x512xi32> to vector<256xi32>
    %broadcast_in_dim3A_30 = vector.shape_cast %reduce_min3A_29 : vector<256xi32> to vector<256x1xi32>
    %get3A_31 = arith.constant 0 : index
    %get3A_32 = arith.constant 6 : index
    %get3A_33 = vector.load %arg7[%get3A_31, %get3A_32] : memref<256x7xf32, #tpu.memory_space<vmem>>, vector<256x1xf32>
    %gt3A = arith.cmpf ogt, %broadcast_in_dim3A, %get3A_33 : vector<256x1xf32>
    %reduce_or3A = arith.constant 1.000000e+00 : f32
    %reduce_or3A_34 = arith.constant 0.000000e+00 : f32
    %reduce_or3A_35 = vector.broadcast %reduce_or3A : f32 to vector<256x1xf32>
    %reduce_or3A_36 = vector.broadcast %reduce_or3A_34 : f32 to vector<256x1xf32>
    %reduce_or3A_37 = arith.select %gt3A, %reduce_or3A_35, %reduce_or3A_36 : vector<256x1xi1>, vector<256x1xf32>
    %reduce_or3A_38 = vector.shape_cast %reduce_or3A_37 : vector<256x1xf32> to vector<1x256x1xf32>
    %reduce_or3A_39 = arith.constant dense<0xFF800000> : vector<1xf32>
    %reduce_or3A_40 = vector.multi_reduction <maximumf>, %reduce_or3A_38, %reduce_or3A_39 [1, 2] : vector<1x256x1xf32> to vector<1xf32>
    %reduce_or3A_41 = vector.shape_cast %reduce_or3A_40 : vector<1xf32> to vector<1x1x1xf32>
    %reduce_or3A_42 = vector.extract %reduce_or3A_41[0, 0, 0] : f32 from vector<1x1x1xf32>
    %reduce_or3A_43 = arith.constant 0.000000e+00 : f32
    %reduce_or3A_44 = arith.cmpf ogt, %reduce_or3A_42, %reduce_or3A_43 : f32
    %while3A:3 = scf.while (%while3A_50 = %broadcast_in_dim3A, %while3A_51 = %broadcast_in_dim3A_30, %while3A_52 = %reduce_or3A_44) : (vector<256x1xf32>, vector<256x1xi32>, i1) -> (vector<256x1xf32>, vector<256x1xi32>, i1) {
      scf.condition(%while3A_52) %while3A_50, %while3A_51, %while3A_52 : vector<256x1xf32>, vector<256x1xi32>, i1
    } do {
    ^bb0(%while3A_50: vector<256x1xf32>, %while3A_51: vector<256x1xi32>, %while3A_52: i1):
      %get3A_53 = arith.constant 0 : index
      %get3A_54 = arith.constant 0 : index
      %get3A_55 = vector.load %arg7[%get3A_53, %get3A_54] : memref<256x7xf32, #tpu.memory_space<vmem>>, vector<256x7xf32>
      %get3A_56 = arith.constant 0 : index
      %get3A_57 = arith.constant 0 : index
      %get3A_58 = vector.load %arg8[%get3A_56, %get3A_57] : memref<256x7xi32, #tpu.memory_space<vmem>>, vector<256x7xi32>
      %ge3A = vector.broadcast %while3A_50 : vector<256x1xf32> to vector<256x7xf32>
      %ge3A_59 = arith.cmpf oge, %get3A_55, %ge3A : vector<256x7xf32>
      %convert_element_type3A_60 = arith.extui %ge3A_59 : vector<256x7xi1> to vector<256x7xi32>
      %reduce_sum3A = arith.constant dense<0> : vector<256xi32>
      %reduce_sum3A_61 = vector.multi_reduction <add>, %convert_element_type3A_60, %reduce_sum3A [1] : vector<256x7xi32> to vector<256xi32>
      %broadcast_in_dim3A_62 = vector.shape_cast %reduce_sum3A_61 : vector<256xi32> to vector<256x1xi32>
      %slice3A = vector.extract_strided_slice %get3A_55 {offsets = [0, 0], sizes = [256, 1], strides = [1, 1]} : vector<256x7xf32> to vector<256x1xf32>
      %slice3A_63 = vector.extract_strided_slice %get3A_55 {offsets = [0, 0], sizes = [256, 6], strides = [1, 1]} : vector<256x7xf32> to vector<256x6xf32>
      %concatenate3A = tpu.concatenate %slice3A, %slice3A_63 in 1 : vector<256x1xf32>, vector<256x6xf32> -> vector<256x7xf32>
      %slice3A_64 = vector.extract_strided_slice %get3A_58 {offsets = [0, 0], sizes = [256, 1], strides = [1, 1]} : vector<256x7xi32> to vector<256x1xi32>
      %slice3A_65 = vector.extract_strided_slice %get3A_58 {offsets = [0, 0], sizes = [256, 6], strides = [1, 1]} : vector<256x7xi32> to vector<256x6xi32>
      %concatenate3A_66 = tpu.concatenate %slice3A_64, %slice3A_65 in 1 : vector<256x1xi32>, vector<256x6xi32> -> vector<256x7xi32>
      %lt3A = vector.broadcast %broadcast_in_dim3A_62 : vector<256x1xi32> to vector<256x7xi32>
      %lt3A_67 = arith.cmpi slt, %iota3A_21, %lt3A : vector<256x7xi32>
      %eq3A_68 = vector.broadcast %broadcast_in_dim3A_62 : vector<256x1xi32> to vector<256x7xi32>
      %eq3A_69 = arith.cmpi eq, %iota3A_21, %eq3A_68 : vector<256x7xi32>
      %broadcast_in_dim3A_70 = vector.shape_cast %while3A_50 : vector<256x1xf32> to vector<256x1xf32>
      %broadcast_in_dim3A_71 = vector.broadcast %broadcast_in_dim3A_70 : vector<256x1xf32> to vector<256x7xf32>
      %select_n3A_72 = arith.select %eq3A_69, %broadcast_in_dim3A_71, %concatenate3A : vector<256x7xi1>, vector<256x7xf32>
      %select_n3A_73 = arith.select %lt3A_67, %get3A_55, %select_n3A_72 : vector<256x7xi1>, vector<256x7xf32>
      %lt3A_74 = vector.broadcast %broadcast_in_dim3A_62 : vector<256x1xi32> to vector<256x7xi32>
      %lt3A_75 = arith.cmpi slt, %iota3A_21, %lt3A_74 : vector<256x7xi32>
      %eq3A_76 = vector.broadcast %broadcast_in_dim3A_62 : vector<256x1xi32> to vector<256x7xi32>
      %eq3A_77 = arith.cmpi eq, %iota3A_21, %eq3A_76 : vector<256x7xi32>
      %broadcast_in_dim3A_78 = vector.shape_cast %while3A_51 : vector<256x1xi32> to vector<256x1xi32>
      %broadcast_in_dim3A_79 = vector.broadcast %broadcast_in_dim3A_78 : vector<256x1xi32> to vector<256x7xi32>
      %select_n3A_80 = arith.select %eq3A_77, %broadcast_in_dim3A_79, %concatenate3A_66 : vector<256x7xi1>, vector<256x7xi32>
      %select_n3A_81 = arith.select %lt3A_75, %get3A_58, %select_n3A_80 : vector<256x7xi1>, vector<256x7xi32>
      %swap3A_82 = arith.constant 0 : index
      %swap3A_83 = arith.constant 0 : index
      %swap3A_84 = vector.load %arg7[%swap3A_82, %swap3A_83] : memref<256x7xf32, #tpu.memory_space<vmem>>, vector<256x7xf32>
      tpu.vector_store %arg7[%swap3A_82, %swap3A_83], %select_n3A_73 {strides = array<i32>} : memref<256x7xf32, #tpu.memory_space<vmem>>, vector<256x7xf32>,
      %swap3A_85 = arith.constant 0 : index
      %swap3A_86 = arith.constant 0 : index
      %swap3A_87 = vector.load %arg8[%swap3A_85, %swap3A_86] : memref<256x7xi32, #tpu.memory_space<vmem>>, vector<256x7xi32>
      tpu.vector_store %arg8[%swap3A_85, %swap3A_86], %select_n3A_81 {strides = array<i32>} : memref<256x7xi32, #tpu.memory_space<vmem>>, vector<256x7xi32>,
      %eq3A_88 = vector.broadcast %while3A_51 : vector<256x1xi32> to vector<256x512xi32>
      %eq3A_89 = arith.cmpi eq, %add3A_20, %eq3A_88 : vector<256x512xi32>
      %get3A_90 = arith.constant 0 : index
      %get3A_91 = arith.constant 0 : index
      %get3A_92 = vector.load %arg9[%get3A_90, %get3A_91] : memref<256x512xf32, #tpu.memory_space<vmem>>, vector<256x512xf32>
      %jit3A_93 = arith.constant 0xFF800000 : f32
      %broadcast_in_dim3A_94 = vector.broadcast %jit3A_93 : f32 to vector<256x512xf32>
      %select_n3A_95 = arith.select %eq3A_89, %broadcast_in_dim3A_94, %get3A_92 : vector<256x512xi1>, vector<256x512xf32>
      %swap3A_96 = arith.constant 0 : index
      %swap3A_97 = arith.constant 0 : index
      %swap3A_98 = vector.load %arg9[%swap3A_96, %swap3A_97] : memref<256x512xf32, #tpu.memory_space<vmem>>, vector<256x512xf32>
      tpu.vector_store %arg9[%swap3A_96, %swap3A_97], %select_n3A_95 {strides = array<i32>} : memref<256x512xf32, #tpu.memory_space<vmem>>, vector<256x512xf32>,
      %get3A_99 = arith.constant 0 : index
      %get3A_100 = arith.constant 0 : index
      %get3A_101 = vector.load %arg9[%get3A_99, %get3A_100] : memref<256x512xf32, #tpu.memory_space<vmem>>, vector<256x512xf32>
      %reduce_max3A_102 = arith.constant dense<0xFF800000> : vector<256xf32>
      %reduce_max3A_103 = vector.multi_reduction <maximumf>, %get3A_101, %reduce_max3A_102 [1] : vector<256x512xf32> to vector<256xf32>
      %broadcast_in_dim3A_104 = vector.shape_cast %reduce_max3A_103 : vector<256xf32> to vector<256x1xf32>
      %eq3A_105 = vector.broadcast %broadcast_in_dim3A_104 : vector<256x1xf32> to vector<256x512xf32>
      %eq3A_106 = arith.cmpf oeq, %get3A_101, %eq3A_105 : vector<256x512xf32>
      %jit3A_107 = arith.constant 1073741824 : i32
      %broadcast_in_dim3A_108 = vector.broadcast %jit3A_107 : i32 to vector<256x512xi32>
      %select_n3A_109 = arith.select %eq3A_106, %add3A_20, %broadcast_in_dim3A_108 : vector<256x512xi1>, vector<256x512xi32>
      %reduce_min3A_110 = arith.constant dense<2147483647> : vector<256xi32>
      %reduce_min3A_111 = vector.multi_reduction <minsi>, %select_n3A_109, %reduce_min3A_110 [1] : vector<256x512xi32> to vector<256xi32>
      %broadcast_in_dim3A_112 = vector.shape_cast %reduce_min3A_111 : vector<256xi32> to vector<256x1xi32>
      %slice3A_113 = vector.extract_strided_slice %select_n3A_73 {offsets = [0, 6], sizes = [256, 1], strides = [1, 1]} : vector<256x7xf32> to vector<256x1xf32>
      %gt3A_114 = arith.cmpf ogt, %broadcast_in_dim3A_104, %slice3A_113 : vector<256x1xf32>
      %reduce_or3A_115 = arith.constant 1.000000e+00 : f32
      %reduce_or3A_116 = arith.constant 0.000000e+00 : f32
      %reduce_or3A_117 = vector.broadcast %reduce_or3A_115 : f32 to vector<256x1xf32>
      %reduce_or3A_118 = vector.broadcast %reduce_or3A_116 : f32 to vector<256x1xf32>
      %reduce_or3A_119 = arith.select %gt3A_114, %reduce_or3A_117, %reduce_or3A_118 : vector<256x1xi1>, vector<256x1xf32>
      %reduce_or3A_120 = vector.shape_cast %reduce_or3A_119 : vector<256x1xf32> to vector<1x256x1xf32>
      %reduce_or3A_121 = arith.constant dense<0xFF800000> : vector<1xf32>
      %reduce_or3A_122 = vector.multi_reduction <maximumf>, %reduce_or3A_120, %reduce_or3A_121 [1, 2] : vector<1x256x1xf32> to vector<1xf32>
      %reduce_or3A_123 = vector.shape_cast %reduce_or3A_122 : vector<1xf32> to vector<1x1x1xf32>
      %reduce_or3A_124 = vector.extract %reduce_or3A_123[0, 0, 0] : f32 from vector<1x1x1xf32>
      %reduce_or3A_125 = arith.constant 0.000000e+00 : f32
      %reduce_or3A_126 = arith.cmpf ogt, %reduce_or3A_124, %reduce_or3A_125 : f32
      scf.yield %broadcast_in_dim3A_104, %broadcast_in_dim3A_112, %reduce_or3A_126 : vector<256x1xf32>, vector<256x1xi32>, i1
    }
    %eq3A_45 = arith.constant 127 : i32
    %eq3A_46 = arith.cmpi eq, %arg0, %eq3A_45 : i32
    %convert_element_type3A_47 = arith.extui %eq3A_46 : i1 to i32
    %cond3A_48 = arith.constant 0 : i32
    %cond3A_49 = arith.cmpi ne, %convert_element_type3A_47, %cond3A_48 : i32
    scf.if %cond3A_49 {
      %broadcast_in_dim3A_50 = arith.constant 0xFF800000 : f32
      %broadcast_in_dim3A_51 = vector.broadcast %broadcast_in_dim3A_50 : f32 to vector<256x9xf32>
      %broadcast_in_dim3A_52 = arith.constant 0 : i32
      %broadcast_in_dim3A_53 = vector.broadcast %broadcast_in_dim3A_52 : i32 to vector<256x9xi32>
      %get3A_54 = arith.constant 0 : index
      %get3A_55 = arith.constant 0 : index
      %get3A_56 = vector.load %arg7[%get3A_54, %get3A_55] : memref<256x7xf32, #tpu.memory_space<vmem>>, vector<256x7xf32>
      %concatenate3A = tpu.concatenate %get3A_56, %broadcast_in_dim3A_51 in 1 : vector<256x7xf32>, vector<256x9xf32> -> vector<256x16xf32>
      %swap3A_57 = arith.constant 0 : index
      %swap3A_58 = arith.constant 0 : index
      %swap3A_59 = vector.load %arg5[%swap3A_57, %swap3A_58] : memref<256x16xf32, #tpu.memory_space<vmem>>, vector<256x16xf32>
      tpu.vector_store %arg5[%swap3A_57, %swap3A_58], %concatenate3A {strides = array<i32>} : memref<256x16xf32, #tpu.memory_space<vmem>>, vector<256x16xf32>,
      %get3A_60 = arith.constant 0 : index
      %get3A_61 = arith.constant 0 : index
      %get3A_62 = vector.load %arg8[%get3A_60, %get3A_61] : memref<256x7xi32, #tpu.memory_space<vmem>>, vector<256x7xi32>
      %concatenate3A_63 = tpu.concatenate %get3A_62, %broadcast_in_dim3A_53 in 1 : vector<256x7xi32>, vector<256x9xi32> -> vector<256x16xi32>
      %swap3A_64 = arith.constant 0 : index
      %swap3A_65 = arith.constant 0 : index
      %swap3A_66 = vector.load %arg6[%swap3A_64, %swap3A_65] : memref<256x16xi32, #tpu.memory_space<vmem>>, vector<256x16xi32>
      tpu.vector_store %arg6[%swap3A_64, %swap3A_65], %concatenate3A_63 {strides = array<i32>} : memref<256x16xi32, #tpu.memory_space<vmem>>, vector<256x16xi32>,
    } else {
    }
    return
  }
  func.func @transform_0(%arg0: i32) -> (i32, i32) {
    %c0_i32 = arith.constant 0 : i32
    %c0_i32_0 = arith.constant 0 : i32
    %c0_i32_1 = arith.constant 0 : i32
    return %c0_i32, %c0_i32_0 : i32, i32
  }
  func.func @transform_1(%arg0: i32) -> (i32, i32) {
    %c0_i32 = arith.constant 0 : i32
    %c0_i32_0 = arith.constant 0 : i32
    return %c0_i32, %arg0 : i32, i32
  }
  func.func @transform_2(%arg0: i32) -> (i32, i32) {
    %c0_i32 = arith.constant 0 : i32
    %c0_i32_0 = arith.constant 0 : i32
    return %c0_i32, %arg0 : i32, i32
  }
  func.func @transform_3(%arg0: i32) -> (i32, i32) {
    %c0_i32 = arith.constant 0 : i32
    %c0_i32_0 = arith.constant 0 : i32
    %c0_i32_1 = arith.constant 0 : i32
    return %c0_i32, %c0_i32_0 : i32, i32
  }
  func.func @transform_4(%arg0: i32) -> (i32, i32) {
    %c0_i32 = arith.constant 0 : i32
    %c0_i32_0 = arith.constant 0 : i32
    %c0_i32_1 = arith.constant 0 : i32
    return %c0_i32, %c0_i32_0 : i32, i32
  }
  func.func @transform_5(%arg0: i32) -> (i32, i32) {
    %c0_i32 = arith.constant 0 : i32
    %c0_i32_0 = arith.constant 0 : i32
    %c0_i32_1 = arith.constant 0 : i32
    return %c0_i32, %c0_i32_0 : i32, i32
  }
}

</mosaic_0001>

<sc_bundles>
// kernel: kernel.5.cloned.1.call-start
scs
__scs_entry_jumppad:
0x0: {  	(pc) =	sbr.rel $0x88, $3  }
0x1: {  	(tag) =	ssettag $0x0;
	lr =	simm.s32 $0x1  }
0x2: {  	[smem:$0x3F9D] =	sst lr;
	_ =	strace $0xD0000000  }
0x3: {  	_ = 	snop  }
0x4: {  	_ = 	snop  }
0x5: {  	_ = 	snop  }
0x6: {  	_ = 	snop  }
0x7: {  	_ = 	snop  }
__scs_overlays_trampoline_lowered:
0x8: {  	[smem:$0x3FAC] =	sst s0  }
0x9: {  	[smem:$0x3FAD] =	sst s1  }
0xa: {  	[smem:$0x3FAE] =	sst s2  }
0xb: {  	[smem:$0x3FAF] =	sst s3  }
0xc: {  	[smem:$0x3FB0] =	sst s4  }
0xd: {  	[smem:$0x3FB1] =	sst s5  }
0xe: {  	[smem:$0x3FB2] =	sst s6  }
0xf: {  	[smem:$0x3FB3] =	sst s7  }
0x10: {  	[smem:$0x3FB4] =	sst s8  }
0x11: {  	[smem:$0x3FB5] =	sst s9;
	s0 =	simm.s32 @!p0 $0x0  }
0x12: {  	s1 =	sld [smem:$0x3F9B];
	s0 =	simm.s32 @p0 $0x1  }
0x13: {  	[smem:$0x3FB6] =	sst s0;
	s0 =	simm.s32 @!p1 $0x0  }
0x14: {  	s2 =	sld [smem:$0x3F9A];
	s0 =	simm.s32 @p1 $0x1  }
0x15: {  	[smem:$0x3FB7] =	sst s0;
	s0 =	simm.s32 @!p2 $0x0  }
0x16: {  	s3 =	sld [smem:$0x3FDB];
	s0 =	simm.s32 @p2 $0x1  }
0x17: {  	s4 =	simm.s32 $0x1BF5;
	[smem:$0x3FB9] =	sst s0  }
0x18: {  	s0 =	sld [smem:$0x3F9C];
	_ =	swait.ge [sflag:s4], $0x0  }
0x19: {  	s7 =	sld [smem:$0x3F9D]  }
0x1a: {  	s8 =	sadd.s32 $0xFFFFE003, lr  }
0x1b: {  	s9 =	sadd.s32 $0xFFFFFEF7, lr;
	s5 =	simm.s32 $0xFFFFFFFF;
	p2 =	slt.u32 s8, $0xFFFFF086  }
0x1c: {  	p1 =	slt.u32 s9, $0xF7A;
	s5 =	simm.s32 @!p2 $0x0  }
0x1d: {  	s5 =	simm.s32 @p1 $0x1;
	p0 =	seq.s32 s7, s2  }
0x1e: {  	s7 =	smul.u32 @!p0 $0xF7A, s2;
	p2 =	seq.s32 @!p0 s5, $0x0  }
0x1f: {  	s9 =	smul.u32 $0xF7A, s1;
	s8 =	simm.s32 @!p0 $0x1BF5;
	p2 =	por !p2, p0  }
0x20: {  	[sflag:s8] =	ssyncset.s32 @!p0 $0xFFFFF086;
	s6 =	sadd.s32 @!p0 s3, s7;
	s7 =	simm.s32 @!p0 $0x108  }
0x21: {  	s3 =	sadd.s32 s3, s9;
	s6 =	sadd.s32 @!p0 $0x88, s6;
	s7 =	simm.s32 @p2 $0x1082  }
0x22: {  	[simem:s7], [sflag:s8] =	dma.local @!p0 [hbm:s6], $0xF7A  }
0x23: {  	s9 =	sor.u32 $0xD0000000, s2;
	s6 =	simm.s32 $0x108;
	_ =	swait.ge @!p0 [sflag:s8], $0x0  }
0x24: {  	s3 =	sadd.s32 $0x88, s3;
	s6 =	simm.s32 @!p1 $0x1082;
	[sflag:s4] =	ssyncset.s32 $0xFFFFF086  }
0x25: {  	[simem:s6], [sflag:s4] =	dma.local [hbm:s3], $0xF7A  }
0x26: {  	[smem:$0x3F9D] =	sst s1;
	(tag) =	ssettag s2;
	_ =	strace s9  }
0x27: {  	s1 =	sld [smem:$0x3FAD]  }
0x28: {  	s2 =	sld [smem:$0x3FAE]  }
0x29: {  	s4 =	sld [smem:$0x3FB0]  }
0x2a: {  	p0 =	seq.s32 s5, $0x0;
	s5 =	sld [smem:$0x3FB1]  }
0x2b: {  	s6 =	sld [smem:$0x3FB2]  }
0x2c: {  	s7 =	sld [smem:$0x3FB3]  }
0x2d: {  	s3 =	simm.s32 $0x108;
	s8 =	sld [smem:$0x3FB4]  }
0x2e: {  	s3 =	simm.s32 @!p0 $0x1082;
	s9 =	sld [smem:$0x3FB5]  }
0x2f: {  	lr =	sadd.s32 s0, s3;
	s0 =	sld [smem:$0x3FAC]  }
0x30: {  	s3 =	sld [smem:$0x3FAF]  }
0x31: {  	[smem:$0x3FB8] =	sst s10  }
0x32: {  	s10 =	sld [smem:$0x3FB6];
	_ =	sdelay $0x3  }
0x33: {  	p0 =	seq.s32 s10, $0x1;
	s10 =	sld [smem:$0x3FB8];
	_ =	sdelay $0x3  }
0x34: {  	[smem:$0x3FB8] =	sst s10  }
0x35: {  	s10 =	sld [smem:$0x3FB7];
	_ =	sdelay $0x3  }
0x36: {  	p1 =	seq.s32 s10, $0x1;
	s10 =	sld [smem:$0x3FB8];
	_ =	sdelay $0x3  }
0x37: {  	[smem:$0x3FB8] =	sst s10  }
0x38: {  	s10 =	sld [smem:$0x3FB9]  }
0x39: {  	_ = 	snop;
	(pc) =	sbr.ind lr, $3  }
0x3a: {  	_ = 	snop  }
0x3b: {  	_ = 	snop  }
0x3c: {  	p2 =	seq.s32 s10, $0x1;
	s10 =	sld [smem:$0x3FB8]  }
0x3d: {  	_ =	shalt  }
0x3e: {  	_ =	shalt  }
0x3f: {  	_ =	shalt  }
0x40: {  	_ =	shalt  }
0x41: {  	_ =	shalt  }
0x42: {  	_ =	shalt  }
0x43: {  	_ =	shalt  }
0x44: {  	_ =	shalt  }
0x45: {  	_ =	shalt  }
0x46: {  	_ =	shalt  }
0x47: {  	_ =	shalt  }
0x48: {  	_ =	shalt  }
0x49: {  	_ =	shalt  }
0x4a: {  	_ =	shalt  }
0x4b: {  	_ =	shalt  }
0x4c: {  	_ =	shalt  }
0x4d: {  	_ =	shalt  }
0x4e: {  	_ =	shalt  }
0x4f: {  	_ =	shalt  }
0x50: {  	_ =	shalt  }
0x51: {  	_ =	shalt  }
0x52: {  	_ =	shalt  }
0x53: {  	_ =	shalt  }
0x54: {  	_ =	shalt  }
0x55: {  	_ =	shalt  }
0x56: {  	_ =	shalt  }
0x57: {  	_ =	shalt  }
0x58: {  	_ =	shalt  }
0x59: {  	_ =	shalt  }
0x5a: {  	_ =	shalt  }
0x5b: {  	_ =	shalt  }
0x5c: {  	_ =	shalt  }
0x5d: {  	_ =	shalt  }
0x5e: {  	_ =	shalt  }
0x5f: {  	_ =	shalt  }
0x60: {  	_ =	shalt  }
0x61: {  	_ =	shalt  }
0x62: {  	_ =	shalt  }
0x63: {  	_ =	shalt  }
0x64: {  	_ =	shalt  }
0x65: {  	_ =	shalt  }
0x66: {  	_ =	shalt  }
0x67: {  	_ =	shalt  }
0x68: {  	_ =	shalt  }
0x69: {  	_ =	shalt  }
0x6a: {  	_ =	shalt  }
0x6b: {  	_ =	shalt  }
0x6c: {  	_ =	shalt  }
0x6d: {  	_ =	shalt  }
0x6e: {  	_ =	shalt  }
0x6f: {  	_ =	shalt  }
0x70: {  	_ =	shalt  }
0x71: {  	_ =	shalt  }
0x72: {  	_ =	shalt  }
0x73: {  	_ =	shalt  }
0x74: {  	_ =	shalt  }
0x75: {  	_ =	shalt  }
0x76: {  	_ =	shalt  }
0x77: {  	_ =	shalt  }
0x78: {  	_ =	shalt  }
0x79: {  	_ =	shalt  }
0x7a: {  	_ =	shalt  }
0x7b: {  	_ =	shalt  }
0x7c: {  	_ =	shalt  }
0x7d: {  	_ =	shalt  }
0x7e: {  	_ =	shalt  }
0x7f: {  	_ =	shalt  }
0x80: {  	_ =	shalt  }
0x81: {  	_ =	shalt  }
0x82: {  	_ =	shalt  }
0x83: {  	_ =	shalt  }
0x84: {  	_ =	shalt  }
0x85: {  	_ =	shalt  }
0x86: {  	_ =	shalt  }
0x87: {  	_ =	shalt  }
.Lfunc_end0:
.L_simem_size_0:
called_computation.1_lowered:
.L_overlay_start_0:
0x88: {  	s2 =	sld [smem:$0x3FD9]  }
0x89: {  	s3 =	sld [smem:$0x3FFE];
	_ =	sdelay $0x1  }
0x8a: {  	s1 =	srdreg.scid  }
0x8b: {  	s0 =	sand.u32 $0x1, s1  }
0x8c: {  	s14 =	sshll.u32 s0, $0xA;
	s2 =	sadd.s32 s3, s2  }
0x8d: {  	s2 =	sadd.s32 s2, s14  }
0x8e: {  	[smem:$0x3FC4] =	sst s2  }
0x8f: {  	_ = 	snop  }
0x90: {  	s2 =	sld [smem:$0x3FD0];
	_ =	sdelay $0x2  }
0x91: {  	s4 =	simm.s32 $0xA;
	s5 =	simm.s32 $0x10;
	s15 =	sld [smem:$0x3FC6]  }
0x92: {  	[smem:s5], [sflag:s4] =	dma.local [hbm:s2], $0x1  }
0x93: {  	_ =	swait.eq [sflag:s4], $0x1  }
0x94: {  	[sflag:s4] =	ssyncset.done $0x0  }
0x95: {  	[sflag:s4] =	ssyncadd.s32 $0xFFFFFFFF  }
0x96: {  	s16 =	sld [smem:$0x10];
	(tm) =	ssettm $0x1  }
0x97: {  	s17 =	sld [smem:$0x3FFB];
	_ =	sdelay $0x3  }
0x98: {  	_ =	strace s17  }
0x99: {  	s4 =	sld [smem:$0x3FFC];
	_ =	sdelay $0x3  }
0x9a: {  	_ =	strace s4  }
0x9b: {  	s4 =	sld [smem:$0x3FFD];
	_ =	sdelay $0x3  }
0x9c: {  	_ =	strace s4  }
0x9d: {  	_ =	strace $0x8FFFFFFF  }
0x9e: {  	s18 =	sld [smem:$0x3FDB];
	_ =	sdelay $0x1  }
0x9f: {  	s19 =	simm.s32 $_scs_section_size  }
0xa0: {  	s6 =	simm.s32 $_size__tile_overlayer_lowered;
	s7 =	simm.s32 $_tile_overlayer_lowered  }
0xa1: {  	s22 =	simm.s32 $0x1BFF;
	s21 =	sshll.u32 s7, $0x1;
	s4 =	sadd.s32 s19, s18  }
0xa2: {  	s8 =	simm.s32 $0x0;
	s20 =	sshll.u32 s6, $0x1;
	s6 =	sadd.s32 s21, s4  }
0xa3: {  	[timem:s8], [sflag:s22] =	dma.local [hbm:s6], s20  }
0xa4: {  	_ =	swait.ge [sflag:s22], s20  }
0xa5: {  	s5 =	ssub.s32 $0x0, s20;
	[sflag:s22] =	ssyncset.done $0x0  }
0xa6: {  	[sflag:s22] =	ssyncadd.s32 s5;
	_ =	sdelay $0x1  }
0xa7: {  	s23 =	simm.s32 $0x1B8B  }
0xa8: {  	_ =	swait.ge [sflag:s23], $0x1  }
0xa9: {  	[sflag:s23] =	ssyncset.done $0x0  }
0xaa: {  	s25 =	simm.s32 $0x1B8E;
	s24 =	sld [smem:$0x3FFE];
	[sflag:s23] =	ssyncadd.s32 $0xFFFFFFFF  }
0xab: {  	s26 =	simm.s32 $execute0_lowered;
	[smem:$0x3FD2] =	sst s25  }
0xac: {  	s6 =	sshll.u32 s26, $0x1;
	_ =	strace $0x80000049;
	[dreg:$0x1] =	wrdreg $0xFFFFFFFF  }
0xad: {  	s28 =	simm.s32 $_size_execute0_lowered;
	s4 =	sadd.s32 s4, s6;
	[dreg:$0x0] =	wrdreg $0x0  }
0xae: {  	s6 =	sshll.u32 s28, $0x1;
	[dreg:$0x2] =	wrdreg s4  }
0xaf: {  	[dreg:$0x3] =	wrdreg s6  }
0xb0: {  	[dreg:$0x4] =	wrdreg $0xC0  }
0xb1: {  	_ =	task [dreg:s8], $0x5FFFF  }
0xb2: {  	[dreg:$0x1] =	wrdreg $0xFFFFFFFF  }
0xb3: {  	[dreg:$0x0] =	wrdreg $0x60  }
0xb4: {  	[dreg:$0x2] =	wrdreg s24  }
0xb5: {  	[dreg:$0x3] =	wrdreg s15  }
0xb6: {  	[dreg:$0x4] =	wrdreg s16  }
0xb7: {  	[dreg:$0x5] =	wrdreg $0x9  }
0xb8: {  	_ =	task.clear_ibuf [dreg:s8], $0x6FFFF;
	_ =	strace $0x90000049  }
0xb9: {  	s29 =	simm.s32 $0x9;
	_ =	strace $0x8000004B  }
0xba: {  	_ =	swait.ge [sflag:s29], $0x1  }
0xbb: {  	[sflag:s29] =	ssyncadd.s32 $0xFFFFFFFF  }
0xbc: {  	_ =	strace $0x9000004B  }
0xbd: {  	_ =	sfence  }
0xbe: {  	s30 =	sld [smem:$0x0];
	_ =	sdelay $0x2  }
0xbf: {  	s31 =	sshll.u32 s1, $0xD;
	s1 =	sshrl.u32 s1, $0x2  }
0xc0: {  	s3 =	sand.u32 $0x4000, s31;
	s1 =	sadd.s32 s1, s30  }
0xc1: {  	s0 =	sor.u32 s3, s0;
	s1 =	sshll.u32 s1, $0x11  }
0xc2: {  	s0 =	sor.u32 s1, s0  }
0xc3: {  	s0 =	sadd.s32 $0x8F2B, s0  }
0xc4: {  	[sflag:s0] =	ssyncadd.remote.s32 $0x1  }
0xc5: {  	_ =	sfence.sel $0xFFFF  }
0xc6: {  	[dreg:$0x0] =	wrdreg $0xFFFFFFFF;
	(pc) =	sbr.abs _section_cstart, $3  }
0xc7: {  	[dreg:$0x1] =	wrdreg $0xFFFFFFFF  }
0xc8: {  	_ =	task.clear_ibuf [dreg:s8], $0x2FFFF;
	_ =	strace $0x9FFFFFFF  }
0xc9: {  	(tm) =	ssettm $0x7FFFFFFF  }
tec
execute0_lowered:
.L_overlay_start_1:
0x0: {  	(tag) =	ssettag $0x1  }
0x1: {  	s0 =	rddreg [dreg:$0x0];
	s1 =	srdreg.scid  }
0x2: {  	s3 =	simm.s32 $0x0;
	s2 =	stileid.u32;
	s15 =	simm.s32 $0x80  }
0x3: {  	s21 =	simm.s32 $0x3C80;
	s28 =	simm.s32 $0x3E00;
	s29 =	simm.s32 $0x5E00  }
0x4: {  	s30 =	simm.s32 $0x3E80;
	s31 =	simm.s32 $0x5E80;
	s13 =	simm.s32 $0x5F80  }
0x5: {  	s14 =	simm.s32 $0x4000;
	s6 =	simm.s32 $0x6000;
	s7 =	simm.s32 $0x4080  }
0x6: {  	s8 =	simm.s32 $0x6080;
	s10 =	simm.s32 $0x4100;
	s12 =	simm.s32 $0x6180  }
0x7: {  	s9 =	simm.s32 $0x1;
	s11 =	simm.s32 $0x2;
	s17 =	simm.s32 $0x0  }
0x8: {  	s1 =	sand.u32 $0x1, s1;
	[smem:$0x7FF] =	sst s3;
	s2 =	sshll.u32 s2, $0x4  }
0x9: {  	s5 =	sadd.s32 $0x1800, s0;
	s22 =	sshll.u32 s1, $0x3;
	s1 =	ssub.s32 $0x2, s1  }
0xa: {  	_ =	strace $0x8000004A;
	s2 =	sor.u32 s22, s2;
	s4 =	sshrl.u32 s1, $0x1  }
0xb: {  	s22 =	simm.s32 $0x5C80;
	s3 =	sshll.u32 s2, $0x4;
	s23 =	ssub.s32 s1, s4  }
0xc: {  	s26 =	sshrl.u32 s2, $0x3;
	s3 =	sadd.s32 s3, s0;
	s0 =	sadd.s32 $0x1C03800, s0  }
0xd: {  	s2 =	simm.s32 $0x5F00;
	[dreg:$0x4] =	wrdreg s0;
	s24 =	sadd.s32 $0x1C01800, s3  }
0xe: {  	s1 =	smul.u32 $0x7000, s26;
	s25 =	sadd.s32 $0x1C02800, s3;
	[dreg:$0x5] =	wrdreg s24  }
0xf: {  	s4 =	simm.s32 $0x6100;
	s26 =	simm.s32 $0x5D80;
	[dreg:$0x6] =	wrdreg s25  }
0x10: {  	v0 =	vimm.s32 $0x0;
	s0 =	smax.u32 s23, $0x1;
	s23 =	simm.s32 $0x3D00;
	[dreg:$0x7] =	wrdreg s1  }
0x11: {  	v1 =	vimm.s32 $0x1;
	v2 =	vimm.s32 $0x2;
	v3 =	vimm.s32 $0x3;
	s3 =	simm.s32 $0x4180;
	[dreg:$0x8] =	wrdreg s0;
	s24 =	simm.s32 $0x5D00  }
0x12: {  	v4 =	vimm.s32 $0x4;
	v5 =	vimm.s32 $0x5;
	v6 =	vimm.s32 $0x6;
	s25 =	simm.s32 $0x3D80;
	s0 =	simm.s32 $0x3F00;
	s1 =	simm.s32 $0x3F80  }
.LBB2_1:
0x13: {  	[dreg:$0x9] =	wrdreg s17  }
0x14: {  	s17 =	simm.s32 $0x0;
	s16 =	rddreg [dreg:$0x5];
	s18 =	simm.s32 $0x3  }
0x15: {  	[tilespmem:s17], [sflag:$0x3] =	stream.linear.gather [hbm4b:s16+s17], $0x400, $0x38;
	[tilespmem:$0x7000] =	vst v63  }
0x16: {  	_ =	swait.ge [sflag:s18], $0x400  }
0x17: {  	[sflag:s18] =	ssyncset.done $0x0  }
0x18: {  	s19 =	simm.s32 $0x400;
	s20 =	rddreg [dreg:$0x6];
	[sflag:s18] =	ssyncadd.s32 $0xFFFFFC00  }
0x19: {  	[tilespmem:s19], [sflag:$0x3] =	stream.linear.gather [hbm4b:s20+s17], $0x400, $0x38;
	[tilespmem:$0x7000] =	vst v63  }
0x1a: {  	_ =	swait.ge [sflag:s18], $0x400  }
0x1b: {  	[sflag:s18] =	ssyncset.done $0x0  }
0x1c: {  	s20 =	simm.s32 $0x800;
	s19 =	rddreg [dreg:$0x4];
	[sflag:s18] =	ssyncadd.s32 $0xFFFFFC00  }
0x1d: {  	[tilespmem:s20], [sflag:$0x3] =	stream.linear.gather [hbm4b:s19+s17], $0xE00, $0x38;
	[tilespmem:$0x7000] =	vst v63  }
0x1e: {  	_ =	swait.ge [sflag:s18], $0xE00  }
0x1f: {  	[sflag:s18] =	ssyncset.done $0x0  }
0x20: {  	[sflag:s18] =	ssyncadd.s32 $0xFFFFF200  }
0x21: {  	s20 =	simm.s32 $0x1800;
	s19 =	rddreg [dreg:$0x1]  }
0x22: {  	[tilespmem:s20], [sflag:$0x3] =	stream.linear.gather [hbm4b:s19+s17], $0xE00, $0x38;
	[tilespmem:$0x7000] =	vst v63  }
0x23: {  	_ =	swait.ge [sflag:s18], $0xE00  }
0x24: {  	[sflag:s18] =	ssyncset.done $0x0  }
0x25: {  	s16 =	simm.s32 $0x0;
	[sflag:s18] =	ssyncadd.s32 $0xFFFFF200  }
.LBB2_2:
0x26: {  	s17 =	simm.s32 $0x0  }
0x27: {  	v7 =	vld [tilespmem:s17+$0x1830]  }
0x28: {  	v8 =	vld [tilespmem:s17+$0x1800]  }
0x29: {  	v9 =	vld [tilespmem:s17+$0x1810]  }
0x2a: {  	s18 =	simm.s32 $0x100;
	v10 =	vld [tilespmem:s17+$0x1820]  }
.LBB2_3:
0x2b: {  	p0 =	sne.s32 s18, $0x3700  }
.Ltmp0:
0x2c: {  	s19 =	sshra.s32 s18, $0x2;
	s18 =	sadd.s32 $0x100, s18;
	[tilespmem:s17+$0x2630] =	vst v7;
	(pc) =	sbr.rel @p0 .LBB2_3-.Ltmp0, $4  }
0x2d: {  	v7 =	vld [tilespmem:s19+$0x1830];
	[tilespmem:s17+$0x2600] =	vst v8  }
0x2e: {  	v8 =	vld [tilespmem:s19+$0x1800];
	[tilespmem:s17+$0x2610] =	vst v9  }
0x2f: {  	v9 =	vld [tilespmem:s19+$0x1810];
	[tilespmem:s17+$0x2620] =	vst v10;
	s17 =	smov.u32 s19  }
0x30: {  	v10 =	vld [tilespmem:s17+$0x1820]  }
0x31: {  	_ = 	snop  }
0x32: {  	[tilespmem:s17+$0x2630] =	vst v7  }
0x33: {  	[tilespmem:s17+$0x2600] =	vst v8  }
0x34: {  	[tilespmem:s17+$0x2610] =	vst v9  }
0x35: {  	[tilespmem:s17+$0x2620] =	vst v10;
	s17 =	sshll.u32 s16, $0x7  }
0x36: {  	v7 =	vld [tilespmem:s17+$0x400]  }
0x37: {  	s18 =	simm.s32 $0x0  }
0x38: {  	v9 =	vld [tilespmem:s18+$0x870]  }
0x39: {  	v12 =	vld [tilespmem:s18+$0x800]  }
0x3a: {  	v13 =	vld [tilespmem:s18+$0x810]  }
0x3b: {  	v11 =	vld [tilespmem:s18+$0x820];
	v7 =	vperm.xlane v7, v0  }
0x3c: {  	v10 =	vld [tilespmem:s18+$0x830]  }
0x3d: {  	v8 =	vld [tilespmem:s18+$0x840];
	v14 =	vadd.s32 v7, v9  }
0x3e: {  	v9 =	vld [tilespmem:s18+$0x850];
	v12 =	vadd.s32 v7, v12;
	[tilespmem:s18+$0x3470] =	vst v14  }
0x3f: {  	s19 =	simm.s32 $0x80;
	s20 =	simm.s32 $0x400;
	v13 =	vadd.s32 v7, v13;
	[tilespmem:s18+$0x3400] =	vst v12;
	v12 =	vld [tilespmem:s18+$0x860]  }
.LBB2_5:
0x40: {  	p0 =	sne.s32 s20, $0x3600;
	v14 =	vld [tilespmem:s19+$0x870];
	[tilespmem:s18+$0x3410] =	vst v13;
	v11 =	vadd.s32 v7, v11  }
0x41: {  	v13 =	vld [tilespmem:s19+$0x800];
	[tilespmem:s18+$0x3420] =	vst v11;
	v10 =	vadd.s32 v7, v10  }
0x42: {  	v15 =	vld [tilespmem:s19+$0x810];
	[tilespmem:s18+$0x3430] =	vst v10;
	v8 =	vadd.s32 v7, v8  }
.Ltmp1:
0x43: {  	v11 =	vld [tilespmem:s19+$0x820];
	[tilespmem:s18+$0x3440] =	vst v8;
	v8 =	vadd.s32 v7, v9;
	(pc) =	sbr.rel @p0 .LBB2_5-.Ltmp1, $4  }
0x44: {  	v10 =	vld [tilespmem:s19+$0x830];
	[tilespmem:s18+$0x3450] =	vst v8;
	v9 =	vadd.s32 v7, v12  }
0x45: {  	v8 =	vld [tilespmem:s19+$0x840];
	v12 =	vadd.s32 v7, v14;
	[tilespmem:s18+$0x3460] =	vst v9;
	s18 =	smov.u32 s19  }
0x46: {  	v13 =	vadd.s32 v7, v13;
	v9 =	vld [tilespmem:s18+$0x850];
	[tilespmem:s18+$0x3470] =	vst v12  }
0x47: {  	s19 =	sshra.s32 s20, $0x2;
	s20 =	sadd.s32 $0x200, s20;
	[tilespmem:s18+$0x3400] =	vst v13;
	v13 =	vadd.s32 v7, v15;
	v12 =	vld [tilespmem:s18+$0x860]  }
0x48: {  	v14 =	vld [tilespmem:s19+$0x870];
	[tilespmem:s18+$0x3410] =	vst v13;
	v11 =	vadd.s32 v7, v11  }
0x49: {  	v13 =	vld [tilespmem:s19+$0x800];
	[tilespmem:s18+$0x3420] =	vst v11;
	v10 =	vadd.s32 v7, v10  }
0x4a: {  	v11 =	vld [tilespmem:s19+$0x810];
	[tilespmem:s18+$0x3430] =	vst v10;
	v8 =	vadd.s32 v7, v8  }
0x4b: {  	v10 =	vld [tilespmem:s19+$0x820];
	[tilespmem:s18+$0x3440] =	vst v8;
	v8 =	vadd.s32 v7, v9  }
0x4c: {  	v9 =	vld [tilespmem:s19+$0x830];
	[tilespmem:s18+$0x3450] =	vst v8;
	v8 =	vadd.s32 v7, v12  }
0x4d: {  	v12 =	vld [tilespmem:s19+$0x840];
	[tilespmem:s18+$0x3460] =	vst v8;
	v8 =	vadd.s32 v7, v14  }
0x4e: {  	v14 =	vld [tilespmem:s19+$0x850];
	v13 =	vadd.s32 v7, v13;
	[tilespmem:s19+$0x3470] =	vst v8  }
0x4f: {  	[tilespmem:s19+$0x3400] =	vst v13;
	v8 =	vadd.s32 v7, v11;
	v11 =	vld [tilespmem:s19+$0x860]  }
0x50: {  	[tilespmem:s19+$0x3410] =	vst v8;
	v8 =	vadd.s32 v7, v10  }
0x51: {  	[tilespmem:s19+$0x3420] =	vst v8;
	v8 =	vadd.s32 v7, v9  }
0x52: {  	[tilespmem:s19+$0x3430] =	vst v8;
	v8 =	vadd.s32 v7, v12  }
0x53: {  	[tilespmem:s19+$0x3440] =	vst v8;
	v8 =	vadd.s32 v7, v14  }
0x54: {  	[tilespmem:s19+$0x3450] =	vst v8;
	v7 =	vadd.s32 v7, v11  }
0x55: {  	s20 =	simm.s32 $0x5400;
	[tilespmem:s19+$0x3460] =	vst v7;
	s19 =	simm.s32 $0x3400  }
0x56: {  	[tilespmem:s20], [sflag:$0x1] =	stream.indirect.gather [hbm4b:s5+s15], $0x1, s19, s15, $0xb8;
	[tilespmem:$0x7000] =	vst v63  }
0x57: {  	s19 =	simm.s32 $0x3480;
	s20 =	simm.s32 $0x5480  }
0x58: {  	[tilespmem:s20], [sflag:$0x1] =	stream.indirect.gather [hbm4b:s5+s15], $0x1, s19, s15, $0xb8;
	[tilespmem:$0x7000] =	vst v63  }
0x59: {  	s19 =	simm.s32 $0x3500;
	s20 =	simm.s32 $0x5500  }
0x5a: {  	[tilespmem:s20], [sflag:$0x1] =	stream.indirect.gather [hbm4b:s5+s15], $0x1, s19, s15, $0xb8;
	[tilespmem:$0x7000] =	vst v63  }
0x5b: {  	s19 =	simm.s32 $0x3580;
	s20 =	simm.s32 $0x5580  }
0x5c: {  	[tilespmem:s20], [sflag:$0x1] =	stream.indirect.gather [hbm4b:s5+s15], $0x1, s19, s15, $0xb8;
	[tilespmem:$0x7000] =	vst v63  }
0x5d: {  	s19 =	simm.s32 $0x3600;
	s20 =	simm.s32 $0x5600  }
0x5e: {  	[tilespmem:s20], [sflag:$0x1] =	stream.indirect.gather [hbm4b:s5+s15], $0x1, s19, s15, $0xb8;
	[tilespmem:$0x7000] =	vst v63  }
0x5f: {  	s19 =	simm.s32 $0x3680;
	s20 =	simm.s32 $0x5680  }
0x60: {  	[tilespmem:s20], [sflag:$0x1] =	stream.indirect.gather [hbm4b:s5+s15], $0x1, s19, s15, $0xb8;
	[tilespmem:$0x7000] =	vst v63  }
0x61: {  	s19 =	simm.s32 $0x3700;
	s20 =	simm.s32 $0x5700  }
0x62: {  	[tilespmem:s20], [sflag:$0x1] =	stream.indirect.gather [hbm4b:s5+s15], $0x1, s19, s15, $0xb8;
	[tilespmem:$0x7000] =	vst v63  }
0x63: {  	s19 =	simm.s32 $0x3780;
	s20 =	simm.s32 $0x5780  }
0x64: {  	[tilespmem:s20], [sflag:$0x1] =	stream.indirect.gather [hbm4b:s5+s15], $0x1, s19, s15, $0xb8;
	[tilespmem:$0x7000] =	vst v63  }
0x65: {  	s19 =	simm.s32 $0x3800;
	s20 =	simm.s32 $0x5800  }
0x66: {  	[tilespmem:s20], [sflag:$0x1] =	stream.indirect.gather [hbm4b:s5+s15], $0x1, s19, s15, $0xb8;
	[tilespmem:$0x7000] =	vst v63  }
0x67: {  	s19 =	simm.s32 $0x3880;
	s20 =	simm.s32 $0x5880  }
0x68: {  	[tilespmem:s20], [sflag:$0x1] =	stream.indirect.gather [hbm4b:s5+s15], $0x1, s19, s15, $0xb8;
	[tilespmem:$0x7000] =	vst v63  }
0x69: {  	s19 =	simm.s32 $0x3900;
	s20 =	simm.s32 $0x5900  }
0x6a: {  	[tilespmem:s20], [sflag:$0x1] =	stream.indirect.gather [hbm4b:s5+s15], $0x1, s19, s15, $0xb8;
	[tilespmem:$0x7000] =	vst v63  }
0x6b: {  	s19 =	simm.s32 $0x3980;
	s20 =	simm.s32 $0x5980  }
0x6c: {  	[tilespmem:s20], [sflag:$0x1] =	stream.indirect.gather [hbm4b:s5+s15], $0x1, s19, s15, $0xb8;
	[tilespmem:$0x7000] =	vst v63  }
0x6d: {  	s19 =	simm.s32 $0x3A00;
	s20 =	simm.s32 $0x5A00  }
0x6e: {  	[tilespmem:s20], [sflag:$0x1] =	stream.indirect.gather [hbm4b:s5+s15], $0x1, s19, s15, $0xb8;
	[tilespmem:$0x7000] =	vst v63  }
0x6f: {  	s19 =	simm.s32 $0x3A80;
	s20 =	simm.s32 $0x5A80  }
0x70: {  	[tilespmem:s20], [sflag:$0x1] =	stream.indirect.gather [hbm4b:s5+s15], $0x1, s19, s15, $0xb8;
	[tilespmem:$0x7000] =	vst v63  }
0x71: {  	s19 =	simm.s32 $0x3B00;
	s20 =	simm.s32 $0x5B00  }
0x72: {  	[tilespmem:s20], [sflag:$0x1] =	stream.indirect.gather [hbm4b:s5+s15], $0x1, s19, s15, $0xb8;
	[tilespmem:$0x7000] =	vst v63  }
0x73: {  	s19 =	simm.s32 $0x3B80;
	s20 =	simm.s32 $0x5B80  }
0x74: {  	[tilespmem:s20], [sflag:$0x1] =	stream.indirect.gather [hbm4b:s5+s15], $0x1, s19, s15, $0xb8;
	[tilespmem:$0x7000] =	vst v63  }
0x75: {  	s19 =	simm.s32 $0x3C00;
	s20 =	simm.s32 $0x5C00  }
0x76: {  	[tilespmem:s20], [sflag:$0x1] =	stream.indirect.gather [hbm4b:s5+s15], $0x1, s19, s15, $0xb8;
	[tilespmem:$0x7000] =	vst v63  }
0x77: {  	_ = 	snop  }
0x78: {  	[tilespmem:s22], [sflag:$0x1] =	stream.indirect.gather [hbm4b:s5+s15], $0x1, s21, s15, $0xb8;
	[tilespmem:$0x7000] =	vst v63  }
0x79: {  	_ = 	snop  }
0x7a: {  	[tilespmem:s24], [sflag:$0x1] =	stream.indirect.gather [hbm4b:s5+s15], $0x1, s23, s15, $0xb8;
	[tilespmem:$0x7000] =	vst v63  }
0x7b: {  	_ = 	snop  }
0x7c: {  	[tilespmem:s26], [sflag:$0x1] =	stream.indirect.gather [hbm4b:s5+s15], $0x1, s25, s15, $0xb8;
	[tilespmem:$0x7000] =	vst v63  }
0x7d: {  	_ = 	snop  }
0x7e: {  	[tilespmem:s29], [sflag:$0x1] =	stream.indirect.gather [hbm4b:s5+s15], $0x1, s28, s15, $0xb8;
	[tilespmem:$0x7000] =	vst v63  }
0x7f: {  	_ = 	snop  }
0x80: {  	[tilespmem:s31], [sflag:$0x1] =	stream.indirect.gather [hbm4b:s5+s15], $0x1, s30, s15, $0xb8;
	[tilespmem:$0x7000] =	vst v63  }
0x81: {  	_ = 	snop  }
0x82: {  	[tilespmem:s2], [sflag:$0x1] =	stream.indirect.gather [hbm4b:s5+s15], $0x1, s0, s15, $0xb8;
	[tilespmem:$0x7000] =	vst v63  }
0x83: {  	_ = 	snop  }
0x84: {  	[tilespmem:s13], [sflag:$0x1] =	stream.indirect.gather [hbm4b:s5+s15], $0x1, s1, s15, $0xb8;
	[tilespmem:$0x7000] =	vst v63  }
0x85: {  	_ = 	snop  }
0x86: {  	[tilespmem:s6], [sflag:$0x1] =	stream.indirect.gather [hbm4b:s5+s15], $0x1, s14, s15, $0xb8;
	[tilespmem:$0x7000] =	vst v63  }
0x87: {  	_ = 	snop  }
0x88: {  	[tilespmem:s8], [sflag:$0x1] =	stream.indirect.gather [hbm4b:s5+s15], $0x1, s7, s15, $0xb8;
	[tilespmem:$0x7000] =	vst v63  }
0x89: {  	_ = 	snop  }
0x8a: {  	[tilespmem:s4], [sflag:$0x1] =	stream.indirect.gather [hbm4b:s5+s15], $0x1, s10, s15, $0xb8;
	[tilespmem:$0x7000] =	vst v63  }
0x8b: {  	_ = 	snop  }
0x8c: {  	[tilespmem:s12], [sflag:$0x1] =	stream.indirect.gather [hbm4b:s5+s15], $0x1, s3, s15, $0xb8;
	[tilespmem:$0x7000] =	vst v63  }
0x8d: {  	v7 =	vld [tilespmem:s17+$0x400]  }
0x8e: {  	s18 =	simm.s32 $0x0  }
0x8f: {  	v9 =	vld [tilespmem:s18+$0x870]  }
0x90: {  	v12 =	vld [tilespmem:s18+$0x800]  }
0x91: {  	v13 =	vld [tilespmem:s18+$0x810]  }
0x92: {  	v11 =	vld [tilespmem:s18+$0x820];
	v7 =	vperm.xlane v7, v1  }
0x93: {  	v10 =	vld [tilespmem:s18+$0x830]  }
0x94: {  	v8 =	vld [tilespmem:s18+$0x840];
	v14 =	vadd.s32 v7, v9  }
0x95: {  	v9 =	vld [tilespmem:s18+$0x850];
	v12 =	vadd.s32 v7, v12;
	[tilespmem:s18+$0x4470] =	vst v14  }
0x96: {  	s19 =	simm.s32 $0x80;
	s20 =	simm.s32 $0x400;
	v13 =	vadd.s32 v7, v13;
	[tilespmem:s18+$0x4400] =	vst v12;
	v12 =	vld [tilespmem:s18+$0x860]  }
.LBB2_7:
0x97: {  	p0 =	sne.s32 s20, $0x3600;
	v14 =	vld [tilespmem:s19+$0x870];
	[tilespmem:s18+$0x4410] =	vst v13;
	v11 =	vadd.s32 v7, v11  }
0x98: {  	v13 =	vld [tilespmem:s19+$0x800];
	[tilespmem:s18+$0x4420] =	vst v11;
	v10 =	vadd.s32 v7, v10  }
0x99: {  	v15 =	vld [tilespmem:s19+$0x810];
	[tilespmem:s18+$0x4430] =	vst v10;
	v8 =	vadd.s32 v7, v8  }
.Ltmp2:
0x9a: {  	v11 =	vld [tilespmem:s19+$0x820];
	[tilespmem:s18+$0x4440] =	vst v8;
	v8 =	vadd.s32 v7, v9;
	(pc) =	sbr.rel @p0 .LBB2_7-.Ltmp2, $4  }
0x9b: {  	v10 =	vld [tilespmem:s19+$0x830];
	[tilespmem:s18+$0x4450] =	vst v8;
	v9 =	vadd.s32 v7, v12  }
0x9c: {  	v8 =	vld [tilespmem:s19+$0x840];
	v12 =	vadd.s32 v7, v14;
	[tilespmem:s18+$0x4460] =	vst v9;
	s18 =	smov.u32 s19  }
0x9d: {  	v13 =	vadd.s32 v7, v13;
	v9 =	vld [tilespmem:s18+$0x850];
	[tilespmem:s18+$0x4470] =	vst v12  }
0x9e: {  	s19 =	sshra.s32 s20, $0x2;
	s20 =	sadd.s32 $0x200, s20;
	[tilespmem:s18+$0x4400] =	vst v13;
	v13 =	vadd.s32 v7, v15;
	v12 =	vld [tilespmem:s18+$0x860]  }
0x9f: {  	v14 =	vld [tilespmem:s19+$0x870];
	[tilespmem:s18+$0x4410] =	vst v13;
	v11 =	vadd.s32 v7, v11  }
0xa0: {  	v13 =	vld [tilespmem:s19+$0x800];
	[tilespmem:s18+$0x4420] =	vst v11;
	v10 =	vadd.s32 v7, v10  }
0xa1: {  	v11 =	vld [tilespmem:s19+$0x810];
	[tilespmem:s18+$0x4430] =	vst v10;
	v8 =	vadd.s32 v7, v8  }
0xa2: {  	v10 =	vld [tilespmem:s19+$0x820];
	[tilespmem:s18+$0x4440] =	vst v8;
	v8 =	vadd.s32 v7, v9  }
0xa3: {  	v9 =	vld [tilespmem:s19+$0x830];
	[tilespmem:s18+$0x4450] =	vst v8;
	v8 =	vadd.s32 v7, v12  }
0xa4: {  	v12 =	vld [tilespmem:s19+$0x840];
	[tilespmem:s18+$0x4460] =	vst v8;
	v8 =	vadd.s32 v7, v14  }
0xa5: {  	v14 =	vld [tilespmem:s19+$0x850];
	v13 =	vadd.s32 v7, v13;
	[tilespmem:s19+$0x4470] =	vst v8  }
0xa6: {  	[tilespmem:s19+$0x4400] =	vst v13;
	v8 =	vadd.s32 v7, v11;
	v11 =	vld [tilespmem:s19+$0x860]  }
0xa7: {  	[tilespmem:s19+$0x4410] =	vst v8;
	v8 =	vadd.s32 v7, v10  }
0xa8: {  	[tilespmem:s19+$0x4420] =	vst v8;
	v8 =	vadd.s32 v7, v9  }
0xa9: {  	[tilespmem:s19+$0x4430] =	vst v8;
	v8 =	vadd.s32 v7, v12  }
0xaa: {  	[tilespmem:s19+$0x4440] =	vst v8;
	v8 =	vadd.s32 v7, v14  }
0xab: {  	[tilespmem:s19+$0x4450] =	vst v8;
	v7 =	vadd.s32 v7, v11  }
0xac: {  	s20 =	simm.s32 $0x6200;
	[tilespmem:s19+$0x4460] =	vst v7;
	s19 =	simm.s32 $0x4400  }
0xad: {  	[tilespmem:s20], [sflag:$0x2] =	stream.indirect.gather [hbm4b:s5+s15], $0x1, s19, s15, $0xb8;
	[tilespmem:$0x7000] =	vst v63  }
0xae: {  	s19 =	simm.s32 $0x4480;
	s20 =	simm.s32 $0x6280  }
0xaf: {  	[tilespmem:s20], [sflag:$0x2] =	stream.indirect.gather [hbm4b:s5+s15], $0x1, s19, s15, $0xb8;
	[tilespmem:$0x7000] =	vst v63  }
0xb0: {  	s19 =	simm.s32 $0x4500;
	s20 =	simm.s32 $0x6300  }
0xb1: {  	[tilespmem:s20], [sflag:$0x2] =	stream.indirect.gather [hbm4b:s5+s15], $0x1, s19, s15, $0xb8;
	[tilespmem:$0x7000] =	vst v63  }
0xb2: {  	s19 =	simm.s32 $0x4580;
	s20 =	simm.s32 $0x6380  }
0xb3: {  	[tilespmem:s20], [sflag:$0x2] =	stream.indirect.gather [hbm4b:s5+s15], $0x1, s19, s15, $0xb8;
	[tilespmem:$0x7000] =	vst v63  }
0xb4: {  	s19 =	simm.s32 $0x4600;
	s20 =	simm.s32 $0x6400  }
0xb5: {  	[tilespmem:s20], [sflag:$0x2] =	stream.indirect.gather [hbm4b:s5+s15], $0x1, s19, s15, $0xb8;
	[tilespmem:$0x7000] =	vst v63  }
0xb6: {  	s19 =	simm.s32 $0x4680;
	s20 =	simm.s32 $0x6480  }
0xb7: {  	[tilespmem:s20], [sflag:$0x2] =	stream.indirect.gather [hbm4b:s5+s15], $0x1, s19, s15, $0xb8;
	[tilespmem:$0x7000] =	vst v63  }
0xb8: {  	s19 =	simm.s32 $0x4700;
	s20 =	simm.s32 $0x6500  }
0xb9: {  	[tilespmem:s20], [sflag:$0x2] =	stream.indirect.gather [hbm4b:s5+s15], $0x1, s19, s15, $0xb8;
	[tilespmem:$0x7000] =	vst v63  }
0xba: {  	s19 =	simm.s32 $0x4780;
	s20 =	simm.s32 $0x6580  }
0xbb: {  	[tilespmem:s20], [sflag:$0x2] =	stream.indirect.gather [hbm4b:s5+s15], $0x1, s19, s15, $0xb8;
	[tilespmem:$0x7000] =	vst v63  }
0xbc: {  	s19 =	simm.s32 $0x4800;
	s20 =	simm.s32 $0x6600  }
0xbd: {  	[tilespmem:s20], [sflag:$0x2] =	stream.indirect.gather [hbm4b:s5+s15], $0x1, s19, s15, $0xb8;
	[tilespmem:$0x7000] =	vst v63  }
0xbe: {  	s19 =	simm.s32 $0x4880;
	s20 =	simm.s32 $0x6680  }
0xbf: {  	[tilespmem:s20], [sflag:$0x2] =	stream.indirect.gather [hbm4b:s5+s15], $0x1, s19, s15, $0xb8;
	[tilespmem:$0x7000] =	vst v63  }
0xc0: {  	s19 =	simm.s32 $0x4900;
	s20 =	simm.s32 $0x6700  }
0xc1: {  	[tilespmem:s20], [sflag:$0x2] =	stream.indirect.gather [hbm4b:s5+s15], $0x1, s19, s15, $0xb8;
	[tilespmem:$0x7000] =	vst v63  }
0xc2: {  	s19 =	simm.s32 $0x4980;
	s20 =	simm.s32 $0x6780  }
0xc3: {  	[tilespmem:s20], [sflag:$0x2] =	stream.indirect.gather [hbm4b:s5+s15], $0x1, s19, s15, $0xb8;
	[tilespmem:$0x7000] =	vst v63  }
0xc4: {  	s19 =	simm.s32 $0x4A00;
	s20 =	simm.s32 $0x6800  }
0xc5: {  	[tilespmem:s20], [sflag:$0x2] =	stream.indirect.gather [hbm4b:s5+s15], $0x1, s19, s15, $0xb8;
	[tilespmem:$0x7000] =	vst v63  }
0xc6: {  	s19 =	simm.s32 $0x4A80;
	s20 =	simm.s32 $0x6880  }
0xc7: {  	[tilespmem:s20], [sflag:$0x2] =	stream.indirect.gather [hbm4b:s5+s15], $0x1, s19, s15, $0xb8;
	[tilespmem:$0x7000] =	vst v63  }
0xc8: {  	s19 =	simm.s32 $0x4B00;
	s20 =	simm.s32 $0x6900  }
0xc9: {  	[tilespmem:s20], [sflag:$0x2] =	stream.indirect.gather [hbm4b:s5+s15], $0x1, s19, s15, $0xb8;
	[tilespmem:$0x7000] =	vst v63  }
0xca: {  	s19 =	simm.s32 $0x4B80;
	s20 =	simm.s32 $0x6980  }
0xcb: {  	[tilespmem:s20], [sflag:$0x2] =	stream.indirect.gather [hbm4b:s5+s15], $0x1, s19, s15, $0xb8;
	[tilespmem:$0x7000] =	vst v63  }
0xcc: {  	s19 =	simm.s32 $0x4C00;
	s20 =	simm.s32 $0x6A00  }
0xcd: {  	[tilespmem:s20], [sflag:$0x2] =	stream.indirect.gather [hbm4b:s5+s15], $0x1, s19, s15, $0xb8;
	[tilespmem:$0x7000] =	vst v63  }
0xce: {  	s19 =	simm.s32 $0x4C80;
	s20 =	simm.s32 $0x6A80  }
0xcf: {  	[tilespmem:s20], [sflag:$0x2] =	stream.indirect.gather [hbm4b:s5+s15], $0x1, s19, s15, $0xb8;
	[tilespmem:$0x7000] =	vst v63  }
0xd0: {  	s19 =	simm.s32 $0x4D00;
	s20 =	simm.s32 $0x6B00  }
0xd1: {  	[tilespmem:s20], [sflag:$0x2] =	stream.indirect.gather [hbm4b:s5+s15], $0x1, s19, s15, $0xb8;
	[tilespmem:$0x7000] =	vst v63  }
0xd2: {  	s19 =	simm.s32 $0x4D80;
	s20 =	simm.s32 $0x6B80  }
0xd3: {  	[tilespmem:s20], [sflag:$0x2] =	stream.indirect.gather [hbm4b:s5+s15], $0x1, s19, s15, $0xb8;
	[tilespmem:$0x7000] =	vst v63  }
0xd4: {  	s19 =	simm.s32 $0x4E00;
	s20 =	simm.s32 $0x6C00  }
0xd5: {  	[tilespmem:s20], [sflag:$0x2] =	stream.indirect.gather [hbm4b:s5+s15], $0x1, s19, s15, $0xb8;
	[tilespmem:$0x7000] =	vst v63  }
0xd6: {  	s19 =	simm.s32 $0x4E80;
	s20 =	simm.s32 $0x6C80  }
0xd7: {  	[tilespmem:s20], [sflag:$0x2] =	stream.indirect.gather [hbm4b:s5+s15], $0x1, s19, s15, $0xb8;
	[tilespmem:$0x7000] =	vst v63  }
0xd8: {  	s19 =	simm.s32 $0x4F00;
	s20 =	simm.s32 $0x6D00  }
0xd9: {  	[tilespmem:s20], [sflag:$0x2] =	stream.indirect.gather [hbm4b:s5+s15], $0x1, s19, s15, $0xb8;
	[tilespmem:$0x7000] =	vst v63  }
0xda: {  	s19 =	simm.s32 $0x4F80;
	s20 =	simm.s32 $0x6D80  }
0xdb: {  	[tilespmem:s20], [sflag:$0x2] =	stream.indirect.gather [hbm4b:s5+s15], $0x1, s19, s15, $0xb8;
	[tilespmem:$0x7000] =	vst v63  }
0xdc: {  	s19 =	simm.s32 $0x5000;
	s20 =	simm.s32 $0x6E00  }
0xdd: {  	[tilespmem:s20], [sflag:$0x2] =	stream.indirect.gather [hbm4b:s5+s15], $0x1, s19, s15, $0xb8;
	[tilespmem:$0x7000] =	vst v63  }
0xde: {  	s19 =	simm.s32 $0x5080;
	s20 =	simm.s32 $0x6E80  }
0xdf: {  	[tilespmem:s20], [sflag:$0x2] =	stream.indirect.gather [hbm4b:s5+s15], $0x1, s19, s15, $0xb8;
	[tilespmem:$0x7000] =	vst v63  }
0xe0: {  	s19 =	simm.s32 $0x5100;
	s20 =	simm.s32 $0x6F00  }
0xe1: {  	[tilespmem:s20], [sflag:$0x2] =	stream.indirect.gather [hbm4b:s5+s15], $0x1, s19, s15, $0xb8;
	[tilespmem:$0x7000] =	vst v63  }
0xe2: {  	s19 =	simm.s32 $0x5180;
	s20 =	simm.s32 $0x6F80  }
0xe3: {  	[tilespmem:s20], [sflag:$0x2] =	stream.indirect.gather [hbm4b:s5+s15], $0x1, s19, s15, $0xb8;
	[tilespmem:$0x7000] =	vst v63  }
0xe4: {  	_ =	swait.ge [sflag:s9], $0xE00  }
0xe5: {  	[sflag:s9] =	ssyncset.done $0x0  }
0xe6: {  	[sflag:s9] =	ssyncadd.s32 $0xFFFFF200  }
0xe7: {  	s19 =	simm.s32 $0x0;
	v7 =	vld [tilespmem:s17+$0x0]  }
0xe8: {  	v8 =	vld [tilespmem:s19+$0x5400]  }
0xe9: {  	v9 =	vld [tilespmem:s19+$0x5410]  }
0xea: {  	v12 =	vld [tilespmem:s19+$0x5420]  }
0xeb: {  	v13 =	vld [tilespmem:s19+$0x5430]  }
0xec: {  	v10 =	vld [tilespmem:s19+$0x2600];
	v7 =	vperm.xlane v7, v0  }
0xed: {  	v14 =	vld [tilespmem:s19+$0x2610]  }
0xee: {  	v15 =	vld [tilespmem:s19+$0x2620];
	v7 =	vmax.f32 v7, $0.0e+00  }
0xef: {  	s18 =	simm.s32 $0x40;
	v16 =	vld [tilespmem:s19+$0x2630];
	v17 =	vmul.f32 v8, v7  }
0xf0: {  	v11 =	vld [tilespmem:s18+$0x5400];
	v18 =	vmul.f32 v9, v7  }
0xf1: {  	v8 =	vld [tilespmem:s18+$0x5410];
	v63 =	vmul.f32 v12, v7;
	v17 =	vadd.f32 v17, v10  }
0xf2: {  	v9 =	vld [tilespmem:s18+$0x5430];
	v19 =	vmul.f32 v13, v7;
	v14 =	vadd.f32 v18, v14  }
0xf3: {  	v10 =	vld [tilespmem:s18+$0x5420];
	v13 =	vadd.f32 v63, v15;
	[tilespmem:s19+$0x2600] =	vst v17  }
0xf4: {  	s20 =	simm.s32 $0x200;
	v12 =	vld [tilespmem:s18+$0x2600];
	[tilespmem:s19+$0x2610] =	vst v14;
	v14 =	vadd.f32 v19, v16  }
.LBB2_9:
0xf5: {  	p0 =	sne.s32 s20, $0x3700;
	v15 =	vld [tilespmem:s18+$0x2610];
	[tilespmem:s19+$0x2620] =	vst v13  }
0xf6: {  	v13 =	vld [tilespmem:s18+$0x2620];
	[tilespmem:s19+$0x2630] =	vst v14;
	s19 =	smov.u32 s18  }
0xf7: {  	s18 =	sshra.s32 s20, $0x2;
	v14 =	vmul.f32 v11, v7;
	v16 =	vld [tilespmem:s19+$0x2630]  }
.Ltmp3:
0xf8: {  	v17 =	vmul.f32 v8, v7;
	v11 =	vld [tilespmem:s18+$0x5400];
	(pc) =	sbr.rel @p0 .LBB2_9-.Ltmp3, $4  }
0xf9: {  	v8 =	vld [tilespmem:s18+$0x5410];
	v12 =	vadd.f32 v14, v12;
	v14 =	vmul.f32 v10, v7  }
0xfa: {  	v10 =	vld [tilespmem:s18+$0x5420];
	v15 =	vadd.f32 v17, v15;
	v17 =	vmul.f32 v9, v7  }
0xfb: {  	v9 =	vld [tilespmem:s18+$0x5430];
	[tilespmem:s19+$0x2600] =	vst v12;
	v13 =	vadd.f32 v14, v13  }
0xfc: {  	s20 =	sadd.s32 $0x100, s20;
	v12 =	vld [tilespmem:s18+$0x2600];
	[tilespmem:s19+$0x2610] =	vst v15;
	v14 =	vadd.f32 v17, v16  }
0xfd: {  	v15 =	vld [tilespmem:s18+$0x2610];
	[tilespmem:s19+$0x2620] =	vst v13  }
0xfe: {  	v13 =	vld [tilespmem:s18+$0x2620];
	[tilespmem:s19+$0x2630] =	vst v14  }
0xff: {  	v11 =	vmul.f32 v11, v7;
	v14 =	vld [tilespmem:s18+$0x2630]  }
0x100: {  	v8 =	vmul.f32 v8, v7  }
0x101: {  	v10 =	vmul.f32 v10, v7;
	v11 =	vadd.f32 v11, v12  }
0x102: {  	v7 =	vmul.f32 v9, v7;
	v8 =	vadd.f32 v8, v15  }
0x103: {  	[tilespmem:s18+$0x2600] =	vst v11;
	v9 =	vadd.f32 v10, v13  }
0x104: {  	[tilespmem:s18+$0x2610] =	vst v8;
	v7 =	vadd.f32 v7, v14  }
0x105: {  	[tilespmem:s18+$0x2620] =	vst v9  }
0x106: {  	[tilespmem:s18+$0x2630] =	vst v7  }
0x107: {  	v7 =	vld [tilespmem:s17+$0x400]  }
0x108: {  	s18 =	simm.s32 $0x0  }
0x109: {  	v9 =	vld [tilespmem:s18+$0x870]  }
0x10a: {  	v12 =	vld [tilespmem:s18+$0x800]  }
0x10b: {  	v13 =	vld [tilespmem:s18+$0x810]  }
0x10c: {  	v11 =	vld [tilespmem:s18+$0x820];
	v7 =	vperm.xlane v7, v2  }
0x10d: {  	v10 =	vld [tilespmem:s18+$0x830]  }
0x10e: {  	v8 =	vld [tilespmem:s18+$0x840];
	v14 =	vadd.s32 v7, v9  }
0x10f: {  	v9 =	vld [tilespmem:s18+$0x850];
	v12 =	vadd.s32 v7, v12;
	[tilespmem:s18+$0x3470] =	vst v14  }
0x110: {  	s20 =	simm.s32 $0x400;
	s19 =	simm.s32 $0x80;
	v13 =	vadd.s32 v7, v13;
	[tilespmem:s18+$0x3400] =	vst v12;
	v12 =	vld [tilespmem:s18+$0x860]  }
.LBB2_11:
0x111: {  	p0 =	sne.s32 s20, $0x3600;
	v14 =	vld [tilespmem:s19+$0x870];
	[tilespmem:s18+$0x3410] =	vst v13;
	v11 =	vadd.s32 v7, v11  }
0x112: {  	v13 =	vld [tilespmem:s19+$0x800];
	[tilespmem:s18+$0x3420] =	vst v11;
	v10 =	vadd.s32 v7, v10  }
0x113: {  	v15 =	vld [tilespmem:s19+$0x810];
	[tilespmem:s18+$0x3430] =	vst v10;
	v8 =	vadd.s32 v7, v8  }
.Ltmp4:
0x114: {  	v11 =	vld [tilespmem:s19+$0x820];
	[tilespmem:s18+$0x3440] =	vst v8;
	v8 =	vadd.s32 v7, v9;
	(pc) =	sbr.rel @p0 .LBB2_11-.Ltmp4, $4  }
0x115: {  	v10 =	vld [tilespmem:s19+$0x830];
	[tilespmem:s18+$0x3450] =	vst v8;
	v9 =	vadd.s32 v7, v12  }
0x116: {  	v8 =	vld [tilespmem:s19+$0x840];
	v12 =	vadd.s32 v7, v14;
	[tilespmem:s18+$0x3460] =	vst v9;
	s18 =	smov.u32 s19  }
0x117: {  	v13 =	vadd.s32 v7, v13;
	v9 =	vld [tilespmem:s18+$0x850];
	[tilespmem:s18+$0x3470] =	vst v12  }
0x118: {  	s19 =	sshra.s32 s20, $0x2;
	s20 =	sadd.s32 $0x200, s20;
	[tilespmem:s18+$0x3400] =	vst v13;
	v13 =	vadd.s32 v7, v15;
	v12 =	vld [tilespmem:s18+$0x860]  }
0x119: {  	v14 =	vld [tilespmem:s19+$0x870];
	[tilespmem:s18+$0x3410] =	vst v13;
	v11 =	vadd.s32 v7, v11  }
0x11a: {  	v13 =	vld [tilespmem:s19+$0x800];
	[tilespmem:s18+$0x3420] =	vst v11;
	v10 =	vadd.s32 v7, v10  }
0x11b: {  	v11 =	vld [tilespmem:s19+$0x810];
	[tilespmem:s18+$0x3430] =	vst v10;
	v8 =	vadd.s32 v7, v8  }
0x11c: {  	v10 =	vld [tilespmem:s19+$0x820];
	[tilespmem:s18+$0x3440] =	vst v8;
	v8 =	vadd.s32 v7, v9  }
0x11d: {  	v9 =	vld [tilespmem:s19+$0x830];
	[tilespmem:s18+$0x3450] =	vst v8;
	v8 =	vadd.s32 v7, v12  }
0x11e: {  	v12 =	vld [tilespmem:s19+$0x840];
	[tilespmem:s18+$0x3460] =	vst v8;
	v8 =	vadd.s32 v7, v14  }
0x11f: {  	v14 =	vld [tilespmem:s19+$0x850];
	v13 =	vadd.s32 v7, v13;
	[tilespmem:s19+$0x3470] =	vst v8  }
0x120: {  	[tilespmem:s19+$0x3400] =	vst v13;
	v8 =	vadd.s32 v7, v11;
	v11 =	vld [tilespmem:s19+$0x860]  }
0x121: {  	[tilespmem:s19+$0x3410] =	vst v8;
	v8 =	vadd.s32 v7, v10  }
0x122: {  	[tilespmem:s19+$0x3420] =	vst v8;
	v8 =	vadd.s32 v7, v9  }
0x123: {  	[tilespmem:s19+$0x3430] =	vst v8;
	v8 =	vadd.s32 v7, v12  }
0x124: {  	[tilespmem:s19+$0x3440] =	vst v8;
	v8 =	vadd.s32 v7, v14  }
0x125: {  	[tilespmem:s19+$0x3450] =	vst v8;
	v7 =	vadd.s32 v7, v11  }
0x126: {  	s20 =	simm.s32 $0x5400;
	[tilespmem:s19+$0x3460] =	vst v7;
	s19 =	simm.s32 $0x3400  }
0x127: {  	[tilespmem:s20], [sflag:$0x1] =	stream.indirect.gather [hbm4b:s5+s15], $0x1, s19, s15, $0xb8;
	[tilespmem:$0x7000] =	vst v63  }
0x128: {  	s19 =	simm.s32 $0x3480;
	s20 =	simm.s32 $0x5480  }
0x129: {  	[tilespmem:s20], [sflag:$0x1] =	stream.indirect.gather [hbm4b:s5+s15], $0x1, s19, s15, $0xb8;
	[tilespmem:$0x7000] =	vst v63  }
0x12a: {  	s19 =	simm.s32 $0x3500;
	s20 =	simm.s32 $0x5500  }
0x12b: {  	[tilespmem:s20], [sflag:$0x1] =	stream.indirect.gather [hbm4b:s5+s15], $0x1, s19, s15, $0xb8;
	[tilespmem:$0x7000] =	vst v63  }
0x12c: {  	s19 =	simm.s32 $0x3580;
	s20 =	simm.s32 $0x5580  }
0x12d: {  	[tilespmem:s20], [sflag:$0x1] =	stream.indirect.gather [hbm4b:s5+s15], $0x1, s19, s15, $0xb8;
	[tilespmem:$0x7000] =	vst v63  }
0x12e: {  	s19 =	simm.s32 $0x3600;
	s20 =	simm.s32 $0x5600  }
0x12f: {  	[tilespmem:s20], [sflag:$0x1] =	stream.indirect.gather [hbm4b:s5+s15], $0x1, s19, s15, $0xb8;
	[tilespmem:$0x7000] =	vst v63  }
0x130: {  	s19 =	simm.s32 $0x3680;
	s20 =	simm.s32 $0x5680  }
0x131: {  	[tilespmem:s20], [sflag:$0x1] =	stream.indirect.gather [hbm4b:s5+s15], $0x1, s19, s15, $0xb8;
	[tilespmem:$0x7000] =	vst v63  }
0x132: {  	s19 =	simm.s32 $0x3700;
	s20 =	simm.s32 $0x5700  }
0x133: {  	[tilespmem:s20], [sflag:$0x1] =	stream.indirect.gather [hbm4b:s5+s15], $0x1, s19, s15, $0xb8;
	[tilespmem:$0x7000] =	vst v63  }
0x134: {  	s19 =	simm.s32 $0x3780;
	s20 =	simm.s32 $0x5780  }
0x135: {  	[tilespmem:s20], [sflag:$0x1] =	stream.indirect.gather [hbm4b:s5+s15], $0x1, s19, s15, $0xb8;
	[tilespmem:$0x7000] =	vst v63  }
0x136: {  	s19 =	simm.s32 $0x3800;
	s20 =	simm.s32 $0x5800  }
0x137: {  	[tilespmem:s20], [sflag:$0x1] =	stream.indirect.gather [hbm4b:s5+s15], $0x1, s19, s15, $0xb8;
	[tilespmem:$0x7000] =	vst v63  }
0x138: {  	s19 =	simm.s32 $0x3880;
	s20 =	simm.s32 $0x5880  }
0x139: {  	[tilespmem:s20], [sflag:$0x1] =	stream.indirect.gather [hbm4b:s5+s15], $0x1, s19, s15, $0xb8;
	[tilespmem:$0x7000] =	vst v63  }
0x13a: {  	s19 =	simm.s32 $0x3900;
	s20 =	simm.s32 $0x5900  }
0x13b: {  	[tilespmem:s20], [sflag:$0x1] =	stream.indirect.gather [hbm4b:s5+s15], $0x1, s19, s15, $0xb8;
	[tilespmem:$0x7000] =	vst v63  }
0x13c: {  	s19 =	simm.s32 $0x3980;
	s20 =	simm.s32 $0x5980  }
0x13d: {  	[tilespmem:s20], [sflag:$0x1] =	stream.indirect.gather [hbm4b:s5+s15], $0x1, s19, s15, $0xb8;
	[tilespmem:$0x7000] =	vst v63  }
0x13e: {  	s19 =	simm.s32 $0x3A00;
	s20 =	simm.s32 $0x5A00  }
0x13f: {  	[tilespmem:s20], [sflag:$0x1] =	stream.indirect.gather [hbm4b:s5+s15], $0x1, s19, s15, $0xb8;
	[tilespmem:$0x7000] =	vst v63  }
0x140: {  	s19 =	simm.s32 $0x3A80;
	s20 =	simm.s32 $0x5A80  }
0x141: {  	[tilespmem:s20], [sflag:$0x1] =	stream.indirect.gather [hbm4b:s5+s15], $0x1, s19, s15, $0xb8;
	[tilespmem:$0x7000] =	vst v63  }
0x142: {  	s19 =	simm.s32 $0x3B00;
	s20 =	simm.s32 $0x5B00  }
0x143: {  	[tilespmem:s20], [sflag:$0x1] =	stream.indirect.gather [hbm4b:s5+s15], $0x1, s19, s15, $0xb8;
	[tilespmem:$0x7000] =	vst v63  }
0x144: {  	s19 =	simm.s32 $0x3B80;
	s20 =	simm.s32 $0x5B80  }
0x145: {  	[tilespmem:s20], [sflag:$0x1] =	stream.indirect.gather [hbm4b:s5+s15], $0x1, s19, s15, $0xb8;
	[tilespmem:$0x7000] =	vst v63  }
0x146: {  	s19 =	simm.s32 $0x3C00;
	s20 =	simm.s32 $0x5C00  }
0x147: {  	[tilespmem:s20], [sflag:$0x1] =	stream.indirect.gather [hbm4b:s5+s15], $0x1, s19, s15, $0xb8;
	[tilespmem:$0x7000] =	vst v63  }
0x148: {  	_ = 	snop  }
0x149: {  	[tilespmem:s22], [sflag:$0x1] =	stream.indirect.gather [hbm4b:s5+s15], $0x1, s21, s15, $0xb8;
	[tilespmem:$0x7000] =	vst v63  }
0x14a: {  	_ = 	snop  }
0x14b: {  	[tilespmem:s24], [sflag:$0x1] =	stream.indirect.gather [hbm4b:s5+s15], $0x1, s23, s15, $0xb8;
	[tilespmem:$0x7000] =	vst v63  }
0x14c: {  	_ = 	snop  }
0x14d: {  	[tilespmem:s26], [sflag:$0x1] =	stream.indirect.gather [hbm4b:s5+s15], $0x1, s25, s15, $0xb8;
	[tilespmem:$0x7000] =	vst v63  }
0x14e: {  	_ = 	snop  }
0x14f: {  	[tilespmem:s29], [sflag:$0x1] =	stream.indirect.gather [hbm4b:s5+s15], $0x1, s28, s15, $0xb8;
	[tilespmem:$0x7000] =	vst v63  }
0x150: {  	_ = 	snop  }
0x151: {  	[tilespmem:s31], [sflag:$0x1] =	stream.indirect.gather [hbm4b:s5+s15], $0x1, s30, s15, $0xb8;
	[tilespmem:$0x7000] =	vst v63  }
0x152: {  	_ = 	snop  }
0x153: {  	[tilespmem:s2], [sflag:$0x1] =	stream.indirect.gather [hbm4b:s5+s15], $0x1, s0, s15, $0xb8;
	[tilespmem:$0x7000] =	vst v63  }
0x154: {  	_ = 	snop  }
0x155: {  	[tilespmem:s13], [sflag:$0x1] =	stream.indirect.gather [hbm4b:s5+s15], $0x1, s1, s15, $0xb8;
	[tilespmem:$0x7000] =	vst v63  }
0x156: {  	_ = 	snop  }
0x157: {  	[tilespmem:s6], [sflag:$0x1] =	stream.indirect.gather [hbm4b:s5+s15], $0x1, s14, s15, $0xb8;
	[tilespmem:$0x7000] =	vst v63  }
0x158: {  	_ = 	snop  }
0x159: {  	[tilespmem:s8], [sflag:$0x1] =	stream.indirect.gather [hbm4b:s5+s15], $0x1, s7, s15, $0xb8;
	[tilespmem:$0x7000] =	vst v63  }
0x15a: {  	_ = 	snop  }
0x15b: {  	[tilespmem:s4], [sflag:$0x1] =	stream.indirect.gather [hbm4b:s5+s15], $0x1, s10, s15, $0xb8;
	[tilespmem:$0x7000] =	vst v63  }
0x15c: {  	_ = 	snop  }
0x15d: {  	[tilespmem:s12], [sflag:$0x1] =	stream.indirect.gather [hbm4b:s5+s15], $0x1, s3, s15, $0xb8;
	[tilespmem:$0x7000] =	vst v63  }
0x15e: {  	_ =	swait.ge [sflag:s11], $0xE00  }
0x15f: {  	[sflag:s11] =	ssyncset.done $0x0  }
0x160: {  	[sflag:s11] =	ssyncadd.s32 $0xFFFFF200  }
0x161: {  	s19 =	simm.s32 $0x0;
	v7 =	vld [tilespmem:s17+$0x0]  }
0x162: {  	v8 =	vld [tilespmem:s19+$0x6200]  }
0x163: {  	v9 =	vld [tilespmem:s19+$0x6210]  }
0x164: {  	v12 =	vld [tilespmem:s19+$0x6220]  }
0x165: {  	v13 =	vld [tilespmem:s19+$0x6230]  }
0x166: {  	v10 =	vld [tilespmem:s19+$0x2600];
	v7 =	vperm.xlane v7, v1  }
0x167: {  	v14 =	vld [tilespmem:s19+$0x2610]  }
0x168: {  	v15 =	vld [tilespmem:s19+$0x2620];
	v7 =	vmax.f32 v7, $0.0e+00  }
0x169: {  	s18 =	simm.s32 $0x40;
	v16 =	vld [tilespmem:s19+$0x2630];
	v17 =	vmul.f32 v8, v7  }
0x16a: {  	v11 =	vld [tilespmem:s18+$0x6200];
	v18 =	vmul.f32 v9, v7  }
0x16b: {  	v8 =	vld [tilespmem:s18+$0x6210];
	v63 =	vmul.f32 v12, v7;
	v17 =	vadd.f32 v17, v10  }
0x16c: {  	v9 =	vld [tilespmem:s18+$0x6230];
	v19 =	vmul.f32 v13, v7;
	v14 =	vadd.f32 v18, v14  }
0x16d: {  	v10 =	vld [tilespmem:s18+$0x6220];
	v13 =	vadd.f32 v63, v15;
	[tilespmem:s19+$0x2600] =	vst v17  }
0x16e: {  	s20 =	simm.s32 $0x200;
	v12 =	vld [tilespmem:s18+$0x2600];
	[tilespmem:s19+$0x2610] =	vst v14;
	v14 =	vadd.f32 v19, v16  }
.LBB2_13:
0x16f: {  	p0 =	sne.s32 s20, $0x3700;
	v15 =	vld [tilespmem:s18+$0x2610];
	[tilespmem:s19+$0x2620] =	vst v13  }
0x170: {  	v13 =	vld [tilespmem:s18+$0x2620];
	[tilespmem:s19+$0x2630] =	vst v14;
	s19 =	smov.u32 s18  }
0x171: {  	s18 =	sshra.s32 s20, $0x2;
	v14 =	vmul.f32 v11, v7;
	v16 =	vld [tilespmem:s19+$0x2630]  }
.Ltmp5:
0x172: {  	v17 =	vmul.f32 v8, v7;
	v11 =	vld [tilespmem:s18+$0x6200];
	(pc) =	sbr.rel @p0 .LBB2_13-.Ltmp5, $4  }
0x173: {  	v8 =	vld [tilespmem:s18+$0x6210];
	v12 =	vadd.f32 v14, v12;
	v14 =	vmul.f32 v10, v7  }
0x174: {  	v10 =	vld [tilespmem:s18+$0x6220];
	v15 =	vadd.f32 v17, v15;
	v17 =	vmul.f32 v9, v7  }
0x175: {  	v9 =	vld [tilespmem:s18+$0x6230];
	[tilespmem:s19+$0x2600] =	vst v12;
	v13 =	vadd.f32 v14, v13  }
0x176: {  	s20 =	sadd.s32 $0x100, s20;
	v12 =	vld [tilespmem:s18+$0x2600];
	[tilespmem:s19+$0x2610] =	vst v15;
	v14 =	vadd.f32 v17, v16  }
0x177: {  	v15 =	vld [tilespmem:s18+$0x2610];
	[tilespmem:s19+$0x2620] =	vst v13  }
0x178: {  	v13 =	vld [tilespmem:s18+$0x2620];
	[tilespmem:s19+$0x2630] =	vst v14  }
0x179: {  	v11 =	vmul.f32 v11, v7;
	v14 =	vld [tilespmem:s18+$0x2630]  }
0x17a: {  	v8 =	vmul.f32 v8, v7  }
0x17b: {  	v10 =	vmul.f32 v10, v7;
	v11 =	vadd.f32 v11, v12  }
0x17c: {  	v7 =	vmul.f32 v9, v7;
	v8 =	vadd.f32 v8, v15  }
0x17d: {  	[tilespmem:s18+$0x2600] =	vst v11;
	v9 =	vadd.f32 v10, v13  }
0x17e: {  	[tilespmem:s18+$0x2610] =	vst v8;
	v7 =	vadd.f32 v7, v14  }
0x17f: {  	[tilespmem:s18+$0x2620] =	vst v9  }
0x180: {  	[tilespmem:s18+$0x2630] =	vst v7  }
0x181: {  	v7 =	vld [tilespmem:s17+$0x400]  }
0x182: {  	s18 =	simm.s32 $0x0  }
0x183: {  	v9 =	vld [tilespmem:s18+$0x870]  }
0x184: {  	v12 =	vld [tilespmem:s18+$0x800]  }
0x185: {  	v13 =	vld [tilespmem:s18+$0x810]  }
0x186: {  	v11 =	vld [tilespmem:s18+$0x820];
	v7 =	vperm.xlane v7, v3  }
0x187: {  	v10 =	vld [tilespmem:s18+$0x830]  }
0x188: {  	v8 =	vld [tilespmem:s18+$0x840];
	v14 =	vadd.s32 v7, v9  }
0x189: {  	v9 =	vld [tilespmem:s18+$0x850];
	v12 =	vadd.s32 v7, v12;
	[tilespmem:s18+$0x4470] =	vst v14  }
0x18a: {  	s20 =	simm.s32 $0x400;
	s19 =	simm.s32 $0x80;
	v13 =	vadd.s32 v7, v13;
	[tilespmem:s18+$0x4400] =	vst v12;
	v12 =	vld [tilespmem:s18+$0x860]  }
.LBB2_15:
0x18b: {  	p0 =	sne.s32 s20, $0x3600;
	v14 =	vld [tilespmem:s19+$0x870];
	[tilespmem:s18+$0x4410] =	vst v13;
	v11 =	vadd.s32 v7, v11  }
0x18c: {  	v13 =	vld [tilespmem:s19+$0x800];
	[tilespmem:s18+$0x4420] =	vst v11;
	v10 =	vadd.s32 v7, v10  }
0x18d: {  	v15 =	vld [tilespmem:s19+$0x810];
	[tilespmem:s18+$0x4430] =	vst v10;
	v8 =	vadd.s32 v7, v8  }
.Ltmp6:
0x18e: {  	v11 =	vld [tilespmem:s19+$0x820];
	[tilespmem:s18+$0x4440] =	vst v8;
	v8 =	vadd.s32 v7, v9;
	(pc) =	sbr.rel @p0 .LBB2_15-.Ltmp6, $4  }
0x18f: {  	v10 =	vld [tilespmem:s19+$0x830];
	[tilespmem:s18+$0x4450] =	vst v8;
	v9 =	vadd.s32 v7, v12  }
0x190: {  	v8 =	vld [tilespmem:s19+$0x840];
	v12 =	vadd.s32 v7, v14;
	[tilespmem:s18+$0x4460] =	vst v9;
	s18 =	smov.u32 s19  }
0x191: {  	v13 =	vadd.s32 v7, v13;
	v9 =	vld [tilespmem:s18+$0x850];
	[tilespmem:s18+$0x4470] =	vst v12  }
0x192: {  	s19 =	sshra.s32 s20, $0x2;
	s20 =	sadd.s32 $0x200, s20;
	[tilespmem:s18+$0x4400] =	vst v13;
	v13 =	vadd.s32 v7, v15;
	v12 =	vld [tilespmem:s18+$0x860]  }
0x193: {  	v14 =	vld [tilespmem:s19+$0x870];
	[tilespmem:s18+$0x4410] =	vst v13;
	v11 =	vadd.s32 v7, v11  }
0x194: {  	v13 =	vld [tilespmem:s19+$0x800];
	[tilespmem:s18+$0x4420] =	vst v11;
	v10 =	vadd.s32 v7, v10  }
0x195: {  	v11 =	vld [tilespmem:s19+$0x810];
	[tilespmem:s18+$0x4430] =	vst v10;
	v8 =	vadd.s32 v7, v8  }
0x196: {  	v10 =	vld [tilespmem:s19+$0x820];
	[tilespmem:s18+$0x4440] =	vst v8;
	v8 =	vadd.s32 v7, v9  }
0x197: {  	v9 =	vld [tilespmem:s19+$0x830];
	[tilespmem:s18+$0x4450] =	vst v8;
	v8 =	vadd.s32 v7, v12  }
0x198: {  	v12 =	vld [tilespmem:s19+$0x840];
	[tilespmem:s18+$0x4460] =	vst v8;
	v8 =	vadd.s32 v7, v14  }
0x199: {  	v14 =	vld [tilespmem:s19+$0x850];
	v13 =	vadd.s32 v7, v13;
	[tilespmem:s19+$0x4470] =	vst v8  }
0x19a: {  	[tilespmem:s19+$0x4400] =	vst v13;
	v8 =	vadd.s32 v7, v11;
	v11 =	vld [tilespmem:s19+$0x860]  }
0x19b: {  	[tilespmem:s19+$0x4410] =	vst v8;
	v8 =	vadd.s32 v7, v10  }
0x19c: {  	[tilespmem:s19+$0x4420] =	vst v8;
	v8 =	vadd.s32 v7, v9  }
0x19d: {  	[tilespmem:s19+$0x4430] =	vst v8;
	v8 =	vadd.s32 v7, v12  }
0x19e: {  	[tilespmem:s19+$0x4440] =	vst v8;
	v8 =	vadd.s32 v7, v14  }
0x19f: {  	[tilespmem:s19+$0x4450] =	vst v8;
	v7 =	vadd.s32 v7, v11  }
0x1a0: {  	s20 =	simm.s32 $0x6200;
	[tilespmem:s19+$0x4460] =	vst v7;
	s19 =	simm.s32 $0x4400  }
0x1a1: {  	[tilespmem:s20], [sflag:$0x2] =	stream.indirect.gather [hbm4b:s5+s15], $0x1, s19, s15, $0xb8;
	[tilespmem:$0x7000] =	vst v63  }
0x1a2: {  	s19 =	simm.s32 $0x4480;
	s20 =	simm.s32 $0x6280  }
0x1a3: {  	[tilespmem:s20], [sflag:$0x2] =	stream.indirect.gather [hbm4b:s5+s15], $0x1, s19, s15, $0xb8;
	[tilespmem:$0x7000] =	vst v63  }
0x1a4: {  	s19 =	simm.s32 $0x4500;
	s20 =	simm.s32 $0x6300  }
0x1a5: {  	[tilespmem:s20], [sflag:$0x2] =	stream.indirect.gather [hbm4b:s5+s15], $0x1, s19, s15, $0xb8;
	[tilespmem:$0x7000] =	vst v63  }
0x1a6: {  	s19 =	simm.s32 $0x4580;
	s20 =	simm.s32 $0x6380  }
0x1a7: {  	[tilespmem:s20], [sflag:$0x2] =	stream.indirect.gather [hbm4b:s5+s15], $0x1, s19, s15, $0xb8;
	[tilespmem:$0x7000] =	vst v63  }
0x1a8: {  	s19 =	simm.s32 $0x4600;
	s20 =	simm.s32 $0x6400  }
0x1a9: {  	[tilespmem:s20], [sflag:$0x2] =	stream.indirect.gather [hbm4b:s5+s15], $0x1, s19, s15, $0xb8;
	[tilespmem:$0x7000] =	vst v63  }
0x1aa: {  	s19 =	simm.s32 $0x4680;
	s20 =	simm.s32 $0x6480  }
0x1ab: {  	[tilespmem:s20], [sflag:$0x2] =	stream.indirect.gather [hbm4b:s5+s15], $0x1, s19, s15, $0xb8;
	[tilespmem:$0x7000] =	vst v63  }
0x1ac: {  	s19 =	simm.s32 $0x4700;
	s20 =	simm.s32 $0x6500  }
0x1ad: {  	[tilespmem:s20], [sflag:$0x2] =	stream.indirect.gather [hbm4b:s5+s15], $0x1, s19, s15, $0xb8;
	[tilespmem:$0x7000] =	vst v63  }
0x1ae: {  	s19 =	simm.s32 $0x4780;
	s20 =	simm.s32 $0x6580  }
0x1af: {  	[tilespmem:s20], [sflag:$0x2] =	stream.indirect.gather [hbm4b:s5+s15], $0x1, s19, s15, $0xb8;
	[tilespmem:$0x7000] =	vst v63  }
0x1b0: {  	s19 =	simm.s32 $0x4800;
	s20 =	simm.s32 $0x6600  }
0x1b1: {  	[tilespmem:s20], [sflag:$0x2] =	stream.indirect.gather [hbm4b:s5+s15], $0x1, s19, s15, $0xb8;
	[tilespmem:$0x7000] =	vst v63  }
0x1b2: {  	s19 =	simm.s32 $0x4880;
	s20 =	simm.s32 $0x6680  }
0x1b3: {  	[tilespmem:s20], [sflag:$0x2] =	stream.indirect.gather [hbm4b:s5+s15], $0x1, s19, s15, $0xb8;
	[tilespmem:$0x7000] =	vst v63  }
0x1b4: {  	s19 =	simm.s32 $0x4900;
	s20 =	simm.s32 $0x6700  }
0x1b5: {  	[tilespmem:s20], [sflag:$0x2] =	stream.indirect.gather [hbm4b:s5+s15], $0x1, s19, s15, $0xb8;
	[tilespmem:$0x7000] =	vst v63  }
0x1b6: {  	s19 =	simm.s32 $0x4980;
	s20 =	simm.s32 $0x6780  }
0x1b7: {  	[tilespmem:s20], [sflag:$0x2] =	stream.indirect.gather [hbm4b:s5+s15], $0x1, s19, s15, $0xb8;
	[tilespmem:$0x7000] =	vst v63  }
0x1b8: {  	s19 =	simm.s32 $0x4A00;
	s20 =	simm.s32 $0x6800  }
0x1b9: {  	[tilespmem:s20], [sflag:$0x2] =	stream.indirect.gather [hbm4b:s5+s15], $0x1, s19, s15, $0xb8;
	[tilespmem:$0x7000] =	vst v63  }
0x1ba: {  	s19 =	simm.s32 $0x4A80;
	s20 =	simm.s32 $0x6880  }
0x1bb: {  	[tilespmem:s20], [sflag:$0x2] =	stream.indirect.gather [hbm4b:s5+s15], $0x1, s19, s15, $0xb8;
	[tilespmem:$0x7000] =	vst v63  }
0x1bc: {  	s19 =	simm.s32 $0x4B00;
	s20 =	simm.s32 $0x6900  }
0x1bd: {  	[tilespmem:s20], [sflag:$0x2] =	stream.indirect.gather [hbm4b:s5+s15], $0x1, s19, s15, $0xb8;
	[tilespmem:$0x7000] =	vst v63  }
0x1be: {  	s19 =	simm.s32 $0x4B80;
	s20 =	simm.s32 $0x6980  }
0x1bf: {  	[tilespmem:s20], [sflag:$0x2] =	stream.indirect.gather [hbm4b:s5+s15], $0x1, s19, s15, $0xb8;
	[tilespmem:$0x7000] =	vst v63  }
0x1c0: {  	s19 =	simm.s32 $0x4C00;
	s20 =	simm.s32 $0x6A00  }
0x1c1: {  	[tilespmem:s20], [sflag:$0x2] =	stream.indirect.gather [hbm4b:s5+s15], $0x1, s19, s15, $0xb8;
	[tilespmem:$0x7000] =	vst v63  }
0x1c2: {  	s19 =	simm.s32 $0x4C80;
	s20 =	simm.s32 $0x6A80  }
0x1c3: {  	[tilespmem:s20], [sflag:$0x2] =	stream.indirect.gather [hbm4b:s5+s15], $0x1, s19, s15, $0xb8;
	[tilespmem:$0x7000] =	vst v63  }
0x1c4: {  	s19 =	simm.s32 $0x4D00;
	s20 =	simm.s32 $0x6B00  }
0x1c5: {  	[tilespmem:s20], [sflag:$0x2] =	stream.indirect.gather [hbm4b:s5+s15], $0x1, s19, s15, $0xb8;
	[tilespmem:$0x7000] =	vst v63  }
0x1c6: {  	s19 =	simm.s32 $0x4D80;
	s20 =	simm.s32 $0x6B80  }
0x1c7: {  	[tilespmem:s20], [sflag:$0x2] =	stream.indirect.gather [hbm4b:s5+s15], $0x1, s19, s15, $0xb8;
	[tilespmem:$0x7000] =	vst v63  }
0x1c8: {  	s19 =	simm.s32 $0x4E00;
	s20 =	simm.s32 $0x6C00  }
0x1c9: {  	[tilespmem:s20], [sflag:$0x2] =	stream.indirect.gather [hbm4b:s5+s15], $0x1, s19, s15, $0xb8;
	[tilespmem:$0x7000] =	vst v63  }
0x1ca: {  	s19 =	simm.s32 $0x4E80;
	s20 =	simm.s32 $0x6C80  }
0x1cb: {  	[tilespmem:s20], [sflag:$0x2] =	stream.indirect.gather [hbm4b:s5+s15], $0x1, s19, s15, $0xb8;
	[tilespmem:$0x7000] =	vst v63  }
0x1cc: {  	s19 =	simm.s32 $0x4F00;
	s20 =	simm.s32 $0x6D00  }
0x1cd: {  	[tilespmem:s20], [sflag:$0x2] =	stream.indirect.gather [hbm4b:s5+s15], $0x1, s19, s15, $0xb8;
	[tilespmem:$0x7000] =	vst v63  }
0x1ce: {  	s19 =	simm.s32 $0x4F80;
	s20 =	simm.s32 $0x6D80  }
0x1cf: {  	[tilespmem:s20], [sflag:$0x2] =	stream.indirect.gather [hbm4b:s5+s15], $0x1, s19, s15, $0xb8;
	[tilespmem:$0x7000] =	vst v63  }
0x1d0: {  	s19 =	simm.s32 $0x5000;
	s20 =	simm.s32 $0x6E00  }
0x1d1: {  	[tilespmem:s20], [sflag:$0x2] =	stream.indirect.gather [hbm4b:s5+s15], $0x1, s19, s15, $0xb8;
	[tilespmem:$0x7000] =	vst v63  }
0x1d2: {  	s19 =	simm.s32 $0x5080;
	s20 =	simm.s32 $0x6E80  }
0x1d3: {  	[tilespmem:s20], [sflag:$0x2] =	stream.indirect.gather [hbm4b:s5+s15], $0x1, s19, s15, $0xb8;
	[tilespmem:$0x7000] =	vst v63  }
0x1d4: {  	s19 =	simm.s32 $0x5100;
	s20 =	simm.s32 $0x6F00  }
0x1d5: {  	[tilespmem:s20], [sflag:$0x2] =	stream.indirect.gather [hbm4b:s5+s15], $0x1, s19, s15, $0xb8;
	[tilespmem:$0x7000] =	vst v63  }
0x1d6: {  	s19 =	simm.s32 $0x5180;
	s20 =	simm.s32 $0x6F80  }
0x1d7: {  	[tilespmem:s20], [sflag:$0x2] =	stream.indirect.gather [hbm4b:s5+s15], $0x1, s19, s15, $0xb8;
	[tilespmem:$0x7000] =	vst v63  }
0x1d8: {  	_ =	swait.ge [sflag:s9], $0xE00  }
0x1d9: {  	[sflag:s9] =	ssyncset.done $0x0  }
0x1da: {  	[sflag:s9] =	ssyncadd.s32 $0xFFFFF200  }
0x1db: {  	s19 =	simm.s32 $0x0;
	v7 =	vld [tilespmem:s17+$0x0]  }
0x1dc: {  	v8 =	vld [tilespmem:s19+$0x5400]  }
0x1dd: {  	v9 =	vld [tilespmem:s19+$0x5410]  }
0x1de: {  	v12 =	vld [tilespmem:s19+$0x5420]  }
0x1df: {  	v13 =	vld [tilespmem:s19+$0x5430]  }
0x1e0: {  	v10 =	vld [tilespmem:s19+$0x2600];
	v7 =	vperm.xlane v7, v2  }
0x1e1: {  	v14 =	vld [tilespmem:s19+$0x2610]  }
0x1e2: {  	v15 =	vld [tilespmem:s19+$0x2620];
	v7 =	vmax.f32 v7, $0.0e+00  }
0x1e3: {  	s18 =	simm.s32 $0x40;
	v16 =	vld [tilespmem:s19+$0x2630];
	v17 =	vmul.f32 v8, v7  }
0x1e4: {  	v11 =	vld [tilespmem:s18+$0x5400];
	v18 =	vmul.f32 v9, v7  }
0x1e5: {  	v8 =	vld [tilespmem:s18+$0x5410];
	v63 =	vmul.f32 v12, v7;
	v17 =	vadd.f32 v17, v10  }
0x1e6: {  	v9 =	vld [tilespmem:s18+$0x5430];
	v19 =	vmul.f32 v13, v7;
	v14 =	vadd.f32 v18, v14  }
0x1e7: {  	v10 =	vld [tilespmem:s18+$0x5420];
	v13 =	vadd.f32 v63, v15;
	[tilespmem:s19+$0x2600] =	vst v17  }
0x1e8: {  	s20 =	simm.s32 $0x200;
	v12 =	vld [tilespmem:s18+$0x2600];
	[tilespmem:s19+$0x2610] =	vst v14;
	v14 =	vadd.f32 v19, v16  }
.LBB2_17:
0x1e9: {  	p0 =	sne.s32 s20, $0x3700;
	v15 =	vld [tilespmem:s18+$0x2610];
	[tilespmem:s19+$0x2620] =	vst v13  }
0x1ea: {  	v13 =	vld [tilespmem:s18+$0x2620];
	[tilespmem:s19+$0x2630] =	vst v14;
	s19 =	smov.u32 s18  }
0x1eb: {  	s18 =	sshra.s32 s20, $0x2;
	v14 =	vmul.f32 v11, v7;
	v16 =	vld [tilespmem:s19+$0x2630]  }
.Ltmp7:
0x1ec: {  	v17 =	vmul.f32 v8, v7;
	v11 =	vld [tilespmem:s18+$0x5400];
	(pc) =	sbr.rel @p0 .LBB2_17-.Ltmp7, $4  }
0x1ed: {  	v8 =	vld [tilespmem:s18+$0x5410];
	v12 =	vadd.f32 v14, v12;
	v14 =	vmul.f32 v10, v7  }
0x1ee: {  	v10 =	vld [tilespmem:s18+$0x5420];
	v15 =	vadd.f32 v17, v15;
	v17 =	vmul.f32 v9, v7  }
0x1ef: {  	v9 =	vld [tilespmem:s18+$0x5430];
	[tilespmem:s19+$0x2600] =	vst v12;
	v13 =	vadd.f32 v14, v13  }
0x1f0: {  	s20 =	sadd.s32 $0x100, s20;
	v12 =	vld [tilespmem:s18+$0x2600];
	[tilespmem:s19+$0x2610] =	vst v15;
	v14 =	vadd.f32 v17, v16  }
0x1f1: {  	v15 =	vld [tilespmem:s18+$0x2610];
	[tilespmem:s19+$0x2620] =	vst v13  }
0x1f2: {  	v13 =	vld [tilespmem:s18+$0x2620];
	[tilespmem:s19+$0x2630] =	vst v14  }
0x1f3: {  	v11 =	vmul.f32 v11, v7;
	v14 =	vld [tilespmem:s18+$0x2630]  }
0x1f4: {  	v8 =	vmul.f32 v8, v7  }
0x1f5: {  	v10 =	vmul.f32 v10, v7;
	v11 =	vadd.f32 v11, v12  }
0x1f6: {  	v7 =	vmul.f32 v9, v7;
	v8 =	vadd.f32 v8, v15  }
0x1f7: {  	[tilespmem:s18+$0x2600] =	vst v11;
	v9 =	vadd.f32 v10, v13  }
0x1f8: {  	[tilespmem:s18+$0x2610] =	vst v8;
	v7 =	vadd.f32 v7, v14  }
0x1f9: {  	[tilespmem:s18+$0x2620] =	vst v9  }
0x1fa: {  	[tilespmem:s18+$0x2630] =	vst v7  }
0x1fb: {  	v7 =	vld [tilespmem:s17+$0x400]  }
0x1fc: {  	s18 =	simm.s32 $0x0  }
0x1fd: {  	v9 =	vld [tilespmem:s18+$0x870]  }
0x1fe: {  	v12 =	vld [tilespmem:s18+$0x800]  }
0x1ff: {  	v13 =	vld [tilespmem:s18+$0x810]  }
0x200: {  	v11 =	vld [tilespmem:s18+$0x820];
	v7 =	vperm.xlane v7, v4  }
0x201: {  	v10 =	vld [tilespmem:s18+$0x830]  }
0x202: {  	v8 =	vld [tilespmem:s18+$0x840];
	v14 =	vadd.s32 v7, v9  }
0x203: {  	v9 =	vld [tilespmem:s18+$0x850];
	v12 =	vadd.s32 v7, v12;
	[tilespmem:s18+$0x3470] =	vst v14  }
0x204: {  	s20 =	simm.s32 $0x400;
	s19 =	simm.s32 $0x80;
	v13 =	vadd.s32 v7, v13;
	[tilespmem:s18+$0x3400] =	vst v12;
	v12 =	vld [tilespmem:s18+$0x860]  }
.LBB2_19:
0x205: {  	p0 =	sne.s32 s20, $0x3600;
	v14 =	vld [tilespmem:s19+$0x870];
	[tilespmem:s18+$0x3410] =	vst v13;
	v11 =	vadd.s32 v7, v11  }
0x206: {  	v13 =	vld [tilespmem:s19+$0x800];
	[tilespmem:s18+$0x3420] =	vst v11;
	v10 =	vadd.s32 v7, v10  }
0x207: {  	v15 =	vld [tilespmem:s19+$0x810];
	[tilespmem:s18+$0x3430] =	vst v10;
	v8 =	vadd.s32 v7, v8  }
.Ltmp8:
0x208: {  	v11 =	vld [tilespmem:s19+$0x820];
	[tilespmem:s18+$0x3440] =	vst v8;
	v8 =	vadd.s32 v7, v9;
	(pc) =	sbr.rel @p0 .LBB2_19-.Ltmp8, $4  }
0x209: {  	v10 =	vld [tilespmem:s19+$0x830];
	[tilespmem:s18+$0x3450] =	vst v8;
	v9 =	vadd.s32 v7, v12  }
0x20a: {  	v8 =	vld [tilespmem:s19+$0x840];
	v12 =	vadd.s32 v7, v14;
	[tilespmem:s18+$0x3460] =	vst v9;
	s18 =	smov.u32 s19  }
0x20b: {  	v13 =	vadd.s32 v7, v13;
	v9 =	vld [tilespmem:s18+$0x850];
	[tilespmem:s18+$0x3470] =	vst v12  }
0x20c: {  	s19 =	sshra.s32 s20, $0x2;
	s20 =	sadd.s32 $0x200, s20;
	[tilespmem:s18+$0x3400] =	vst v13;
	v13 =	vadd.s32 v7, v15;
	v12 =	vld [tilespmem:s18+$0x860]  }
0x20d: {  	v14 =	vld [tilespmem:s19+$0x870];
	[tilespmem:s18+$0x3410] =	vst v13;
	v11 =	vadd.s32 v7, v11  }
0x20e: {  	v13 =	vld [tilespmem:s19+$0x800];
	[tilespmem:s18+$0x3420] =	vst v11;
	v10 =	vadd.s32 v7, v10  }
0x20f: {  	v11 =	vld [tilespmem:s19+$0x810];
	[tilespmem:s18+$0x3430] =	vst v10;
	v8 =	vadd.s32 v7, v8  }
0x210: {  	v10 =	vld [tilespmem:s19+$0x820];
	[tilespmem:s18+$0x3440] =	vst v8;
	v8 =	vadd.s32 v7, v9  }
0x211: {  	v9 =	vld [tilespmem:s19+$0x830];
	[tilespmem:s18+$0x3450] =	vst v8;
	v8 =	vadd.s32 v7, v12  }
0x212: {  	v12 =	vld [tilespmem:s19+$0x840];
	[tilespmem:s18+$0x3460] =	vst v8;
	v8 =	vadd.s32 v7, v14  }
0x213: {  	v14 =	vld [tilespmem:s19+$0x850];
	v13 =	vadd.s32 v7, v13;
	[tilespmem:s19+$0x3470] =	vst v8  }
0x214: {  	[tilespmem:s19+$0x3400] =	vst v13;
	v8 =	vadd.s32 v7, v11;
	v11 =	vld [tilespmem:s19+$0x860]  }
0x215: {  	[tilespmem:s19+$0x3410] =	vst v8;
	v8 =	vadd.s32 v7, v10  }
0x216: {  	[tilespmem:s19+$0x3420] =	vst v8;
	v8 =	vadd.s32 v7, v9  }
0x217: {  	[tilespmem:s19+$0x3430] =	vst v8;
	v8 =	vadd.s32 v7, v12  }
0x218: {  	[tilespmem:s19+$0x3440] =	vst v8;
	v8 =	vadd.s32 v7, v14  }
0x219: {  	[tilespmem:s19+$0x3450] =	vst v8;
	v7 =	vadd.s32 v7, v11  }
0x21a: {  	s20 =	simm.s32 $0x5400;
	[tilespmem:s19+$0x3460] =	vst v7;
	s19 =	simm.s32 $0x3400  }
0x21b: {  	[tilespmem:s20], [sflag:$0x1] =	stream.indirect.gather [hbm4b:s5+s15], $0x1, s19, s15, $0xb8;
	[tilespmem:$0x7000] =	vst v63  }
0x21c: {  	s19 =	simm.s32 $0x3480;
	s20 =	simm.s32 $0x5480  }
0x21d: {  	[tilespmem:s20], [sflag:$0x1] =	stream.indirect.gather [hbm4b:s5+s15], $0x1, s19, s15, $0xb8;
	[tilespmem:$0x7000] =	vst v63  }
0x21e: {  	s19 =	simm.s32 $0x3500;
	s20 =	simm.s32 $0x5500  }
0x21f: {  	[tilespmem:s20], [sflag:$0x1] =	stream.indirect.gather [hbm4b:s5+s15], $0x1, s19, s15, $0xb8;
	[tilespmem:$0x7000] =	vst v63  }
0x220: {  	s19 =	simm.s32 $0x3580;
	s20 =	simm.s32 $0x5580  }
0x221: {  	[tilespmem:s20], [sflag:$0x1] =	stream.indirect.gather [hbm4b:s5+s15], $0x1, s19, s15, $0xb8;
	[tilespmem:$0x7000] =	vst v63  }
0x222: {  	s19 =	simm.s32 $0x3600;
	s20 =	simm.s32 $0x5600  }
0x223: {  	[tilespmem:s20], [sflag:$0x1] =	stream.indirect.gather [hbm4b:s5+s15], $0x1, s19, s15, $0xb8;
	[tilespmem:$0x7000] =	vst v63  }
0x224: {  	s19 =	simm.s32 $0x3680;
	s20 =	simm.s32 $0x5680  }
0x225: {  	[tilespmem:s20], [sflag:$0x1] =	stream.indirect.gather [hbm4b:s5+s15], $0x1, s19, s15, $0xb8;
	[tilespmem:$0x7000] =	vst v63  }
0x226: {  	s19 =	simm.s32 $0x3700;
	s20 =	simm.s32 $0x5700  }
0x227: {  	[tilespmem:s20], [sflag:$0x1] =	stream.indirect.gather [hbm4b:s5+s15], $0x1, s19, s15, $0xb8;
	[tilespmem:$0x7000] =	vst v63  }
0x228: {  	s19 =	simm.s32 $0x3780;
	s20 =	simm.s32 $0x5780  }
0x229: {  	[tilespmem:s20], [sflag:$0x1] =	stream.indirect.gather [hbm4b:s5+s15], $0x1, s19, s15, $0xb8;
	[tilespmem:$0x7000] =	vst v63  }
0x22a: {  	s19 =	simm.s32 $0x3800;
	s20 =	simm.s32 $0x5800  }
0x22b: {  	[tilespmem:s20], [sflag:$0x1] =	stream.indirect.gather [hbm4b:s5+s15], $0x1, s19, s15, $0xb8;
	[tilespmem:$0x7000] =	vst v63  }
0x22c: {  	s19 =	simm.s32 $0x3880;
	s20 =	simm.s32 $0x5880  }
0x22d: {  	[tilespmem:s20], [sflag:$0x1] =	stream.indirect.gather [hbm4b:s5+s15], $0x1, s19, s15, $0xb8;
	[tilespmem:$0x7000] =	vst v63  }
0x22e: {  	s19 =	simm.s32 $0x3900;
	s20 =	simm.s32 $0x5900  }
0x22f: {  	[tilespmem:s20], [sflag:$0x1] =	stream.indirect.gather [hbm4b:s5+s15], $0x1, s19, s15, $0xb8;
	[tilespmem:$0x7000] =	vst v63  }
0x230: {  	s19 =	simm.s32 $0x3980;
	s20 =	simm.s32 $0x5980  }
0x231: {  	[tilespmem:s20], [sflag:$0x1] =	stream.indirect.gather [hbm4b:s5+s15], $0x1, s19, s15, $0xb8;
	[tilespmem:$0x7000] =	vst v63  }
0x232: {  	s19 =	simm.s32 $0x3A00;
	s20 =	simm.s32 $0x5A00  }
0x233: {  	[tilespmem:s20], [sflag:$0x1] =	stream.indirect.gather [hbm4b:s5+s15], $0x1, s19, s15, $0xb8;
	[tilespmem:$0x7000] =	vst v63  }
0x234: {  	s19 =	simm.s32 $0x3A80;
	s20 =	simm.s32 $0x5A80  }
0x235: {  	[tilespmem:s20], [sflag:$0x1] =	stream.indirect.gather [hbm4b:s5+s15], $0x1, s19, s15, $0xb8;
	[tilespmem:$0x7000] =	vst v63  }
0x236: {  	s19 =	simm.s32 $0x3B00;
	s20 =	simm.s32 $0x5B00  }
0x237: {  	[tilespmem:s20], [sflag:$0x1] =	stream.indirect.gather [hbm4b:s5+s15], $0x1, s19, s15, $0xb8;
	[tilespmem:$0x7000] =	vst v63  }
0x238: {  	s19 =	simm.s32 $0x3B80;
	s20 =	simm.s32 $0x5B80  }
0x239: {  	[tilespmem:s20], [sflag:$0x1] =	stream.indirect.gather [hbm4b:s5+s15], $0x1, s19, s15, $0xb8;
	[tilespmem:$0x7000] =	vst v63  }
0x23a: {  	s19 =	simm.s32 $0x3C00;
	s20 =	simm.s32 $0x5C00  }
0x23b: {  	[tilespmem:s20], [sflag:$0x1] =	stream.indirect.gather [hbm4b:s5+s15], $0x1, s19, s15, $0xb8;
	[tilespmem:$0x7000] =	vst v63  }
0x23c: {  	_ = 	snop  }
0x23d: {  	[tilespmem:s22], [sflag:$0x1] =	stream.indirect.gather [hbm4b:s5+s15], $0x1, s21, s15, $0xb8;
	[tilespmem:$0x7000] =	vst v63  }
0x23e: {  	_ = 	snop  }
0x23f: {  	[tilespmem:s24], [sflag:$0x1] =	stream.indirect.gather [hbm4b:s5+s15], $0x1, s23, s15, $0xb8;
	[tilespmem:$0x7000] =	vst v63  }
0x240: {  	_ = 	snop  }
0x241: {  	[tilespmem:s26], [sflag:$0x1] =	stream.indirect.gather [hbm4b:s5+s15], $0x1, s25, s15, $0xb8;
	[tilespmem:$0x7000] =	vst v63  }
0x242: {  	_ = 	snop  }
0x243: {  	[tilespmem:s29], [sflag:$0x1] =	stream.indirect.gather [hbm4b:s5+s15], $0x1, s28, s15, $0xb8;
	[tilespmem:$0x7000] =	vst v63  }
0x244: {  	_ = 	snop  }
0x245: {  	[tilespmem:s31], [sflag:$0x1] =	stream.indirect.gather [hbm4b:s5+s15], $0x1, s30, s15, $0xb8;
	[tilespmem:$0x7000] =	vst v63  }
0x246: {  	_ = 	snop  }
0x247: {  	[tilespmem:s2], [sflag:$0x1] =	stream.indirect.gather [hbm4b:s5+s15], $0x1, s0, s15, $0xb8;
	[tilespmem:$0x7000] =	vst v63  }
0x248: {  	_ = 	snop  }
0x249: {  	[tilespmem:s13], [sflag:$0x1] =	stream.indirect.gather [hbm4b:s5+s15], $0x1, s1, s15, $0xb8;
	[tilespmem:$0x7000] =	vst v63  }
0x24a: {  	_ = 	snop  }
0x24b: {  	[tilespmem:s6], [sflag:$0x1] =	stream.indirect.gather [hbm4b:s5+s15], $0x1, s14, s15, $0xb8;
	[tilespmem:$0x7000] =	vst v63  }
0x24c: {  	_ = 	snop  }
0x24d: {  	[tilespmem:s8], [sflag:$0x1] =	stream.indirect.gather [hbm4b:s5+s15], $0x1, s7, s15, $0xb8;
	[tilespmem:$0x7000] =	vst v63  }
0x24e: {  	_ = 	snop  }
0x24f: {  	[tilespmem:s4], [sflag:$0x1] =	stream.indirect.gather [hbm4b:s5+s15], $0x1, s10, s15, $0xb8;
	[tilespmem:$0x7000] =	vst v63  }
0x250: {  	_ = 	snop  }
0x251: {  	[tilespmem:s12], [sflag:$0x1] =	stream.indirect.gather [hbm4b:s5+s15], $0x1, s3, s15, $0xb8;
	[tilespmem:$0x7000] =	vst v63  }
0x252: {  	_ =	swait.ge [sflag:s11], $0xE00  }
0x253: {  	[sflag:s11] =	ssyncset.done $0x0  }
0x254: {  	[sflag:s11] =	ssyncadd.s32 $0xFFFFF200  }
0x255: {  	s19 =	simm.s32 $0x0;
	v7 =	vld [tilespmem:s17+$0x0]  }
0x256: {  	v8 =	vld [tilespmem:s19+$0x6200]  }
0x257: {  	v9 =	vld [tilespmem:s19+$0x6210]  }
0x258: {  	v12 =	vld [tilespmem:s19+$0x6220]  }
0x259: {  	v13 =	vld [tilespmem:s19+$0x6230]  }
0x25a: {  	v10 =	vld [tilespmem:s19+$0x2600];
	v7 =	vperm.xlane v7, v3  }
0x25b: {  	v14 =	vld [tilespmem:s19+$0x2610]  }
0x25c: {  	v15 =	vld [tilespmem:s19+$0x2620];
	v7 =	vmax.f32 v7, $0.0e+00  }
0x25d: {  	s18 =	simm.s32 $0x40;
	v16 =	vld [tilespmem:s19+$0x2630];
	v17 =	vmul.f32 v8, v7  }
0x25e: {  	v11 =	vld [tilespmem:s18+$0x6200];
	v18 =	vmul.f32 v9, v7  }
0x25f: {  	v8 =	vld [tilespmem:s18+$0x6210];
	v63 =	vmul.f32 v12, v7;
	v17 =	vadd.f32 v17, v10  }
0x260: {  	v9 =	vld [tilespmem:s18+$0x6230];
	v19 =	vmul.f32 v13, v7;
	v14 =	vadd.f32 v18, v14  }
0x261: {  	v10 =	vld [tilespmem:s18+$0x6220];
	v13 =	vadd.f32 v63, v15;
	[tilespmem:s19+$0x2600] =	vst v17  }
0x262: {  	s20 =	simm.s32 $0x200;
	v12 =	vld [tilespmem:s18+$0x2600];
	[tilespmem:s19+$0x2610] =	vst v14;
	v14 =	vadd.f32 v19, v16  }
.LBB2_21:
0x263: {  	p0 =	sne.s32 s20, $0x3700;
	v15 =	vld [tilespmem:s18+$0x2610];
	[tilespmem:s19+$0x2620] =	vst v13  }
0x264: {  	v13 =	vld [tilespmem:s18+$0x2620];
	[tilespmem:s19+$0x2630] =	vst v14;
	s19 =	smov.u32 s18  }
0x265: {  	s18 =	sshra.s32 s20, $0x2;
	v14 =	vmul.f32 v11, v7;
	v16 =	vld [tilespmem:s19+$0x2630]  }
.Ltmp9:
0x266: {  	v17 =	vmul.f32 v8, v7;
	v11 =	vld [tilespmem:s18+$0x6200];
	(pc) =	sbr.rel @p0 .LBB2_21-.Ltmp9, $4  }
0x267: {  	v8 =	vld [tilespmem:s18+$0x6210];
	v12 =	vadd.f32 v14, v12;
	v14 =	vmul.f32 v10, v7  }
0x268: {  	v10 =	vld [tilespmem:s18+$0x6220];
	v15 =	vadd.f32 v17, v15;
	v17 =	vmul.f32 v9, v7  }
0x269: {  	v9 =	vld [tilespmem:s18+$0x6230];
	[tilespmem:s19+$0x2600] =	vst v12;
	v13 =	vadd.f32 v14, v13  }
0x26a: {  	s20 =	sadd.s32 $0x100, s20;
	v12 =	vld [tilespmem:s18+$0x2600];
	[tilespmem:s19+$0x2610] =	vst v15;
	v14 =	vadd.f32 v17, v16  }
0x26b: {  	v15 =	vld [tilespmem:s18+$0x2610];
	[tilespmem:s19+$0x2620] =	vst v13  }
0x26c: {  	v13 =	vld [tilespmem:s18+$0x2620];
	[tilespmem:s19+$0x2630] =	vst v14  }
0x26d: {  	v11 =	vmul.f32 v11, v7;
	v14 =	vld [tilespmem:s18+$0x2630]  }
0x26e: {  	v8 =	vmul.f32 v8, v7  }
0x26f: {  	v10 =	vmul.f32 v10, v7;
	v11 =	vadd.f32 v11, v12  }
0x270: {  	v7 =	vmul.f32 v9, v7;
	v8 =	vadd.f32 v8, v15  }
0x271: {  	[tilespmem:s18+$0x2600] =	vst v11;
	v9 =	vadd.f32 v10, v13  }
0x272: {  	[tilespmem:s18+$0x2610] =	vst v8;
	v7 =	vadd.f32 v7, v14  }
0x273: {  	[tilespmem:s18+$0x2620] =	vst v9  }
0x274: {  	[tilespmem:s18+$0x2630] =	vst v7  }
0x275: {  	v7 =	vld [tilespmem:s17+$0x400]  }
0x276: {  	s18 =	simm.s32 $0x0  }
0x277: {  	v9 =	vld [tilespmem:s18+$0x870]  }
0x278: {  	v12 =	vld [tilespmem:s18+$0x800]  }
0x279: {  	v13 =	vld [tilespmem:s18+$0x810]  }
0x27a: {  	v11 =	vld [tilespmem:s18+$0x820];
	v7 =	vperm.xlane v7, v5  }
0x27b: {  	v10 =	vld [tilespmem:s18+$0x830]  }
0x27c: {  	v8 =	vld [tilespmem:s18+$0x840];
	v14 =	vadd.s32 v7, v9  }
0x27d: {  	v9 =	vld [tilespmem:s18+$0x850];
	v12 =	vadd.s32 v7, v12;
	[tilespmem:s18+$0x4470] =	vst v14  }
0x27e: {  	s20 =	simm.s32 $0x400;
	s19 =	simm.s32 $0x80;
	v13 =	vadd.s32 v7, v13;
	[tilespmem:s18+$0x4400] =	vst v12;
	v12 =	vld [tilespmem:s18+$0x860]  }
.LBB2_23:
0x27f: {  	p0 =	sne.s32 s20, $0x3600;
	v14 =	vld [tilespmem:s19+$0x870];
	[tilespmem:s18+$0x4410] =	vst v13;
	v11 =	vadd.s32 v7, v11  }
0x280: {  	v13 =	vld [tilespmem:s19+$0x800];
	[tilespmem:s18+$0x4420] =	vst v11;
	v10 =	vadd.s32 v7, v10  }
0x281: {  	v15 =	vld [tilespmem:s19+$0x810];
	[tilespmem:s18+$0x4430] =	vst v10;
	v8 =	vadd.s32 v7, v8  }
.Ltmp10:
0x282: {  	v11 =	vld [tilespmem:s19+$0x820];
	[tilespmem:s18+$0x4440] =	vst v8;
	v8 =	vadd.s32 v7, v9;
	(pc) =	sbr.rel @p0 .LBB2_23-.Ltmp10, $4  }
0x283: {  	v10 =	vld [tilespmem:s19+$0x830];
	[tilespmem:s18+$0x4450] =	vst v8;
	v9 =	vadd.s32 v7, v12  }
0x284: {  	v8 =	vld [tilespmem:s19+$0x840];
	v12 =	vadd.s32 v7, v14;
	[tilespmem:s18+$0x4460] =	vst v9;
	s18 =	smov.u32 s19  }
0x285: {  	v13 =	vadd.s32 v7, v13;
	v9 =	vld [tilespmem:s18+$0x850];
	[tilespmem:s18+$0x4470] =	vst v12  }
0x286: {  	s19 =	sshra.s32 s20, $0x2;
	s20 =	sadd.s32 $0x200, s20;
	[tilespmem:s18+$0x4400] =	vst v13;
	v13 =	vadd.s32 v7, v15;
	v12 =	vld [tilespmem:s18+$0x860]  }
0x287: {  	v14 =	vld [tilespmem:s19+$0x870];
	[tilespmem:s18+$0x4410] =	vst v13;
	v11 =	vadd.s32 v7, v11  }
0x288: {  	v13 =	vld [tilespmem:s19+$0x800];
	[tilespmem:s18+$0x4420] =	vst v11;
	v10 =	vadd.s32 v7, v10  }
0x289: {  	v11 =	vld [tilespmem:s19+$0x810];
	[tilespmem:s18+$0x4430] =	vst v10;
	v8 =	vadd.s32 v7, v8  }
0x28a: {  	v10 =	vld [tilespmem:s19+$0x820];
	[tilespmem:s18+$0x4440] =	vst v8;
	v8 =	vadd.s32 v7, v9  }
0x28b: {  	v9 =	vld [tilespmem:s19+$0x830];
	[tilespmem:s18+$0x4450] =	vst v8;
	v8 =	vadd.s32 v7, v12  }
0x28c: {  	v12 =	vld [tilespmem:s19+$0x840];
	[tilespmem:s18+$0x4460] =	vst v8;
	v8 =	vadd.s32 v7, v14  }
0x28d: {  	v14 =	vld [tilespmem:s19+$0x850];
	v13 =	vadd.s32 v7, v13;
	[tilespmem:s19+$0x4470] =	vst v8  }
0x28e: {  	[tilespmem:s19+$0x4400] =	vst v13;
	v8 =	vadd.s32 v7, v11;
	v11 =	vld [tilespmem:s19+$0x860]  }
0x28f: {  	[tilespmem:s19+$0x4410] =	vst v8;
	v8 =	vadd.s32 v7, v10  }
0x290: {  	[tilespmem:s19+$0x4420] =	vst v8;
	v8 =	vadd.s32 v7, v9  }
0x291: {  	[tilespmem:s19+$0x4430] =	vst v8;
	v8 =	vadd.s32 v7, v12  }
0x292: {  	[tilespmem:s19+$0x4440] =	vst v8;
	v8 =	vadd.s32 v7, v14  }
0x293: {  	[tilespmem:s19+$0x4450] =	vst v8;
	v7 =	vadd.s32 v7, v11  }
0x294: {  	s20 =	simm.s32 $0x6200;
	[tilespmem:s19+$0x4460] =	vst v7;
	s19 =	simm.s32 $0x4400  }
0x295: {  	[tilespmem:s20], [sflag:$0x2] =	stream.indirect.gather [hbm4b:s5+s15], $0x1, s19, s15, $0xb8;
	[tilespmem:$0x7000] =	vst v63  }
0x296: {  	s19 =	simm.s32 $0x4480;
	s20 =	simm.s32 $0x6280  }
0x297: {  	[tilespmem:s20], [sflag:$0x2] =	stream.indirect.gather [hbm4b:s5+s15], $0x1, s19, s15, $0xb8;
	[tilespmem:$0x7000] =	vst v63  }
0x298: {  	s19 =	simm.s32 $0x4500;
	s20 =	simm.s32 $0x6300  }
0x299: {  	[tilespmem:s20], [sflag:$0x2] =	stream.indirect.gather [hbm4b:s5+s15], $0x1, s19, s15, $0xb8;
	[tilespmem:$0x7000] =	vst v63  }
0x29a: {  	s19 =	simm.s32 $0x4580;
	s20 =	simm.s32 $0x6380  }
0x29b: {  	[tilespmem:s20], [sflag:$0x2] =	stream.indirect.gather [hbm4b:s5+s15], $0x1, s19, s15, $0xb8;
	[tilespmem:$0x7000] =	vst v63  }
0x29c: {  	s19 =	simm.s32 $0x4600;
	s20 =	simm.s32 $0x6400  }
0x29d: {  	[tilespmem:s20], [sflag:$0x2] =	stream.indirect.gather [hbm4b:s5+s15], $0x1, s19, s15, $0xb8;
	[tilespmem:$0x7000] =	vst v63  }
0x29e: {  	s19 =	simm.s32 $0x4680;
	s20 =	simm.s32 $0x6480  }
0x29f: {  	[tilespmem:s20], [sflag:$0x2] =	stream.indirect.gather [hbm4b:s5+s15], $0x1, s19, s15, $0xb8;
	[tilespmem:$0x7000] =	vst v63  }
0x2a0: {  	s19 =	simm.s32 $0x4700;
	s20 =	simm.s32 $0x6500  }
0x2a1: {  	[tilespmem:s20], [sflag:$0x2] =	stream.indirect.gather [hbm4b:s5+s15], $0x1, s19, s15, $0xb8;
	[tilespmem:$0x7000] =	vst v63  }
0x2a2: {  	s19 =	simm.s32 $0x4780;
	s20 =	simm.s32 $0x6580  }
0x2a3: {  	[tilespmem:s20], [sflag:$0x2] =	stream.indirect.gather [hbm4b:s5+s15], $0x1, s19, s15, $0xb8;
	[tilespmem:$0x7000] =	vst v63  }
0x2a4: {  	s19 =	simm.s32 $0x4800;
	s20 =	simm.s32 $0x6600  }
0x2a5: {  	[tilespmem:s20], [sflag:$0x2] =	stream.indirect.gather [hbm4b:s5+s15], $0x1, s19, s15, $0xb8;
	[tilespmem:$0x7000] =	vst v63  }
0x2a6: {  	s19 =	simm.s32 $0x4880;
	s20 =	simm.s32 $0x6680  }
0x2a7: {  	[tilespmem:s20], [sflag:$0x2] =	stream.indirect.gather [hbm4b:s5+s15], $0x1, s19, s15, $0xb8;
	[tilespmem:$0x7000] =	vst v63  }
0x2a8: {  	s19 =	simm.s32 $0x4900;
	s20 =	simm.s32 $0x6700  }
0x2a9: {  	[tilespmem:s20], [sflag:$0x2] =	stream.indirect.gather [hbm4b:s5+s15], $0x1, s19, s15, $0xb8;
	[tilespmem:$0x7000] =	vst v63  }
0x2aa: {  	s19 =	simm.s32 $0x4980;
	s20 =	simm.s32 $0x6780  }
0x2ab: {  	[tilespmem:s20], [sflag:$0x2] =	stream.indirect.gather [hbm4b:s5+s15], $0x1, s19, s15, $0xb8;
	[tilespmem:$0x7000] =	vst v63  }
0x2ac: {  	s19 =	simm.s32 $0x4A00;
	s20 =	simm.s32 $0x6800  }
0x2ad: {  	[tilespmem:s20], [sflag:$0x2] =	stream.indirect.gather [hbm4b:s5+s15], $0x1, s19, s15, $0xb8;
	[tilespmem:$0x7000] =	vst v63  }
0x2ae: {  	s19 =	simm.s32 $0x4A80;
	s20 =	simm.s32 $0x6880  }
0x2af: {  	[tilespmem:s20], [sflag:$0x2] =	stream.indirect.gather [hbm4b:s5+s15], $0x1, s19, s15, $0xb8;
	[tilespmem:$0x7000] =	vst v63  }
0x2b0: {  	s19 =	simm.s32 $0x4B00;
	s20 =	simm.s32 $0x6900  }
0x2b1: {  	[tilespmem:s20], [sflag:$0x2] =	stream.indirect.gather [hbm4b:s5+s15], $0x1, s19, s15, $0xb8;
	[tilespmem:$0x7000] =	vst v63  }
0x2b2: {  	s19 =	simm.s32 $0x4B80;
	s20 =	simm.s32 $0x6980  }
0x2b3: {  	[tilespmem:s20], [sflag:$0x2] =	stream.indirect.gather [hbm4b:s5+s15], $0x1, s19, s15, $0xb8;
	[tilespmem:$0x7000] =	vst v63  }
0x2b4: {  	s19 =	simm.s32 $0x4C00;
	s20 =	simm.s32 $0x6A00  }
0x2b5: {  	[tilespmem:s20], [sflag:$0x2] =	stream.indirect.gather [hbm4b:s5+s15], $0x1, s19, s15, $0xb8;
	[tilespmem:$0x7000] =	vst v63  }
0x2b6: {  	s19 =	simm.s32 $0x4C80;
	s20 =	simm.s32 $0x6A80  }
0x2b7: {  	[tilespmem:s20], [sflag:$0x2] =	stream.indirect.gather [hbm4b:s5+s15], $0x1, s19, s15, $0xb8;
	[tilespmem:$0x7000] =	vst v63  }
0x2b8: {  	s19 =	simm.s32 $0x4D00;
	s20 =	simm.s32 $0x6B00  }
0x2b9: {  	[tilespmem:s20], [sflag:$0x2] =	stream.indirect.gather [hbm4b:s5+s15], $0x1, s19, s15, $0xb8;
	[tilespmem:$0x7000] =	vst v63  }
0x2ba: {  	s19 =	simm.s32 $0x4D80;
	s20 =	simm.s32 $0x6B80  }
0x2bb: {  	[tilespmem:s20], [sflag:$0x2] =	stream.indirect.gather [hbm4b:s5+s15], $0x1, s19, s15, $0xb8;
	[tilespmem:$0x7000] =	vst v63  }
0x2bc: {  	s19 =	simm.s32 $0x4E00;
	s20 =	simm.s32 $0x6C00  }
0x2bd: {  	[tilespmem:s20], [sflag:$0x2] =	stream.indirect.gather [hbm4b:s5+s15], $0x1, s19, s15, $0xb8;
	[tilespmem:$0x7000] =	vst v63  }
0x2be: {  	s19 =	simm.s32 $0x4E80;
	s20 =	simm.s32 $0x6C80  }
0x2bf: {  	[tilespmem:s20], [sflag:$0x2] =	stream.indirect.gather [hbm4b:s5+s15], $0x1, s19, s15, $0xb8;
	[tilespmem:$0x7000] =	vst v63  }
0x2c0: {  	s19 =	simm.s32 $0x4F00;
	s20 =	simm.s32 $0x6D00  }
0x2c1: {  	[tilespmem:s20], [sflag:$0x2] =	stream.indirect.gather [hbm4b:s5+s15], $0x1, s19, s15, $0xb8;
	[tilespmem:$0x7000] =	vst v63  }
0x2c2: {  	s19 =	simm.s32 $0x4F80;
	s20 =	simm.s32 $0x6D80  }
0x2c3: {  	[tilespmem:s20], [sflag:$0x2] =	stream.indirect.gather [hbm4b:s5+s15], $0x1, s19, s15, $0xb8;
	[tilespmem:$0x7000] =	vst v63  }
0x2c4: {  	s19 =	simm.s32 $0x5000;
	s20 =	simm.s32 $0x6E00  }
0x2c5: {  	[tilespmem:s20], [sflag:$0x2] =	stream.indirect.gather [hbm4b:s5+s15], $0x1, s19, s15, $0xb8;
	[tilespmem:$0x7000] =	vst v63  }
0x2c6: {  	s19 =	simm.s32 $0x5080;
	s20 =	simm.s32 $0x6E80  }
0x2c7: {  	[tilespmem:s20], [sflag:$0x2] =	stream.indirect.gather [hbm4b:s5+s15], $0x1, s19, s15, $0xb8;
	[tilespmem:$0x7000] =	vst v63  }
0x2c8: {  	s19 =	simm.s32 $0x5100;
	s20 =	simm.s32 $0x6F00  }
0x2c9: {  	[tilespmem:s20], [sflag:$0x2] =	stream.indirect.gather [hbm4b:s5+s15], $0x1, s19, s15, $0xb8;
	[tilespmem:$0x7000] =	vst v63  }
0x2ca: {  	s19 =	simm.s32 $0x5180;
	s20 =	simm.s32 $0x6F80  }
0x2cb: {  	[tilespmem:s20], [sflag:$0x2] =	stream.indirect.gather [hbm4b:s5+s15], $0x1, s19, s15, $0xb8;
	[tilespmem:$0x7000] =	vst v63  }
0x2cc: {  	_ =	swait.ge [sflag:s9], $0xE00  }
0x2cd: {  	[sflag:s9] =	ssyncset.done $0x0  }
0x2ce: {  	[sflag:s9] =	ssyncadd.s32 $0xFFFFF200  }
0x2cf: {  	s19 =	simm.s32 $0x0;
	v7 =	vld [tilespmem:s17+$0x0]  }
0x2d0: {  	v8 =	vld [tilespmem:s19+$0x5400]  }
0x2d1: {  	v9 =	vld [tilespmem:s19+$0x5410]  }
0x2d2: {  	v12 =	vld [tilespmem:s19+$0x5420]  }
0x2d3: {  	v13 =	vld [tilespmem:s19+$0x5430]  }
0x2d4: {  	v10 =	vld [tilespmem:s19+$0x2600];
	v7 =	vperm.xlane v7, v4  }
0x2d5: {  	v14 =	vld [tilespmem:s19+$0x2610]  }
0x2d6: {  	v15 =	vld [tilespmem:s19+$0x2620];
	v7 =	vmax.f32 v7, $0.0e+00  }
0x2d7: {  	s18 =	simm.s32 $0x40;
	v16 =	vld [tilespmem:s19+$0x2630];
	v17 =	vmul.f32 v8, v7  }
0x2d8: {  	v11 =	vld [tilespmem:s18+$0x5400];
	v18 =	vmul.f32 v9, v7  }
0x2d9: {  	v8 =	vld [tilespmem:s18+$0x5410];
	v63 =	vmul.f32 v12, v7;
	v17 =	vadd.f32 v17, v10  }
0x2da: {  	v9 =	vld [tilespmem:s18+$0x5430];
	v19 =	vmul.f32 v13, v7;
	v14 =	vadd.f32 v18, v14  }
0x2db: {  	v10 =	vld [tilespmem:s18+$0x5420];
	v13 =	vadd.f32 v63, v15;
	[tilespmem:s19+$0x2600] =	vst v17  }
0x2dc: {  	s20 =	simm.s32 $0x200;
	v12 =	vld [tilespmem:s18+$0x2600];
	[tilespmem:s19+$0x2610] =	vst v14;
	v14 =	vadd.f32 v19, v16  }
.LBB2_25:
0x2dd: {  	p0 =	sne.s32 s20, $0x3700;
	v15 =	vld [tilespmem:s18+$0x2610];
	[tilespmem:s19+$0x2620] =	vst v13  }
0x2de: {  	v13 =	vld [tilespmem:s18+$0x2620];
	[tilespmem:s19+$0x2630] =	vst v14;
	s19 =	smov.u32 s18  }
0x2df: {  	s18 =	sshra.s32 s20, $0x2;
	v14 =	vmul.f32 v11, v7;
	v16 =	vld [tilespmem:s19+$0x2630]  }
.Ltmp11:
0x2e0: {  	v17 =	vmul.f32 v8, v7;
	v11 =	vld [tilespmem:s18+$0x5400];
	(pc) =	sbr.rel @p0 .LBB2_25-.Ltmp11, $4  }
0x2e1: {  	v8 =	vld [tilespmem:s18+$0x5410];
	v12 =	vadd.f32 v14, v12;
	v14 =	vmul.f32 v10, v7  }
0x2e2: {  	v10 =	vld [tilespmem:s18+$0x5420];
	v15 =	vadd.f32 v17, v15;
	v17 =	vmul.f32 v9, v7  }
0x2e3: {  	v9 =	vld [tilespmem:s18+$0x5430];
	[tilespmem:s19+$0x2600] =	vst v12;
	v13 =	vadd.f32 v14, v13  }
0x2e4: {  	s20 =	sadd.s32 $0x100, s20;
	v12 =	vld [tilespmem:s18+$0x2600];
	[tilespmem:s19+$0x2610] =	vst v15;
	v14 =	vadd.f32 v17, v16  }
0x2e5: {  	v15 =	vld [tilespmem:s18+$0x2610];
	[tilespmem:s19+$0x2620] =	vst v13  }
0x2e6: {  	v13 =	vld [tilespmem:s18+$0x2620];
	[tilespmem:s19+$0x2630] =	vst v14  }
0x2e7: {  	v11 =	vmul.f32 v11, v7;
	v14 =	vld [tilespmem:s18+$0x2630]  }
0x2e8: {  	v8 =	vmul.f32 v8, v7  }
0x2e9: {  	v10 =	vmul.f32 v10, v7;
	v11 =	vadd.f32 v11, v12  }
0x2ea: {  	v7 =	vmul.f32 v9, v7;
	v8 =	vadd.f32 v8, v15  }
0x2eb: {  	[tilespmem:s18+$0x2600] =	vst v11;
	v9 =	vadd.f32 v10, v13  }
0x2ec: {  	[tilespmem:s18+$0x2610] =	vst v8;
	v7 =	vadd.f32 v7, v14  }
0x2ed: {  	[tilespmem:s18+$0x2620] =	vst v9  }
0x2ee: {  	[tilespmem:s18+$0x2630] =	vst v7  }
0x2ef: {  	v7 =	vld [tilespmem:s17+$0x400]  }
0x2f0: {  	s18 =	simm.s32 $0x0  }
0x2f1: {  	v9 =	vld [tilespmem:s18+$0x870]  }
0x2f2: {  	v12 =	vld [tilespmem:s18+$0x800]  }
0x2f3: {  	v13 =	vld [tilespmem:s18+$0x810]  }
0x2f4: {  	v11 =	vld [tilespmem:s18+$0x820];
	v7 =	vperm.xlane v7, v6  }
0x2f5: {  	v10 =	vld [tilespmem:s18+$0x830]  }
0x2f6: {  	v8 =	vld [tilespmem:s18+$0x840];
	v14 =	vadd.s32 v7, v9  }
0x2f7: {  	v9 =	vld [tilespmem:s18+$0x850];
	v12 =	vadd.s32 v7, v12;
	[tilespmem:s18+$0x3470] =	vst v14  }
0x2f8: {  	s20 =	simm.s32 $0x400;
	s19 =	simm.s32 $0x80;
	v13 =	vadd.s32 v7, v13;
	[tilespmem:s18+$0x3400] =	vst v12;
	v12 =	vld [tilespmem:s18+$0x860]  }
.LBB2_27:
0x2f9: {  	p0 =	sne.s32 s20, $0x3600;
	v14 =	vld [tilespmem:s19+$0x870];
	[tilespmem:s18+$0x3410] =	vst v13;
	v11 =	vadd.s32 v7, v11  }
0x2fa: {  	v13 =	vld [tilespmem:s19+$0x800];
	[tilespmem:s18+$0x3420] =	vst v11;
	v10 =	vadd.s32 v7, v10  }
0x2fb: {  	v15 =	vld [tilespmem:s19+$0x810];
	[tilespmem:s18+$0x3430] =	vst v10;
	v8 =	vadd.s32 v7, v8  }
.Ltmp12:
0x2fc: {  	v11 =	vld [tilespmem:s19+$0x820];
	[tilespmem:s18+$0x3440] =	vst v8;
	v8 =	vadd.s32 v7, v9;
	(pc) =	sbr.rel @p0 .LBB2_27-.Ltmp12, $4  }
0x2fd: {  	v10 =	vld [tilespmem:s19+$0x830];
	[tilespmem:s18+$0x3450] =	vst v8;
	v9 =	vadd.s32 v7, v12  }
0x2fe: {  	v8 =	vld [tilespmem:s19+$0x840];
	v12 =	vadd.s32 v7, v14;
	[tilespmem:s18+$0x3460] =	vst v9;
	s18 =	smov.u32 s19  }
0x2ff: {  	v13 =	vadd.s32 v7, v13;
	v9 =	vld [tilespmem:s18+$0x850];
	[tilespmem:s18+$0x3470] =	vst v12  }
0x300: {  	s19 =	sshra.s32 s20, $0x2;
	s20 =	sadd.s32 $0x200, s20;
	[tilespmem:s18+$0x3400] =	vst v13;
	v13 =	vadd.s32 v7, v15;
	v12 =	vld [tilespmem:s18+$0x860]  }
0x301: {  	v14 =	vld [tilespmem:s19+$0x870];
	[tilespmem:s18+$0x3410] =	vst v13;
	v11 =	vadd.s32 v7, v11  }
0x302: {  	v13 =	vld [tilespmem:s19+$0x800];
	[tilespmem:s18+$0x3420] =	vst v11;
	v10 =	vadd.s32 v7, v10  }
0x303: {  	v11 =	vld [tilespmem:s19+$0x810];
	[tilespmem:s18+$0x3430] =	vst v10;
	v8 =	vadd.s32 v7, v8  }
0x304: {  	v10 =	vld [tilespmem:s19+$0x820];
	[tilespmem:s18+$0x3440] =	vst v8;
	v8 =	vadd.s32 v7, v9  }
0x305: {  	v9 =	vld [tilespmem:s19+$0x830];
	[tilespmem:s18+$0x3450] =	vst v8;
	v8 =	vadd.s32 v7, v12  }
0x306: {  	v12 =	vld [tilespmem:s19+$0x840];
	[tilespmem:s18+$0x3460] =	vst v8;
	v8 =	vadd.s32 v7, v14  }
0x307: {  	v14 =	vld [tilespmem:s19+$0x850];
	v13 =	vadd.s32 v7, v13;
	[tilespmem:s19+$0x3470] =	vst v8  }
0x308: {  	[tilespmem:s19+$0x3400] =	vst v13;
	v8 =	vadd.s32 v7, v11;
	v11 =	vld [tilespmem:s19+$0x860]  }
0x309: {  	[tilespmem:s19+$0x3410] =	vst v8;
	v8 =	vadd.s32 v7, v10  }
0x30a: {  	[tilespmem:s19+$0x3420] =	vst v8;
	v8 =	vadd.s32 v7, v9  }
0x30b: {  	[tilespmem:s19+$0x3430] =	vst v8;
	v8 =	vadd.s32 v7, v12  }
0x30c: {  	[tilespmem:s19+$0x3440] =	vst v8;
	v8 =	vadd.s32 v7, v14  }
0x30d: {  	[tilespmem:s19+$0x3450] =	vst v8;
	v7 =	vadd.s32 v7, v11  }
0x30e: {  	s20 =	simm.s32 $0x5400;
	[tilespmem:s19+$0x3460] =	vst v7;
	s19 =	simm.s32 $0x3400  }
0x30f: {  	[tilespmem:s20], [sflag:$0x1] =	stream.indirect.gather [hbm4b:s5+s15], $0x1, s19, s15, $0xb8;
	[tilespmem:$0x7000] =	vst v63  }
0x310: {  	s19 =	simm.s32 $0x3480;
	s20 =	simm.s32 $0x5480  }
0x311: {  	[tilespmem:s20], [sflag:$0x1] =	stream.indirect.gather [hbm4b:s5+s15], $0x1, s19, s15, $0xb8;
	[tilespmem:$0x7000] =	vst v63  }
0x312: {  	s19 =	simm.s32 $0x3500;
	s20 =	simm.s32 $0x5500  }
0x313: {  	[tilespmem:s20], [sflag:$0x1] =	stream.indirect.gather [hbm4b:s5+s15], $0x1, s19, s15, $0xb8;
	[tilespmem:$0x7000] =	vst v63  }
0x314: {  	s19 =	simm.s32 $0x3580;
	s20 =	simm.s32 $0x5580  }
0x315: {  	[tilespmem:s20], [sflag:$0x1] =	stream.indirect.gather [hbm4b:s5+s15], $0x1, s19, s15, $0xb8;
	[tilespmem:$0x7000] =	vst v63  }
0x316: {  	s19 =	simm.s32 $0x3600;
	s20 =	simm.s32 $0x5600  }
0x317: {  	[tilespmem:s20], [sflag:$0x1] =	stream.indirect.gather [hbm4b:s5+s15], $0x1, s19, s15, $0xb8;
	[tilespmem:$0x7000] =	vst v63  }
0x318: {  	s19 =	simm.s32 $0x3680;
	s20 =	simm.s32 $0x5680  }
0x319: {  	[tilespmem:s20], [sflag:$0x1] =	stream.indirect.gather [hbm4b:s5+s15], $0x1, s19, s15, $0xb8;
	[tilespmem:$0x7000] =	vst v63  }
0x31a: {  	s19 =	simm.s32 $0x3700;
	s20 =	simm.s32 $0x5700  }
0x31b: {  	[tilespmem:s20], [sflag:$0x1] =	stream.indirect.gather [hbm4b:s5+s15], $0x1, s19, s15, $0xb8;
	[tilespmem:$0x7000] =	vst v63  }
0x31c: {  	s19 =	simm.s32 $0x3780;
	s20 =	simm.s32 $0x5780  }
0x31d: {  	[tilespmem:s20], [sflag:$0x1] =	stream.indirect.gather [hbm4b:s5+s15], $0x1, s19, s15, $0xb8;
	[tilespmem:$0x7000] =	vst v63  }
0x31e: {  	s19 =	simm.s32 $0x3800;
	s20 =	simm.s32 $0x5800  }
0x31f: {  	[tilespmem:s20], [sflag:$0x1] =	stream.indirect.gather [hbm4b:s5+s15], $0x1, s19, s15, $0xb8;
	[tilespmem:$0x7000] =	vst v63  }
0x320: {  	s19 =	simm.s32 $0x3880;
	s20 =	simm.s32 $0x5880  }
0x321: {  	[tilespmem:s20], [sflag:$0x1] =	stream.indirect.gather [hbm4b:s5+s15], $0x1, s19, s15, $0xb8;
	[tilespmem:$0x7000] =	vst v63  }
0x322: {  	s19 =	simm.s32 $0x3900;
	s20 =	simm.s32 $0x5900  }
0x323: {  	[tilespmem:s20], [sflag:$0x1] =	stream.indirect.gather [hbm4b:s5+s15], $0x1, s19, s15, $0xb8;
	[tilespmem:$0x7000] =	vst v63  }
0x324: {  	s19 =	simm.s32 $0x3980;
	s20 =	simm.s32 $0x5980  }
0x325: {  	[tilespmem:s20], [sflag:$0x1] =	stream.indirect.gather [hbm4b:s5+s15], $0x1, s19, s15, $0xb8;
	[tilespmem:$0x7000] =	vst v63  }
0x326: {  	s19 =	simm.s32 $0x3A00;
	s20 =	simm.s32 $0x5A00  }
0x327: {  	[tilespmem:s20], [sflag:$0x1] =	stream.indirect.gather [hbm4b:s5+s15], $0x1, s19, s15, $0xb8;
	[tilespmem:$0x7000] =	vst v63  }
0x328: {  	s19 =	simm.s32 $0x3A80;
	s20 =	simm.s32 $0x5A80  }
0x329: {  	[tilespmem:s20], [sflag:$0x1] =	stream.indirect.gather [hbm4b:s5+s15], $0x1, s19, s15, $0xb8;
	[tilespmem:$0x7000] =	vst v63  }
0x32a: {  	s19 =	simm.s32 $0x3B00;
	s20 =	simm.s32 $0x5B00  }
0x32b: {  	[tilespmem:s20], [sflag:$0x1] =	stream.indirect.gather [hbm4b:s5+s15], $0x1, s19, s15, $0xb8;
	[tilespmem:$0x7000] =	vst v63  }
0x32c: {  	s19 =	simm.s32 $0x3B80;
	s20 =	simm.s32 $0x5B80  }
0x32d: {  	[tilespmem:s20], [sflag:$0x1] =	stream.indirect.gather [hbm4b:s5+s15], $0x1, s19, s15, $0xb8;
	[tilespmem:$0x7000] =	vst v63  }
0x32e: {  	s19 =	simm.s32 $0x3C00;
	s20 =	simm.s32 $0x5C00  }
0x32f: {  	[tilespmem:s20], [sflag:$0x1] =	stream.indirect.gather [hbm4b:s5+s15], $0x1, s19, s15, $0xb8;
	[tilespmem:$0x7000] =	vst v63  }
0x330: {  	_ = 	snop  }
0x331: {  	[tilespmem:s22], [sflag:$0x1] =	stream.indirect.gather [hbm4b:s5+s15], $0x1, s21, s15, $0xb8;
	[tilespmem:$0x7000] =	vst v63  }
0x332: {  	_ = 	snop  }
0x333: {  	[tilespmem:s24], [sflag:$0x1] =	stream.indirect.gather [hbm4b:s5+s15], $0x1, s23, s15, $0xb8;
	[tilespmem:$0x7000] =	vst v63  }
0x334: {  	_ = 	snop  }
0x335: {  	[tilespmem:s26], [sflag:$0x1] =	stream.indirect.gather [hbm4b:s5+s15], $0x1, s25, s15, $0xb8;
	[tilespmem:$0x7000] =	vst v63  }
0x336: {  	_ = 	snop  }
0x337: {  	[tilespmem:s29], [sflag:$0x1] =	stream.indirect.gather [hbm4b:s5+s15], $0x1, s28, s15, $0xb8;
	[tilespmem:$0x7000] =	vst v63  }
0x338: {  	_ = 	snop  }
0x339: {  	[tilespmem:s31], [sflag:$0x1] =	stream.indirect.gather [hbm4b:s5+s15], $0x1, s30, s15, $0xb8;
	[tilespmem:$0x7000] =	vst v63  }
0x33a: {  	_ = 	snop  }
0x33b: {  	[tilespmem:s2], [sflag:$0x1] =	stream.indirect.gather [hbm4b:s5+s15], $0x1, s0, s15, $0xb8;
	[tilespmem:$0x7000] =	vst v63  }
0x33c: {  	_ = 	snop  }
0x33d: {  	[tilespmem:s13], [sflag:$0x1] =	stream.indirect.gather [hbm4b:s5+s15], $0x1, s1, s15, $0xb8;
	[tilespmem:$0x7000] =	vst v63  }
0x33e: {  	_ = 	snop  }
0x33f: {  	[tilespmem:s6], [sflag:$0x1] =	stream.indirect.gather [hbm4b:s5+s15], $0x1, s14, s15, $0xb8;
	[tilespmem:$0x7000] =	vst v63  }
0x340: {  	_ = 	snop  }
0x341: {  	[tilespmem:s8], [sflag:$0x1] =	stream.indirect.gather [hbm4b:s5+s15], $0x1, s7, s15, $0xb8;
	[tilespmem:$0x7000] =	vst v63  }
0x342: {  	_ = 	snop  }
0x343: {  	[tilespmem:s4], [sflag:$0x1] =	stream.indirect.gather [hbm4b:s5+s15], $0x1, s10, s15, $0xb8;
	[tilespmem:$0x7000] =	vst v63  }
0x344: {  	_ = 	snop  }
0x345: {  	[tilespmem:s12], [sflag:$0x1] =	stream.indirect.gather [hbm4b:s5+s15], $0x1, s3, s15, $0xb8;
	[tilespmem:$0x7000] =	vst v63  }
0x346: {  	_ =	swait.ge [sflag:s11], $0xE00  }
0x347: {  	[sflag:s11] =	ssyncset.done $0x0  }
0x348: {  	[sflag:s11] =	ssyncadd.s32 $0xFFFFF200  }
0x349: {  	s19 =	simm.s32 $0x0;
	v7 =	vld [tilespmem:s17+$0x0]  }
0x34a: {  	v8 =	vld [tilespmem:s19+$0x6200]  }
0x34b: {  	v9 =	vld [tilespmem:s19+$0x6210]  }
0x34c: {  	v12 =	vld [tilespmem:s19+$0x6220]  }
0x34d: {  	v13 =	vld [tilespmem:s19+$0x6230]  }
0x34e: {  	v10 =	vld [tilespmem:s19+$0x2600];
	v7 =	vperm.xlane v7, v5  }
0x34f: {  	v14 =	vld [tilespmem:s19+$0x2610]  }
0x350: {  	v15 =	vld [tilespmem:s19+$0x2620];
	v7 =	vmax.f32 v7, $0.0e+00  }
0x351: {  	s18 =	simm.s32 $0x40;
	v16 =	vld [tilespmem:s19+$0x2630];
	v17 =	vmul.f32 v8, v7  }
0x352: {  	v11 =	vld [tilespmem:s18+$0x6200];
	v18 =	vmul.f32 v9, v7  }
0x353: {  	v8 =	vld [tilespmem:s18+$0x6210];
	v63 =	vmul.f32 v12, v7;
	v17 =	vadd.f32 v17, v10  }
0x354: {  	v9 =	vld [tilespmem:s18+$0x6230];
	v19 =	vmul.f32 v13, v7;
	v14 =	vadd.f32 v18, v14  }
0x355: {  	v10 =	vld [tilespmem:s18+$0x6220];
	v13 =	vadd.f32 v63, v15;
	[tilespmem:s19+$0x2600] =	vst v17  }
0x356: {  	s20 =	simm.s32 $0x200;
	v12 =	vld [tilespmem:s18+$0x2600];
	[tilespmem:s19+$0x2610] =	vst v14;
	v14 =	vadd.f32 v19, v16  }
.LBB2_29:
0x357: {  	p0 =	sne.s32 s20, $0x3700;
	v15 =	vld [tilespmem:s18+$0x2610];
	[tilespmem:s19+$0x2620] =	vst v13  }
0x358: {  	v13 =	vld [tilespmem:s18+$0x2620];
	[tilespmem:s19+$0x2630] =	vst v14;
	s19 =	smov.u32 s18  }
0x359: {  	s18 =	sshra.s32 s20, $0x2;
	v14 =	vmul.f32 v11, v7;
	v16 =	vld [tilespmem:s19+$0x2630]  }
.Ltmp13:
0x35a: {  	v17 =	vmul.f32 v8, v7;
	v11 =	vld [tilespmem:s18+$0x6200];
	(pc) =	sbr.rel @p0 .LBB2_29-.Ltmp13, $4  }
0x35b: {  	v8 =	vld [tilespmem:s18+$0x6210];
	v12 =	vadd.f32 v14, v12;
	v14 =	vmul.f32 v10, v7  }
0x35c: {  	v10 =	vld [tilespmem:s18+$0x6220];
	v15 =	vadd.f32 v17, v15;
	v17 =	vmul.f32 v9, v7  }
0x35d: {  	v9 =	vld [tilespmem:s18+$0x6230];
	[tilespmem:s19+$0x2600] =	vst v12;
	v13 =	vadd.f32 v14, v13  }
0x35e: {  	s20 =	sadd.s32 $0x100, s20;
	v12 =	vld [tilespmem:s18+$0x2600];
	[tilespmem:s19+$0x2610] =	vst v15;
	v14 =	vadd.f32 v17, v16  }
0x35f: {  	v15 =	vld [tilespmem:s18+$0x2610];
	[tilespmem:s19+$0x2620] =	vst v13  }
0x360: {  	v13 =	vld [tilespmem:s18+$0x2620];
	[tilespmem:s19+$0x2630] =	vst v14  }
0x361: {  	v11 =	vmul.f32 v11, v7;
	v14 =	vld [tilespmem:s18+$0x2630]  }
0x362: {  	v8 =	vmul.f32 v8, v7  }
0x363: {  	v10 =	vmul.f32 v10, v7;
	v11 =	vadd.f32 v11, v12  }
0x364: {  	v7 =	vmul.f32 v9, v7;
	v8 =	vadd.f32 v8, v15  }
0x365: {  	[tilespmem:s18+$0x2600] =	vst v11;
	v9 =	vadd.f32 v10, v13  }
0x366: {  	[tilespmem:s18+$0x2610] =	vst v8;
	v7 =	vadd.f32 v7, v14  }
0x367: {  	[tilespmem:s18+$0x2620] =	vst v9  }
0x368: {  	[tilespmem:s18+$0x2630] =	vst v7  }
0x369: {  	_ =	swait.ge [sflag:s9], $0xE00  }
0x36a: {  	[sflag:s9] =	ssyncset.done $0x0  }
0x36b: {  	[sflag:s9] =	ssyncadd.s32 $0xFFFFF200  }
0x36c: {  	s19 =	simm.s32 $0x0;
	v7 =	vld [tilespmem:s17+$0x0]  }
0x36d: {  	v8 =	vld [tilespmem:s19+$0x5400]  }
0x36e: {  	v9 =	vld [tilespmem:s19+$0x5410]  }
0x36f: {  	v12 =	vld [tilespmem:s19+$0x5420]  }
0x370: {  	v13 =	vld [tilespmem:s19+$0x5430]  }
0x371: {  	v10 =	vld [tilespmem:s19+$0x2600];
	v7 =	vperm.xlane v7, v6  }
0x372: {  	v14 =	vld [tilespmem:s19+$0x2610]  }
0x373: {  	v15 =	vld [tilespmem:s19+$0x2620];
	v7 =	vmax.f32 v7, $0.0e+00  }
0x374: {  	s18 =	simm.s32 $0x40;
	v16 =	vld [tilespmem:s19+$0x2630];
	v17 =	vmul.f32 v8, v7  }
0x375: {  	v11 =	vld [tilespmem:s18+$0x5400];
	v18 =	vmul.f32 v9, v7  }
0x376: {  	v8 =	vld [tilespmem:s18+$0x5410];
	v63 =	vmul.f32 v12, v7;
	v17 =	vadd.f32 v17, v10  }
0x377: {  	v9 =	vld [tilespmem:s18+$0x5430];
	v19 =	vmul.f32 v13, v7;
	v14 =	vadd.f32 v18, v14  }
0x378: {  	v10 =	vld [tilespmem:s18+$0x5420];
	v13 =	vadd.f32 v63, v15;
	[tilespmem:s19+$0x2600] =	vst v17  }
0x379: {  	s20 =	simm.s32 $0x200;
	v12 =	vld [tilespmem:s18+$0x2600];
	[tilespmem:s19+$0x2610] =	vst v14;
	v14 =	vadd.f32 v19, v16  }
.LBB2_31:
0x37a: {  	p0 =	sne.s32 s20, $0x3700;
	v15 =	vld [tilespmem:s18+$0x2610];
	[tilespmem:s19+$0x2620] =	vst v13  }
0x37b: {  	v13 =	vld [tilespmem:s18+$0x2620];
	[tilespmem:s19+$0x2630] =	vst v14;
	s19 =	smov.u32 s18  }
0x37c: {  	s18 =	sshra.s32 s20, $0x2;
	v14 =	vmul.f32 v11, v7;
	v16 =	vld [tilespmem:s19+$0x2630]  }
.Ltmp14:
0x37d: {  	v17 =	vmul.f32 v8, v7;
	v11 =	vld [tilespmem:s18+$0x5400];
	(pc) =	sbr.rel @p0 .LBB2_31-.Ltmp14, $4  }
0x37e: {  	v8 =	vld [tilespmem:s18+$0x5410];
	v12 =	vadd.f32 v14, v12;
	v14 =	vmul.f32 v10, v7  }
0x37f: {  	v10 =	vld [tilespmem:s18+$0x5420];
	v15 =	vadd.f32 v17, v15;
	v17 =	vmul.f32 v9, v7  }
0x380: {  	v9 =	vld [tilespmem:s18+$0x5430];
	[tilespmem:s19+$0x2600] =	vst v12;
	v13 =	vadd.f32 v14, v13  }
0x381: {  	s20 =	sadd.s32 $0x100, s20;
	v12 =	vld [tilespmem:s18+$0x2600];
	[tilespmem:s19+$0x2610] =	vst v15;
	v14 =	vadd.f32 v17, v16  }
0x382: {  	v15 =	vld [tilespmem:s18+$0x2610];
	[tilespmem:s19+$0x2620] =	vst v13  }
0x383: {  	v13 =	vld [tilespmem:s18+$0x2620];
	[tilespmem:s19+$0x2630] =	vst v14  }
0x384: {  	v11 =	vmul.f32 v11, v7;
	v14 =	vld [tilespmem:s18+$0x2630]  }
0x385: {  	v8 =	vmul.f32 v8, v7  }
0x386: {  	v10 =	vmul.f32 v10, v7;
	v11 =	vadd.f32 v11, v12  }
0x387: {  	v7 =	vmul.f32 v9, v7;
	v8 =	vadd.f32 v8, v15  }
0x388: {  	s20 =	rddreg [dreg:$0x7];
	[tilespmem:s18+$0x2600] =	vst v11;
	v63 =	vadd.f32 v10, v13  }
0x389: {  	s16 =	sadd.s32 $0x1, s16;
	s17 =	sadd.s32 s20, s17;
	[tilespmem:s18+$0x2610] =	vst v8;
	v7 =	vadd.f32 v7, v14  }
0x38a: {  	s20 =	rddreg [dreg:$0x2];
	s19 =	simm.s32 $0x400;
	s17 =	sshrl.u32 s17, $0x3;
	[tilespmem:s18+$0x2620] =	vst v63  }
0x38b: {  	p0 =	sne.s32 s16, $0x8;
	s17 =	sadd.s32 s20, s17;
	s20 =	simm.s32 $0x2600;
	[tilespmem:s18+$0x2630] =	vst v7  }
0x38c: {  	[hbm4b:s17+s15] =	stream.strided.scatter [tilespmem:s20], [sflag:$0x3], $0xE00, s19, s15, $0x38;
	[tilespmem:$0x7000] =	vst v63  }
.Ltmp15:
0x38d: {  	_ = 	snop;
	(pc) =	sbr.rel @p0 .LBB2_2-.Ltmp15, $4  }
0x38e: {  	s20 =	simm.s32 $0x3  }
0x38f: {  	_ =	swait.ge [sflag:s20], $0xE00  }
0x390: {  	[sflag:s20] =	ssyncset.done $0x0  }
0x391: {  	[sflag:s20] =	ssyncadd.s32 $0xFFFFF200  }
0x392: {  	s17 =	rddreg [dreg:$0x9]  }
0x393: {  	s16 =	rddreg [dreg:$0x8];
	s17 =	sadd.s32 $0x1, s17  }
0x394: {  	p0 =	sne.s32 s17, s16  }
.Ltmp16:
0x395: {  	_ = 	snop;
	(pc) =	sbr.rel @p0 .LBB2_1-.Ltmp16, $1  }
0x396: {  	_ =	sdelay $0x3  }
0x397: {  	_ =	sfence.sel $0x180000  }
0x398: {  	[bflag:$0x0] =	sbarrier.arrive $0xFFFF  }
0x399: {  	_ =	strace $0x9000004A  }
0x39a: {  	s0 =	stileid.u32;
	[bflag:$0x2] =	sbarrier.arrive $0xFFFF  }
0x39b: {  	p0 =	sne.s32 s0, $0x0;
	s0 =	rddreg [dreg:$0x3]  }
0x39c: {  	s0 =	sadd.s32 @!p0 $0x100000, s0  }
0x39d: {  	[sflag:s0] =	ssyncadd.tile.s32 @!p0 $0x1;
	_ =	shalt  }
.Lfunc_end2:
_tile_overlayer_lowered:
.L_overlay_start_2:
0x39e: {  	(tag) =	ssettag $0x2  }
0x39f: {  	s0 =	rddreg [dreg:$0x0];
	s2 =	stileid.u32  }
0x3a0: {  	s1 =	rddreg [dreg:$0x1];
	p0 =	sne.s32 s2, $0x0  }
0x3a1: {  	s3 =	rddreg [dreg:$0x2];
	[bflag:$0x3] =	sbarrier.arrive $0xFFFF;
	s2 =	simm.s32 @!p0 $0x1C03  }
0x3a2: {  	[timem:s3], [sflag:s2] =	dma.local @!p0 [hbm:s0], s1  }
0x3a3: {  	s0 =	simm.s32 @!p0 $0x3  }
0x3a4: {  	_ =	swait.ge @!p0 [sflag:s0], s1  }
0x3a5: {  	s1 =	ssub.s32 @!p0 $0x0, s1;
	[sflag:s0] =	ssyncset.done @!p0 $0x0  }
0x3a6: {  	[sflag:s0] =	ssyncadd.s32 @!p0 s1  }
0x3a7: {  	[bflag:$0x3] =	sbarrier.arrive $0xFFFF  }
0x3a8: {  	_ =	shalt  }

// kernel: sparse-core-data-format-call.cloned.1.call-start
scs
called_computation_lowered:
.L_overlay_start_0:
0x0: {  	s2 =	sld [smem:$0x3FD9]  }
0x1: {  	s3 =	sld [smem:$0x3FFE];
	_ =	sdelay $0x1  }
0x2: {  	s1 =	srdreg.scid  }
0x3: {  	s0 =	sand.u32 $0x1, s1  }
0x4: {  	s18 =	sshll.u32 s0, $0xA;
	s2 =	sadd.s32 s3, s2  }
0x5: {  	s2 =	sadd.s32 s2, s18  }
0x6: {  	[smem:$0x3FC4] =	sst s2  }
0x7: {  	_ = 	snop  }
0x8: {  	s2 =	sld [smem:$0x3FC8];
	(tm) =	ssettm $0x1  }
0x9: {  	s19 =	sld [smem:$0x3FFB];
	_ =	sdelay $0x3  }
0xa: {  	_ =	strace s19  }
0xb: {  	s3 =	sld [smem:$0x3FFC];
	_ =	sdelay $0x3  }
0xc: {  	_ =	strace s3  }
0xd: {  	s3 =	sld [smem:$0x3FFD];
	_ =	sdelay $0x3  }
0xe: {  	_ =	strace s3  }
0xf: {  	_ =	strace $0x8FFFFFFF  }
0x10: {  	s20 =	sld [smem:$0x3FDB];
	_ =	sdelay $0x1  }
0x11: {  	s4 =	simm.s32 $_scs_section_size  }
0x12: {  	s5 =	simm.s32 $_size__tile_overlayer_lowered;
	s6 =	simm.s32 $_tile_overlayer_lowered  }
0x13: {  	s23 =	simm.s32 $0x1BFF;
	s22 =	sshll.u32 s6, $0x1;
	s3 =	sadd.s32 s4, s20  }
0x14: {  	s7 =	simm.s32 $0x0;
	s21 =	sshll.u32 s5, $0x1;
	s5 =	sadd.s32 s22, s3  }
0x15: {  	[timem:s7], [sflag:s23] =	dma.local [hbm:s5], s21  }
0x16: {  	_ =	swait.ge [sflag:s23], s21  }
0x17: {  	s4 =	ssub.s32 $0x0, s21;
	[sflag:s23] =	ssyncset.done $0x0  }
0x18: {  	[sflag:s23] =	ssyncadd.s32 s4;
	_ =	sdelay $0x1  }
0x19: {  	s24 =	simm.s32 $0x1B8B  }
0x1a: {  	_ =	swait.ge [sflag:s24], $0x1  }
0x1b: {  	[sflag:s24] =	ssyncset.done $0x0  }
0x1c: {  	s26 =	simm.s32 $0x1B8E;
	s25 =	sld [smem:$0x3FFE];
	[sflag:s24] =	ssyncadd.s32 $0xFFFFFFFF  }
0x1d: {  	s27 =	simm.s32 $execute0_lowered;
	[smem:$0x3FD2] =	sst s26  }
0x1e: {  	s5 =	sshll.u32 s27, $0x1;
	_ =	strace $0x80000046;
	[dreg:$0x1] =	wrdreg $0xFFFFFFFF  }
0x1f: {  	s28 =	simm.s32 $_size_execute0_lowered;
	s3 =	sadd.s32 s3, s5;
	[dreg:$0x0] =	wrdreg $0x0  }
0x20: {  	s5 =	sshll.u32 s28, $0x1;
	[dreg:$0x2] =	wrdreg s3  }
0x21: {  	[dreg:$0x3] =	wrdreg s5  }
0x22: {  	[dreg:$0x4] =	wrdreg $0xC0  }
0x23: {  	_ =	task [dreg:s7], $0x5FFFF  }
0x24: {  	[dreg:$0x1] =	wrdreg $0xFFFFFFFF  }
0x25: {  	[dreg:$0x0] =	wrdreg $0x60  }
0x26: {  	[dreg:$0x2] =	wrdreg s2  }
0x27: {  	[dreg:$0x3] =	wrdreg s25  }
0x28: {  	[dreg:$0x4] =	wrdreg $0x9  }
0x29: {  	_ =	task.clear_ibuf [dreg:s7], $0x5FFFF;
	_ =	strace $0x90000046  }
0x2a: {  	s29 =	simm.s32 $0x9;
	_ =	strace $0x80000048  }
0x2b: {  	_ =	swait.ge [sflag:s29], $0x1  }
0x2c: {  	[sflag:s29] =	ssyncadd.s32 $0xFFFFFFFF  }
0x2d: {  	_ =	strace $0x90000048  }
0x2e: {  	_ =	sfence  }
0x2f: {  	s30 =	sld [smem:$0x0];
	_ =	sdelay $0x2  }
0x30: {  	s31 =	sshll.u32 s1, $0xD;
	s1 =	sshrl.u32 s1, $0x2  }
0x31: {  	s3 =	sand.u32 $0x4000, s31;
	s1 =	sadd.s32 s1, s30  }
0x32: {  	s0 =	sor.u32 s3, s0;
	s1 =	sshll.u32 s1, $0x11  }
0x33: {  	s0 =	sor.u32 s1, s0  }
0x34: {  	s0 =	sadd.s32 $0x8F2B, s0  }
0x35: {  	[sflag:s0] =	ssyncadd.remote.s32 $0x1  }
0x36: {  	_ =	sfence.sel $0xFFFF  }
0x37: {  	[dreg:$0x0] =	wrdreg $0xFFFFFFFF;
	(pc) =	sbr.abs _section_cstart, $3  }
0x38: {  	[dreg:$0x1] =	wrdreg $0xFFFFFFFF  }
0x39: {  	_ =	task.clear_ibuf [dreg:s7], $0x2FFFF;
	_ =	strace $0x9FFFFFFF  }
0x3a: {  	(tm) =	ssettm $0x7FFFFFFF  }
0x3b: {  	_ =	shalt  }
tec
execute0_lowered:
.L_overlay_start_1:
0x0: {  	(tag) =	ssettag $0x1  }
0x1: {  	s2 =	rddreg [dreg:$0x0]  }
0x2: {  	s1 =	rddreg [dreg:$0x1]  }
0x3: {  	s0 =	rddreg [dreg:$0x2];
	_ =	strace $0x80000047;
	s4 =	srdreg.scid  }
0x4: {  	s6 =	simm.s32 $0x2;
	s11 =	simm.s32 $0x0;
	p0 =	por $0x0, $0x0  }
.Ltmp0:
0x5: {  	s7 =	simm.s32 $0x10000;
	s12 =	simm.s32 $0x0;
	(pc) =	sbr.rel .LBB1_1-.Ltmp0, $4  }
0x6: {  	s9 =	simm.s32 $0x0;
	s3 =	sadd.s32 $0x1800, s1;
	s5 =	sshll.u32 s4, $0x4  }
0x7: {  	s1 =	stileid.u32;
	s4 =	simm.s32 $0x1;
	s5 =	sand.u32 $0x10, s5  }
0x8: {  	s8 =	simm.s32 $0x0;
	[sflag:s4] =	ssyncpa.u1 $0x0;
	s5 =	sor.u32 s1, s5  }
0x9: {  	[sflag:s6] =	ssyncpa.u1 $0x0;
	s6 =	simm.s32 $0x800;
	s10 =	smov.u32 s5  }
.LBB1_7:
0xa: {  	s13 =	sadd.s32 $0x10, s9  }
0xb: {  	s11 =	sadd.s32 $0x20, s10;
	s15 =	smov.u32 s10;
	p2 =	sgt.s32 s13, $0x1FF  }
0xc: {  	p1 =	slt.u32 s8, $0x2;
	s15 =	smov.u32 @p2 s11  }
0xd: {  	s8 =	sadd.s32 $0x1, s8;
	s13 =	simm.s32 @p2 $0x0;
	p2 =	sgt.s32 s15, $0x1BF  }
0xe: {  	s15 =	smov.u32 @p2 s5;
	p2 =	sne.s32 s8, $0x1C2  }
.Ltmp1:
0xf: {  	_ = 	snop;
	(pc) =	sbr.rel @!p2 .LBB1_8-.Ltmp1, $4  }
0x10: {  	s14 =	simm.s32 @!p1 $0x2  }
0x11: {  	s12 =	smov.u32 s10;
	_ =	swait.ge @!p1 [sflag:s14], $0x4000  }
0x12: {  	p0 =	por !p0, !p0;
	s11 =	smov.u32 s9;
	[sflag:s14] =	ssyncset.done @!p1 $0x0  }
0x13: {  	s9 =	smov.u32 s13;
	[sflag:s14] =	ssyncadd.s32 @!p1 $0xFFFFC000;
	s10 =	smov.u32 s15  }
.LBB1_1:
0x14: {  	p1 =	sgt.u32 s8, $0x1BF  }
0x15: {  	s13 =	sxor.u32 @!p1 $0xFFFFFFFF, s8;
	s14 =	sshll.u32 @!p1 s10, $0x10  }
0x16: {  	s15 =	sshll.u32 @!p1 s9, $0x7;
	s13 =	sshll.u32 @!p1 s13, $0xE;
	s14 =	sadd.s32 @!p1 s2, s14  }
0x17: {  	s13 =	sand.u32 @!p1 $0x4000, s13;
	s14 =	sadd.s32 @!p1 s15, s14;
	s15 =	simm.s32 @!p1 $0x0  }
0x18: {  	[tilespmem:s13], [sflag:$0x1] =	stream.linear.gather @!p1 [hbm4b:s14+s15], $0x4000, $0x38;
	[tilespmem:$0x10000] =	vst v63  }
0x19: {  	p1 =	seq.s32 s8, $0x0  }
0x1a: {  	p2 =	seq.s32 @!p1 s8, $0x1C1  }
0x1b: {  	p1 =	por p1, p2  }
.Ltmp2:
0x1c: {  	_ = 	snop;
	(pc) =	sbr.rel @p1 .LBB1_7-.Ltmp2, $1  }
0x1d: {  	_ =	sdelay $0x3  }
0x1e: {  	s13 =	simm.s32 $0x1;
	_ =	swait.ge [sflag:s4], $0x4000;
	s16 =	sshll.u32 s8, $0xE  }
0x1f: {  	s13 =	simm.s32 @!p0 $0x0;
	[sflag:s4] =	ssyncset.done $0x0;
	s31 =	sand.u32 $0x4000, s16  }
0x20: {  	s16 =	simm.s32 $0x0;
	s14 =	sshll.u32 s13, $0xE;
	[sflag:s4] =	ssyncadd.s32 $0xFFFFC000  }
0x21: {  	s13 =	sor.u32 $0x8040, s14;
	s15 =	sor.u32 $0x40, s14;
	s14 =	sor.u32 $0x8000, s31  }
.LBB1_3:
0x22: {  	v0 =	vmov s15;
	_ =	sdelay $0x3  }
0x23: {  	s18 =	simm.s32 $0x0  }
0x24: {  	v6 =	vld.idx.msk [tilespmem:v0+s18+$0x30 ss:$0x1], $0xffff  }
0x25: {  	v7 =	vld.idx.msk [tilespmem:v0+s18+$0xFFFFFFC0 ss:$0x1], $0xffff  }
0x26: {  	v5 =	vld.idx.msk [tilespmem:v0+s18+$0xFFFFFFD0 ss:$0x1], $0xffff  }
0x27: {  	v4 =	vld.idx.msk [tilespmem:v0+s18+$0xFFFFFFE0 ss:$0x1], $0xffff  }
0x28: {  	v3 =	vld.idx.msk [tilespmem:v0+s18+$0xFFFFFFF0 ss:$0x1], $0xffff  }
0x29: {  	v1 =	vld.idx.msk [tilespmem:v0+s18+$0x0 ss:$0x1], $0xffff  }
0x2a: {  	v2 =	vld.idx.msk [tilespmem:v0+s18+$0x10 ss:$0x1], $0xffff;
	[tilespmem:s13+$0x30] =	vst v6  }
0x2b: {  	s17 =	simm.s32 $0x80;
	s19 =	simm.s32 $0x400;
	[tilespmem:s13+$0xFFFFFFC0] =	vst v7;
	v6 =	vld.idx.msk [tilespmem:v0+s18+$0x20 ss:$0x1], $0xffff;
	s18 =	smov.u32 s13  }
.LBB1_4:
0x2c: {  	p1 =	sne.s32 s19, $0xE00;
	v7 =	vld.idx.msk [tilespmem:v0+s17+$0x30 ss:$0x1], $0xffff;
	[tilespmem:s18+$0xFFFFFFD0] =	vst v5  }
0x2d: {  	v8 =	vld.idx.msk [tilespmem:v0+s17+$0xFFFFFFC0 ss:$0x1], $0xffff;
	[tilespmem:s18+$0xFFFFFFE0] =	vst v4  }
0x2e: {  	v5 =	vld.idx.msk [tilespmem:v0+s17+$0xFFFFFFD0 ss:$0x1], $0xffff;
	[tilespmem:s18+$0xFFFFFFF0] =	vst v3  }
.Ltmp3:
0x2f: {  	v4 =	vld.idx.msk [tilespmem:v0+s17+$0xFFFFFFE0 ss:$0x1], $0xffff;
	[tilespmem:s18+$0x0] =	vst v1;
	(pc) =	sbr.rel @p1 .LBB1_4-.Ltmp3, $4  }
0x30: {  	v3 =	vld.idx.msk [tilespmem:v0+s17+$0xFFFFFFF0 ss:$0x1], $0xffff;
	[tilespmem:s18+$0x10] =	vst v2  }
0x31: {  	v1 =	vld.idx.msk [tilespmem:v0+s17+$0x0 ss:$0x1], $0xffff;
	[tilespmem:s18+$0x20] =	vst v6;
	s18 =	sadd.s32 $0x800, s18  }
0x32: {  	v2 =	vld.idx.msk [tilespmem:v0+s17+$0x10 ss:$0x1], $0xffff;
	[tilespmem:s18+$0x30] =	vst v7  }
0x33: {  	[tilespmem:s18+$0xFFFFFFC0] =	vst v8;
	v6 =	vld.idx.msk [tilespmem:v0+s17+$0x20 ss:$0x1], $0xffff;
	s17 =	sshra.s32 s19, $0x2;
	s19 =	sadd.s32 $0x200, s19  }
0x34: {  	_ =	sdelay $0x2  }
0x35: {  	[tilespmem:s18+$0xFFFFFFD0] =	vst v5  }
0x36: {  	v56 =	vld.idx.msk [tilespmem:v0+s17+$0x30 ss:$0x1], $0xffff;
	[tilespmem:s18+$0xFFFFFFE0] =	vst v4  }
0x37: {  	v57 =	vld.idx.msk [tilespmem:v0+s17+$0xFFFFFFC0 ss:$0x1], $0xffff;
	[tilespmem:s18+$0xFFFFFFF0] =	vst v3  }
0x38: {  	v58 =	vld.idx.msk [tilespmem:v0+s17+$0xFFFFFFD0 ss:$0x1], $0xffff;
	[tilespmem:s18+$0x0] =	vst v1  }
0x39: {  	v59 =	vld.idx.msk [tilespmem:v0+s17+$0xFFFFFFE0 ss:$0x1], $0xffff;
	[tilespmem:s18+$0x10] =	vst v2  }
0x3a: {  	v60 =	vld.idx.msk [tilespmem:v0+s17+$0xFFFFFFF0 ss:$0x1], $0xffff;
	s31 =	sadd.s32 $0x800, s18;
	[tilespmem:s18+$0x20] =	vst v6  }
0x3b: {  	v61 =	vld.idx.msk [tilespmem:v0+s17+$0x0 ss:$0x1], $0xffff;
	[tilespmem:s31+$0x30] =	vst v56  }
0x3c: {  	v62 =	vld.idx.msk [tilespmem:v0+s17+$0x10 ss:$0x1], $0xffff;
	s16 =	sadd.s32 $0x1, s16;
	[tilespmem:s31+$0xFFFFFFC0] =	vst v57  }
0x3d: {  	v63 =	vld.idx.msk [tilespmem:v0+s17+$0x20 ss:$0x1], $0xffff;
	p1 =	sne.s32 s16, $0x10;
	[tilespmem:s31+$0xFFFFFFD0] =	vst v58  }
.Ltmp4:
0x3e: {  	[tilespmem:s31+$0xFFFFFFE0] =	vst v59;
	(pc) =	sbr.rel @p1 .LBB1_3-.Ltmp4, $4  }
0x3f: {  	[tilespmem:s31+$0xFFFFFFF0] =	vst v60  }
0x40: {  	[tilespmem:s31+$0x0] =	vst v61  }
0x41: {  	[tilespmem:s31+$0x10] =	vst v62  }
0x42: {  	s13 =	sadd.s32 $0x80, s13;
	s15 =	sadd.s32 $0x400, s15;
	[tilespmem:s31+$0x20] =	vst v63  }
.Ltmp5:
0x43: {  	(pc) =	sbr.rel .LBB1_7-.Ltmp5, $4  }
0x44: {  	s12 =	sshll.u32 s12, $0x10;
	s11 =	sshll.u32 s11, $0x4  }
0x45: {  	s11 =	sand.u32 $0x1FF0, s11;
	s12 =	sadd.s32 s3, s12  }
0x46: {  	s11 =	sadd.s32 s11, s12  }
0x47: {  	[hbm4b:s11+s6] =	stream.strided.scatter [tilespmem:s14], [sflag:$0x2], $0x4000, s7, s6, $0x38;
	[tilespmem:$0x10000] =	vst v63  }
.LBB1_8:
0x48: {  	_ =	sfence.sel $0x180000  }
0x49: {  	s2 =	simm.s32 $0x1;
	[bflag:$0x0] =	sbarrier.arrive $0xFFFF  }
0x4a: {  	s31 =	simm.s32 $0x2;
	[sflag:s2] =	ssyncpa.u1 $0x1  }
0x4b: {  	[sflag:s31] =	ssyncpa.u1 $0x1  }
0x4c: {  	p0 =	sne.s32 s1, $0x0;
	_ =	strace $0x90000047  }
0x4d: {  	s0 =	sadd.s32 @!p0 $0x100000, s0;
	[bflag:$0x2] =	sbarrier.arrive $0xFFFF  }
0x4e: {  	[sflag:s0] =	ssyncadd.tile.s32 @!p0 $0x1;
	_ =	shalt  }
.Lfunc_end1:
_tile_overlayer_lowered:
.L_overlay_start_2:
0x4f: {  	(tag) =	ssettag $0x2  }
0x50: {  	s0 =	rddreg [dreg:$0x0];
	s2 =	stileid.u32  }
0x51: {  	s1 =	rddreg [dreg:$0x1];
	p0 =	sne.s32 s2, $0x0  }
0x52: {  	s3 =	rddreg [dreg:$0x2];
	[bflag:$0x3] =	sbarrier.arrive $0xFFFF;
	s2 =	simm.s32 @!p0 $0x1C01  }
0x53: {  	[timem:s3], [sflag:s2] =	dma.local @!p0 [hbm:s0], s1  }
0x54: {  	s0 =	simm.s32 @!p0 $0x1  }
0x55: {  	_ =	swait.ge @!p0 [sflag:s0], s1  }
0x56: {  	s1 =	ssub.s32 @!p0 $0x0, s1;
	[sflag:s0] =	ssyncset.done @!p0 $0x0  }
0x57: {  	[sflag:s0] =	ssyncadd.s32 @!p0 s1  }
0x58: {  	[bflag:$0x3] =	sbarrier.arrive $0xFFFF  }
0x59: {  	_ =	shalt  }

</sc_bundles>
